<compile_context>
chip_gen: v7x
topology: tpu7x:2x2x1
jax: 0.10.2.dev20260603
libtpu: 0.0.44.dev20260713+nightly
codegen_flags: <defaults>
</compile_context>

<pallas_src>
import functools

import jax
import jax.numpy as jnp
from jax import lax
from jax.experimental import pallas as pl
from jax.experimental.pallas import tpu as pltpu
from jax.experimental.pallas import tpu_sc as plsc

_R = 0.1
_MARGIN = 0.15
_N = 4096
_NW = 16
_PPT = _N // _NW
_NBINS = 64
_BI = 512
_CH = 512
_CIN = 64
_COUT = 64

_mesh = plsc.VectorSubcoreMesh(core_axis_name="c", subcore_axis_name="s",
                               num_cores=1)


@functools.partial(
    pl.kernel,
    out_type=(
        jax.ShapeDtypeStruct((_N, 16), jnp.float32),
        jax.ShapeDtypeStruct((_N, _CIN), jnp.float32),
        jax.ShapeDtypeStruct((_N,), jnp.int32),
    ),
    mesh=_mesh,
    scratch_types=[
        pltpu.VMEM((_PPT,), jnp.float32),
        pltpu.VMEM((_PPT,), jnp.int32),
        pltpu.VMEM((16 * _NBINS,), jnp.int32),
        pltpu.VMEM((_NBINS,), jnp.int32),
        pltpu.VMEM((_NW, _NBINS), jnp.int32),
        pltpu.VMEM((_NBINS,), jnp.int32),
        pltpu.VMEM((_PPT,), jnp.int32),
        pltpu.VMEM((_PPT, 16), jnp.float32),
        pltpu.VMEM((_PPT, _CIN), jnp.float32),
        pltpu.VMEM_SHARED((_NW, _NBINS), jnp.int32),
        pltpu.SemaphoreType.DMA,
    ],
    compiler_params=pltpu.CompilerParams(needs_layout_passes=False, use_tc_tiling_on_sc=False),
)
def _binperm(x_hbm, pr_hbm, dT_hbm,
             prs_hbm, dTs_hbm, rank_hbm,
             x_v, bins_v, lhist_v, hist_v, hists_v, off_v, dst_v, prr_v, dTr_v,
             hists_sh, sem):
    wid = lax.axis_index("s")
    base = wid * _PPT

    pltpu.sync_copy(x_hbm.at[pl.ds(base, _PPT)], x_v)

    zero16 = jnp.zeros((16,), jnp.int32)
    for k in range(16 * _NBINS // 16):
        lhist_v[pl.ds(k * 16, 16)] = zero16
    ones16 = jnp.ones((16,), jnp.int32)
    lane16 = lax.iota(jnp.int32, 16) * _NBINS
    for k in range(_PPT // 16):
        xv = x_v[pl.ds(k * 16, 16)]
        bv = (xv * float(_NBINS)).astype(jnp.int32)
        bv = jnp.minimum(jnp.maximum(bv, 0), _NBINS - 1)
        bins_v[pl.ds(k * 16, 16)] = bv
        plsc.addupdate_scatter(lhist_v, [lane16 + bv], ones16)
    for c in range(_NBINS // 16):
        acc = zero16
        for l in range(16):
            acc = acc + lhist_v[pl.ds(l * _NBINS + c * 16, 16)]
        hist_v[pl.ds(c * 16, 16)] = acc

    pltpu.sync_copy(hist_v, hists_sh.at[wid])
    plsc.subcore_barrier()
    pltpu.sync_copy(hists_sh, hists_v)

    carry = jnp.zeros((), jnp.int32)
    for k in range(_NBINS // 16):
        tot = jnp.zeros((16,), jnp.int32)
        pre = jnp.zeros((16,), jnp.int32)
        for t in range(_NW):
            h = hists_v[t, pl.ds(k * 16, 16)]
            tot = tot + h
            sel = jnp.asarray(t < wid, jnp.int32)
            pre = pre + h * sel
        incl = plsc.cumsum(tot)
        excl = incl - tot
        off_v[pl.ds(k * 16, 16)] = excl + pre + carry
        carry = carry + jnp.sum(tot)

    lane0 = lax.iota(jnp.int32, 16) == 0

    def place(p, _):
        pv = jnp.full((16,), p, jnp.int32)
        bv = plsc.load_gather(bins_v, [pv])
        ov = plsc.load_gather(off_v, [bv])
        plsc.store_scatter(off_v, [bv], ov + 1, mask=lane0)
        plsc.store_scatter(dst_v, [pv], ov, mask=lane0)
        return 0
    lax.fori_loop(0, _PPT, place, 0)

    pltpu.sync_copy(pr_hbm.at[pl.ds(base, _PPT)], prr_v)
    pltpu.sync_copy(dT_hbm.at[pl.ds(base, _PPT)], dTr_v)
    pltpu.async_copy(prr_v, prs_hbm.at[dst_v], sem).wait()
    pltpu.async_copy(dTr_v, dTs_hbm.at[dst_v], sem).wait()
    pltpu.sync_copy(dst_v, rank_hbm.at[pl.ds(base, _PPT)])


def _windowed_body(prb_ref, posT_ref, xc_ref, xr_ref, p2c_ref, p2r_ref,
                   dTs_ref, w2T_ref, bias_ref, out_ref, wdT_ref):
    @pl.when(pl.program_id(0) == 0)
    def _():
        wdT_ref[...] = jnp.dot(dTs_ref[...], w2T_ref[...],
                               preferred_element_type=jnp.float32,
                               precision=jax.lax.Precision.HIGHEST)

    pos_b = prb_ref[...]
    xblk = xc_ref[...]
    p2c = p2c_ref[...]
    bmin = jnp.floor((jnp.min(xblk) - _MARGIN) * float(_NBINS))
    bmax = jnp.floor((jnp.max(xblk) + _MARGIN) * float(_NBINS))
    ball = jnp.floor(xr_ref[...] * float(_NBINS))
    jlo = jnp.sum((ball < bmin).astype(jnp.int32))
    jhi = jnp.sum((ball <= bmax).astype(jnp.int32))

    out_ref[...] = jnp.zeros_like(out_ref) + bias_ref[...]
    for k in range(_N // _CH):
        js = k * _CH

        @pl.when((js + _CH > jlo) & (js < jhi))
        def _():
            cross = jax.lax.dot_general(
                pos_b, posT_ref[:, pl.ds(js, _CH)], (((1,), (0,)), ((), ())),
                preferred_element_type=jnp.float32)
            d2 = jnp.maximum(
                (p2c + p2r_ref[:, pl.ds(js, _CH)]) - 2.0 * cross, 0.0)
            dist = jnp.sqrt(d2)
            t = jnp.maximum(1.0 - dist * (1.0 / _R), 0.0)
            w = t * t * t
            out_ref[...] += jax.lax.dot_general(
                w, wdT_ref[pl.ds(js, _CH), :], (((1,), (0,)), ((), ())),
                preferred_element_type=jnp.float32)


def _windowed(pos4s, xcol, p2s, dTs, w2T, bias_row):
    return pl.pallas_call(
        _windowed_body,
        grid=(_N // _BI,),
        in_specs=[
            pl.BlockSpec((_BI, 4), lambda i: (i, 0)),
            pl.BlockSpec((4, _N), lambda i: (0, 0)),
            pl.BlockSpec((_BI, 1), lambda i: (i, 0)),
            pl.BlockSpec((1, _N), lambda i: (0, 0)),
            pl.BlockSpec((_BI, 1), lambda i: (i, 0)),
            pl.BlockSpec((1, _N), lambda i: (0, 0)),
            pl.BlockSpec((_N, _CIN), lambda i: (0, 0)),
            pl.BlockSpec((_CIN, _COUT), lambda i: (0, 0)),
            pl.BlockSpec((1, _COUT), lambda i: (0, 0)),
        ],
        out_specs=pl.BlockSpec((_BI, _COUT), lambda i: (i, 0)),
        out_shape=jax.ShapeDtypeStruct((_N, _COUT), jnp.float32),
        scratch_shapes=[pltpu.VMEM((_N, _COUT), jnp.float32)],
        compiler_params=pltpu.CompilerParams(allow_input_fusion=[True] * 9),
    )(pos4s, pos4s.T, xcol, xcol.reshape(1, _N), p2s, p2s.reshape(1, _N),
      dTs, w2T, bias_row)


@functools.partial(
    pl.kernel,
    out_type=jax.ShapeDtypeStruct((_N, _COUT), jnp.float32),
    mesh=_mesh,
    scratch_types=[
        pltpu.VMEM((_PPT,), jnp.int32),
        pltpu.VMEM((_PPT, _COUT), jnp.float32),
        pltpu.SemaphoreType.DMA,
    ],
    compiler_params=pltpu.CompilerParams(needs_layout_passes=False, use_tc_tiling_on_sc=False),
)
def _gatherback(outs_hbm, rank_hbm, outT_hbm, idx_v, rows_v, sem):
    wid = lax.axis_index("s")
    base = wid * _PPT
    pltpu.sync_copy(rank_hbm.at[pl.ds(base, _PPT)], idx_v)
    pltpu.async_copy(outs_hbm.at[idx_v], rows_v, sem).wait()
    pltpu.sync_copy(rows_v, outT_hbm.at[pl.ds(base, _PPT)])


def kernel(locs, data, density, weight, bias):
    B, N, _ = locs.shape
    pos = locs[0, :, :3]
    x = pos[:, 0]
    zcol = jnp.zeros((N, 1), jnp.float32)
    p2 = jnp.sum(pos * pos, axis=1, keepdims=True)
    pr = jnp.concatenate(
        [pos, zcol, p2, jnp.zeros((N, 11), jnp.float32)], axis=1)
    dT = (data[0] / density.reshape(1, N)).T
    w2T = weight[:, :, 0].T
    bias_row = bias.reshape(1, _COUT)

    prs, dTs, rank = _binperm(x, pr, dT)
    pos4s = prs[:, :4]
    outs = _windowed(pos4s, prs[:, 0:1], prs[:, 4:5], dTs, w2T, bias_row)
    outT = _gatherback(outs, rank)
    return outT.T.reshape(B, _COUT, N)

# --- scband reference (transcript-rebuilt; emitter-appended) ---
"""Pipeline reference for scband-conv-sp-15367392985318 (READ-ONLY COPY).

The authoritative reference and input builder live on the scoring server;
editing this copy changes nothing except your own understanding.
"""

import jax, jax.numpy as jnp
import numpy as np

RADIUS = 0.1
NDIM = 3
KERNEL_SIZE = [1, 1, 1]
DILATION = [0.05, 0.05, 0.05]
IN_CHANNELS = 64
OUT_CHANNELS = 64
NCELLS = 1


def _cell_offsets():
    axes = [(np.arange(ks) - (ks - 1) / 2.0) * dil for ks, dil in zip(KERNEL_SIZE, DILATION)]
    grid = np.stack(np.meshgrid(*axes, indexing='ij'), axis=-1).reshape(-1, NDIM)
    return jnp.asarray(grid, dtype=jnp.float32)


def setup_inputs(seed: int = 0):
    key = jax.random.key(seed)
    k1, k2, k3, k4 = jax.random.split(key, 4)
    B, N = 1, 4096
    locs = jax.random.uniform(k1, (B, N, NDIM + 1), dtype=jnp.float32)
    data = jax.random.normal(k2, (B, IN_CHANNELS, N), dtype=jnp.float32)
    density = jnp.ones((B, N), dtype=jnp.float32)
    weight = jax.random.normal(k3, (OUT_CHANNELS, IN_CHANNELS, NCELLS), dtype=jnp.float32) * 0.05
    bias = jax.random.normal(k4, (OUT_CHANNELS,), dtype=jnp.float32) * 0.05
    return {"locs": locs, "data": data, "density": density, "weight": weight, "bias": bias}


def reference(locs, data, density, weight, bias):
    # Smooth Particle Convolution (SPH-style field evaluation at kernel cells).
    # For each particle i and kernel cell c (offset r_c), evaluate the feature
    # field at x_i + r_c as a density-normalized, kernel-weighted sum over all
    # particles j within `radius`, then contract with the learned weights.
    offsets = _cell_offsets()  # [ncells, ndim]
    pos = locs[..., :NDIM]  # [B, N, ndim]
    qpos = pos[:, :, None, :] + offsets[None, None, :, :]  # [B, N, ncells, ndim]
    q2 = jnp.sum(qpos * qpos, axis=-1)  # [B, N, ncells]
    p2 = jnp.sum(pos * pos, axis=-1)  # [B, N]
    cross = jnp.einsum('bikd,bjd->bikj', qpos, pos)  # [B, Ni, ncells, Nj]
    d2 = jnp.maximum(q2[..., None] + p2[:, None, None, :] - 2.0 * cross, 0.0)
    d = jnp.sqrt(d2)
    # cubic falloff smoothing kernel with compact support `radius`
    w = jnp.where(d < RADIUS, (1.0 - d / RADIUS) ** 3, 0.0)
    coef = w / density[:, None, None, :]  # SPH normalization by density_j
    feat = jnp.einsum('bcj,bikj->bcik', data, coef)  # [B, C, Ni, ncells]
    out = jnp.einsum('ock,bcik->boi', weight, feat) + bias[None, :, None]
    return out

if __name__ == "__main__":
    import jax
    _d = setup_inputs()
    print(jax.jit(kernel)(*tuple(_d.values())))

</pallas_src>

<mosaic_0001>
#map = affine_map<(d0, d1) -> (0, 0)>
#map1 = affine_map<(d0, d1) -> (0)>
module attributes {stable_mosaic.version = 14 : i64} {
  func.func @_gatherback(%arg0: i32, %arg1: i32, %arg2: memref<4096x64xf32, #tpu.memory_space<hbm>>, %arg3: memref<4096xi32, #tpu.memory_space<hbm>>, %arg4: memref<4096x64xf32, #tpu.memory_space<hbm>>, %arg5: memref<256xi32, #tpu.memory_space<vmem>>, %arg6: memref<256x64xf32, #tpu.memory_space<vmem>>, %arg7: memref<!tpu.dma_semaphore, #tpu.memory_space<semaphore_mem>>) attributes {dimension_semantics = [#tpu.dimension_semantics<core_parallel>, #tpu.dimension_semantics<subcore_parallel>], iteration_bounds = array<i64: 1, 16>, scalar_prefetch = 0 : i64, scratch_operands = 3 : i64, tpu.core_type = #tpu.core_type<sc_vector_subcore>, window_params = [{transform_indices = #map}, {transform_indices = #map1}, {transform_indices = #map}]} {
    %mul3A = arith.constant 256 : i32
    %mul3A_0 = arith.muli %arg1, %mul3A : i32
    "tpu.region"() ({
      %run_scoped3A = tpu.sem_alloc : memref<!tpu.dma_semaphore, #tpu.memory_space<semaphore_mem>>
      %dma_start3A_5 = tpu.memref_slice %arg3[%mul3A_0] : memref<4096xi32, #tpu.memory_space<hbm>> -> memref<256xi32, #tpu.memory_space<hbm>>
      %dma_start3A_6 = tpu.memref_slice %arg3[%mul3A_0] : memref<4096xi32, #tpu.memory_space<hbm>> -> memref<256xi32, #tpu.memory_space<hbm>>
      tpu.enqueue_dma source(%dma_start3A_6 : memref<256xi32, #tpu.memory_space<hbm>>) target(%arg5 : memref<256xi32, #tpu.memory_space<vmem>>) target_semaphore(%run_scoped3A : memref<!tpu.dma_semaphore, #tpu.memory_space<semaphore_mem>>)
      %dma_wait3A_7 = tpu.memref_slice %arg3[%mul3A_0] : memref<4096xi32, #tpu.memory_space<hbm>> -> memref<256xi32, #tpu.memory_space<hbm>>
      %dma_wait3A_8 = tpu.memref_slice %arg3[%mul3A_0] : memref<4096xi32, #tpu.memory_space<hbm>> -> memref<256xi32, #tpu.memory_space<hbm>>
      tpu.wait_dma2 semaphore(%run_scoped3A : memref<!tpu.dma_semaphore, #tpu.memory_space<semaphore_mem>>) src(%dma_wait3A_8 : memref<256xi32, #tpu.memory_space<hbm>>) dst(%arg5 : memref<256xi32, #tpu.memory_space<vmem>>)
      tpu.yield
    }) : () -> ()
    %dma_start3A = arith.constant 0 : i32
    %dma_start3A_1 = arith.constant 0 : i32
    %dma_start3A_2 = tpu.memref_slice %arg2[%dma_start3A, %dma_start3A_1] : memref<4096x64xf32, #tpu.memory_space<hbm>> -> memref<4096x64xf32, #tpu.memory_space<hbm>>
    tpu.enqueue_indirect_dma source(%dma_start3A_2 : memref<4096x64xf32, #tpu.memory_space<hbm>>) target(%arg6 : memref<256x64xf32, #tpu.memory_space<vmem>>) offsets(%arg5 : memref<256xi32, #tpu.memory_space<vmem>>) semaphore(%arg7 : memref<!tpu.dma_semaphore, #tpu.memory_space<semaphore_mem>>)
    %dma_wait3A = arith.constant 0 : i32
    %dma_wait3A_3 = arith.constant 0 : i32
    %dma_wait3A_4 = tpu.memref_slice %arg2[%dma_wait3A, %dma_wait3A_3] : memref<4096x64xf32, #tpu.memory_space<hbm>> -> memref<4096x64xf32, #tpu.memory_space<hbm>>
    tpu.wait_indirect_dma semaphore(%arg7 : memref<!tpu.dma_semaphore, #tpu.memory_space<semaphore_mem>>) src(%dma_wait3A_4 : memref<4096x64xf32, #tpu.memory_space<hbm>>) dst(%arg6 : memref<256x64xf32, #tpu.memory_space<vmem>>)
    "tpu.region"() ({
      %run_scoped3A = tpu.sem_alloc : memref<!tpu.dma_semaphore, #tpu.memory_space<semaphore_mem>>
      %dma_start3A_5 = arith.constant 0 : i32
      %dma_start3A_6 = tpu.memref_slice %arg4[%mul3A_0, %dma_start3A_5] : memref<4096x64xf32, #tpu.memory_space<hbm>> -> memref<256x64xf32, #tpu.memory_space<hbm>>
      %dma_start3A_7 = arith.constant 0 : i32
      %dma_start3A_8 = tpu.memref_slice %arg4[%mul3A_0, %dma_start3A_7] : memref<4096x64xf32, #tpu.memory_space<hbm>> -> memref<256x64xf32, #tpu.memory_space<hbm>>
      tpu.enqueue_dma source(%arg6 : memref<256x64xf32, #tpu.memory_space<vmem>>) target(%dma_start3A_8 : memref<256x64xf32, #tpu.memory_space<hbm>>) target_semaphore(%run_scoped3A : memref<!tpu.dma_semaphore, #tpu.memory_space<semaphore_mem>>)
      %dma_wait3A_9 = arith.constant 0 : i32
      %dma_wait3A_10 = tpu.memref_slice %arg4[%mul3A_0, %dma_wait3A_9] : memref<4096x64xf32, #tpu.memory_space<hbm>> -> memref<256x64xf32, #tpu.memory_space<hbm>>
      %dma_wait3A_11 = arith.constant 0 : i32
      %dma_wait3A_12 = tpu.memref_slice %arg4[%mul3A_0, %dma_wait3A_11] : memref<4096x64xf32, #tpu.memory_space<hbm>> -> memref<256x64xf32, #tpu.memory_space<hbm>>
      tpu.wait_dma2 semaphore(%run_scoped3A : memref<!tpu.dma_semaphore, #tpu.memory_space<semaphore_mem>>) src(%arg6 : memref<256x64xf32, #tpu.memory_space<vmem>>) dst(%dma_wait3A_12 : memref<256x64xf32, #tpu.memory_space<hbm>>)
      tpu.yield
    }) : () -> ()
    return
  }
}

#map = affine_map<(d0, d1) -> (0)>
#map1 = affine_map<(d0, d1) -> (0, 0)>
module attributes {stable_mosaic.version = 14 : i64} {
  func.func @_binperm(%arg0: i32, %arg1: i32, %arg2: memref<4096xf32, #tpu.memory_space<hbm>>, %arg3: memref<4096x16xf32, #tpu.memory_space<hbm>>, %arg4: memref<4096x64xf32, #tpu.memory_space<hbm>>, %arg5: memref<4096x16xf32, #tpu.memory_space<hbm>>, %arg6: memref<4096x64xf32, #tpu.memory_space<hbm>>, %arg7: memref<4096xi32, #tpu.memory_space<hbm>>, %arg8: memref<256xf32, #tpu.memory_space<vmem>>, %arg9: memref<256xi32, #tpu.memory_space<vmem>>, %arg10: memref<1024xi32, #tpu.memory_space<vmem>>, %arg11: memref<64xi32, #tpu.memory_space<vmem>>, %arg12: memref<16x64xi32, #tpu.memory_space<vmem>>, %arg13: memref<64xi32, #tpu.memory_space<vmem>>, %arg14: memref<256xi32, #tpu.memory_space<vmem>>, %arg15: memref<256x16xf32, #tpu.memory_space<vmem>>, %arg16: memref<256x64xf32, #tpu.memory_space<vmem>>, %arg17: memref<16x64xi32, #tpu.memory_space<vmem_shared>>, %arg18: memref<!tpu.dma_semaphore, #tpu.memory_space<semaphore_mem>>) attributes {dimension_semantics = [#tpu.dimension_semantics<core_parallel>, #tpu.dimension_semantics<subcore_parallel>], iteration_bounds = array<i64: 1, 16>, scalar_prefetch = 0 : i64, scratch_operands = 11 : i64, tpu.core_type = #tpu.core_type<sc_vector_subcore>, window_params = [{transform_indices = #map}, {transform_indices = #map1}, {transform_indices = #map1}, {transform_indices = #map1}, {transform_indices = #map1}, {transform_indices = #map}]} {
    %mul3A = arith.constant 256 : i32
    %mul3A_0 = arith.muli %arg1, %mul3A : i32
    "tpu.region"() ({
      %run_scoped3A = tpu.sem_alloc : memref<!tpu.dma_semaphore, #tpu.memory_space<semaphore_mem>>
      %dma_start3A_1362 = tpu.memref_slice %arg2[%mul3A_0] : memref<4096xf32, #tpu.memory_space<hbm>> -> memref<256xf32, #tpu.memory_space<hbm>>
      %dma_start3A_1363 = tpu.memref_slice %arg2[%mul3A_0] : memref<4096xf32, #tpu.memory_space<hbm>> -> memref<256xf32, #tpu.memory_space<hbm>>
      tpu.enqueue_dma source(%dma_start3A_1363 : memref<256xf32, #tpu.memory_space<hbm>>) target(%arg8 : memref<256xf32, #tpu.memory_space<vmem>>) target_semaphore(%run_scoped3A : memref<!tpu.dma_semaphore, #tpu.memory_space<semaphore_mem>>)
      %dma_wait3A_1364 = tpu.memref_slice %arg2[%mul3A_0] : memref<4096xf32, #tpu.memory_space<hbm>> -> memref<256xf32, #tpu.memory_space<hbm>>
      %dma_wait3A_1365 = tpu.memref_slice %arg2[%mul3A_0] : memref<4096xf32, #tpu.memory_space<hbm>> -> memref<256xf32, #tpu.memory_space<hbm>>
      tpu.wait_dma2 semaphore(%run_scoped3A : memref<!tpu.dma_semaphore, #tpu.memory_space<semaphore_mem>>) src(%dma_wait3A_1365 : memref<256xf32, #tpu.memory_space<hbm>>) dst(%arg8 : memref<256xf32, #tpu.memory_space<vmem>>)
      tpu.yield
    }) : () -> ()
    %broadcast_in_dim3A = arith.constant 0 : i32
    %broadcast_in_dim3A_1 = vector.broadcast %broadcast_in_dim3A : i32 to vector<16xi32>
    %swap3A = arith.constant 0 : index
    %swap3A_2 = tpu.vector_load %arg10[%swap3A] {strides = array<i32>} : memref<1024xi32, #tpu.memory_space<vmem>>, vector<16xi32>,
    tpu.vector_store %arg10[%swap3A], %broadcast_in_dim3A_1 {strides = array<i32>} : memref<1024xi32, #tpu.memory_space<vmem>>, vector<16xi32>,
    %swap3A_3 = arith.constant 16 : index
    %swap3A_4 = tpu.vector_load %arg10[%swap3A_3] {strides = array<i32>} : memref<1024xi32, #tpu.memory_space<vmem>>, vector<16xi32>,
    tpu.vector_store %arg10[%swap3A_3], %broadcast_in_dim3A_1 {strides = array<i32>} : memref<1024xi32, #tpu.memory_space<vmem>>, vector<16xi32>,
    %swap3A_5 = arith.constant 32 : index
    %swap3A_6 = tpu.vector_load %arg10[%swap3A_5] {strides = array<i32>} : memref<1024xi32, #tpu.memory_space<vmem>>, vector<16xi32>,
    tpu.vector_store %arg10[%swap3A_5], %broadcast_in_dim3A_1 {strides = array<i32>} : memref<1024xi32, #tpu.memory_space<vmem>>, vector<16xi32>,
    %swap3A_7 = arith.constant 48 : index
    %swap3A_8 = tpu.vector_load %arg10[%swap3A_7] {strides = array<i32>} : memref<1024xi32, #tpu.memory_space<vmem>>, vector<16xi32>,
    tpu.vector_store %arg10[%swap3A_7], %broadcast_in_dim3A_1 {strides = array<i32>} : memref<1024xi32, #tpu.memory_space<vmem>>, vector<16xi32>,
    %swap3A_9 = arith.constant 64 : index
    %swap3A_10 = tpu.vector_load %arg10[%swap3A_9] {strides = array<i32>} : memref<1024xi32, #tpu.memory_space<vmem>>, vector<16xi32>,
    tpu.vector_store %arg10[%swap3A_9], %broadcast_in_dim3A_1 {strides = array<i32>} : memref<1024xi32, #tpu.memory_space<vmem>>, vector<16xi32>,
    %swap3A_11 = arith.constant 80 : index
    %swap3A_12 = tpu.vector_load %arg10[%swap3A_11] {strides = array<i32>} : memref<1024xi32, #tpu.memory_space<vmem>>, vector<16xi32>,
    tpu.vector_store %arg10[%swap3A_11], %broadcast_in_dim3A_1 {strides = array<i32>} : memref<1024xi32, #tpu.memory_space<vmem>>, vector<16xi32>,
    %swap3A_13 = arith.constant 96 : index
    %swap3A_14 = tpu.vector_load %arg10[%swap3A_13] {strides = array<i32>} : memref<1024xi32, #tpu.memory_space<vmem>>, vector<16xi32>,
    tpu.vector_store %arg10[%swap3A_13], %broadcast_in_dim3A_1 {strides = array<i32>} : memref<1024xi32, #tpu.memory_space<vmem>>, vector<16xi32>,
    %swap3A_15 = arith.constant 112 : index
    %swap3A_16 = tpu.vector_load %arg10[%swap3A_15] {strides = array<i32>} : memref<1024xi32, #tpu.memory_space<vmem>>, vector<16xi32>,
    tpu.vector_store %arg10[%swap3A_15], %broadcast_in_dim3A_1 {strides = array<i32>} : memref<1024xi32, #tpu.memory_space<vmem>>, vector<16xi32>,
    %swap3A_17 = arith.constant 128 : index
    %swap3A_18 = tpu.vector_load %arg10[%swap3A_17] {strides = array<i32>} : memref<1024xi32, #tpu.memory_space<vmem>>, vector<16xi32>,
    tpu.vector_store %arg10[%swap3A_17], %broadcast_in_dim3A_1 {strides = array<i32>} : memref<1024xi32, #tpu.memory_space<vmem>>, vector<16xi32>,
    %swap3A_19 = arith.constant 144 : index
    %swap3A_20 = tpu.vector_load %arg10[%swap3A_19] {strides = array<i32>} : memref<1024xi32, #tpu.memory_space<vmem>>, vector<16xi32>,
    tpu.vector_store %arg10[%swap3A_19], %broadcast_in_dim3A_1 {strides = array<i32>} : memref<1024xi32, #tpu.memory_space<vmem>>, vector<16xi32>,
    %swap3A_21 = arith.constant 160 : index
    %swap3A_22 = tpu.vector_load %arg10[%swap3A_21] {strides = array<i32>} : memref<1024xi32, #tpu.memory_space<vmem>>, vector<16xi32>,
    tpu.vector_store %arg10[%swap3A_21], %broadcast_in_dim3A_1 {strides = array<i32>} : memref<1024xi32, #tpu.memory_space<vmem>>, vector<16xi32>,
    %swap3A_23 = arith.constant 176 : index
    %swap3A_24 = tpu.vector_load %arg10[%swap3A_23] {strides = array<i32>} : memref<1024xi32, #tpu.memory_space<vmem>>, vector<16xi32>,
    tpu.vector_store %arg10[%swap3A_23], %broadcast_in_dim3A_1 {strides = array<i32>} : memref<1024xi32, #tpu.memory_space<vmem>>, vector<16xi32>,
    %swap3A_25 = arith.constant 192 : index
    %swap3A_26 = tpu.vector_load %arg10[%swap3A_25] {strides = array<i32>} : memref<1024xi32, #tpu.memory_space<vmem>>, vector<16xi32>,
    tpu.vector_store %arg10[%swap3A_25], %broadcast_in_dim3A_1 {strides = array<i32>} : memref<1024xi32, #tpu.memory_space<vmem>>, vector<16xi32>,
    %swap3A_27 = arith.constant 208 : index
    %swap3A_28 = tpu.vector_load %arg10[%swap3A_27] {strides = array<i32>} : memref<1024xi32, #tpu.memory_space<vmem>>, vector<16xi32>,
    tpu.vector_store %arg10[%swap3A_27], %broadcast_in_dim3A_1 {strides = array<i32>} : memref<1024xi32, #tpu.memory_space<vmem>>, vector<16xi32>,
    %swap3A_29 = arith.constant 224 : index
    %swap3A_30 = tpu.vector_load %arg10[%swap3A_29] {strides = array<i32>} : memref<1024xi32, #tpu.memory_space<vmem>>, vector<16xi32>,
    tpu.vector_store %arg10[%swap3A_29], %broadcast_in_dim3A_1 {strides = array<i32>} : memref<1024xi32, #tpu.memory_space<vmem>>, vector<16xi32>,
    %swap3A_31 = arith.constant 240 : index
    %swap3A_32 = tpu.vector_load %arg10[%swap3A_31] {strides = array<i32>} : memref<1024xi32, #tpu.memory_space<vmem>>, vector<16xi32>,
    tpu.vector_store %arg10[%swap3A_31], %broadcast_in_dim3A_1 {strides = array<i32>} : memref<1024xi32, #tpu.memory_space<vmem>>, vector<16xi32>,
    %swap3A_33 = arith.constant 256 : index
    %swap3A_34 = tpu.vector_load %arg10[%swap3A_33] {strides = array<i32>} : memref<1024xi32, #tpu.memory_space<vmem>>, vector<16xi32>,
    tpu.vector_store %arg10[%swap3A_33], %broadcast_in_dim3A_1 {strides = array<i32>} : memref<1024xi32, #tpu.memory_space<vmem>>, vector<16xi32>,
    %swap3A_35 = arith.constant 272 : index
    %swap3A_36 = tpu.vector_load %arg10[%swap3A_35] {strides = array<i32>} : memref<1024xi32, #tpu.memory_space<vmem>>, vector<16xi32>,
    tpu.vector_store %arg10[%swap3A_35], %broadcast_in_dim3A_1 {strides = array<i32>} : memref<1024xi32, #tpu.memory_space<vmem>>, vector<16xi32>,
    %swap3A_37 = arith.constant 288 : index
    %swap3A_38 = tpu.vector_load %arg10[%swap3A_37] {strides = array<i32>} : memref<1024xi32, #tpu.memory_space<vmem>>, vector<16xi32>,
    tpu.vector_store %arg10[%swap3A_37], %broadcast_in_dim3A_1 {strides = array<i32>} : memref<1024xi32, #tpu.memory_space<vmem>>, vector<16xi32>,
    %swap3A_39 = arith.constant 304 : index
    %swap3A_40 = tpu.vector_load %arg10[%swap3A_39] {strides = array<i32>} : memref<1024xi32, #tpu.memory_space<vmem>>, vector<16xi32>,
    tpu.vector_store %arg10[%swap3A_39], %broadcast_in_dim3A_1 {strides = array<i32>} : memref<1024xi32, #tpu.memory_space<vmem>>, vector<16xi32>,
    %swap3A_41 = arith.constant 320 : index
    %swap3A_42 = tpu.vector_load %arg10[%swap3A_41] {strides = array<i32>} : memref<1024xi32, #tpu.memory_space<vmem>>, vector<16xi32>,
    tpu.vector_store %arg10[%swap3A_41], %broadcast_in_dim3A_1 {strides = array<i32>} : memref<1024xi32, #tpu.memory_space<vmem>>, vector<16xi32>,
    %swap3A_43 = arith.constant 336 : index
    %swap3A_44 = tpu.vector_load %arg10[%swap3A_43] {strides = array<i32>} : memref<1024xi32, #tpu.memory_space<vmem>>, vector<16xi32>,
    tpu.vector_store %arg10[%swap3A_43], %broadcast_in_dim3A_1 {strides = array<i32>} : memref<1024xi32, #tpu.memory_space<vmem>>, vector<16xi32>,
    %swap3A_45 = arith.constant 352 : index
    %swap3A_46 = tpu.vector_load %arg10[%swap3A_45] {strides = array<i32>} : memref<1024xi32, #tpu.memory_space<vmem>>, vector<16xi32>,
    tpu.vector_store %arg10[%swap3A_45], %broadcast_in_dim3A_1 {strides = array<i32>} : memref<1024xi32, #tpu.memory_space<vmem>>, vector<16xi32>,
    %swap3A_47 = arith.constant 368 : index
    %swap3A_48 = tpu.vector_load %arg10[%swap3A_47] {strides = array<i32>} : memref<1024xi32, #tpu.memory_space<vmem>>, vector<16xi32>,
    tpu.vector_store %arg10[%swap3A_47], %broadcast_in_dim3A_1 {strides = array<i32>} : memref<1024xi32, #tpu.memory_space<vmem>>, vector<16xi32>,
    %swap3A_49 = arith.constant 384 : index
    %swap3A_50 = tpu.vector_load %arg10[%swap3A_49] {strides = array<i32>} : memref<1024xi32, #tpu.memory_space<vmem>>, vector<16xi32>,
    tpu.vector_store %arg10[%swap3A_49], %broadcast_in_dim3A_1 {strides = array<i32>} : memref<1024xi32, #tpu.memory_space<vmem>>, vector<16xi32>,
    %swap3A_51 = arith.constant 400 : index
    %swap3A_52 = tpu.vector_load %arg10[%swap3A_51] {strides = array<i32>} : memref<1024xi32, #tpu.memory_space<vmem>>, vector<16xi32>,
    tpu.vector_store %arg10[%swap3A_51], %broadcast_in_dim3A_1 {strides = array<i32>} : memref<1024xi32, #tpu.memory_space<vmem>>, vector<16xi32>,
    %swap3A_53 = arith.constant 416 : index
    %swap3A_54 = tpu.vector_load %arg10[%swap3A_53] {strides = array<i32>} : memref<1024xi32, #tpu.memory_space<vmem>>, vector<16xi32>,
    tpu.vector_store %arg10[%swap3A_53], %broadcast_in_dim3A_1 {strides = array<i32>} : memref<1024xi32, #tpu.memory_space<vmem>>, vector<16xi32>,
    %swap3A_55 = arith.constant 432 : index
    %swap3A_56 = tpu.vector_load %arg10[%swap3A_55] {strides = array<i32>} : memref<1024xi32, #tpu.memory_space<vmem>>, vector<16xi32>,
    tpu.vector_store %arg10[%swap3A_55], %broadcast_in_dim3A_1 {strides = array<i32>} : memref<1024xi32, #tpu.memory_space<vmem>>, vector<16xi32>,
    %swap3A_57 = arith.constant 448 : index
    %swap3A_58 = tpu.vector_load %arg10[%swap3A_57] {strides = array<i32>} : memref<1024xi32, #tpu.memory_space<vmem>>, vector<16xi32>,
    tpu.vector_store %arg10[%swap3A_57], %broadcast_in_dim3A_1 {strides = array<i32>} : memref<1024xi32, #tpu.memory_space<vmem>>, vector<16xi32>,
    %swap3A_59 = arith.constant 464 : index
    %swap3A_60 = tpu.vector_load %arg10[%swap3A_59] {strides = array<i32>} : memref<1024xi32, #tpu.memory_space<vmem>>, vector<16xi32>,
    tpu.vector_store %arg10[%swap3A_59], %broadcast_in_dim3A_1 {strides = array<i32>} : memref<1024xi32, #tpu.memory_space<vmem>>, vector<16xi32>,
    %swap3A_61 = arith.constant 480 : index
    %swap3A_62 = tpu.vector_load %arg10[%swap3A_61] {strides = array<i32>} : memref<1024xi32, #tpu.memory_space<vmem>>, vector<16xi32>,
    tpu.vector_store %arg10[%swap3A_61], %broadcast_in_dim3A_1 {strides = array<i32>} : memref<1024xi32, #tpu.memory_space<vmem>>, vector<16xi32>,
    %swap3A_63 = arith.constant 496 : index
    %swap3A_64 = tpu.vector_load %arg10[%swap3A_63] {strides = array<i32>} : memref<1024xi32, #tpu.memory_space<vmem>>, vector<16xi32>,
    tpu.vector_store %arg10[%swap3A_63], %broadcast_in_dim3A_1 {strides = array<i32>} : memref<1024xi32, #tpu.memory_space<vmem>>, vector<16xi32>,
    %swap3A_65 = arith.constant 512 : index
    %swap3A_66 = tpu.vector_load %arg10[%swap3A_65] {strides = array<i32>} : memref<1024xi32, #tpu.memory_space<vmem>>, vector<16xi32>,
    tpu.vector_store %arg10[%swap3A_65], %broadcast_in_dim3A_1 {strides = array<i32>} : memref<1024xi32, #tpu.memory_space<vmem>>, vector<16xi32>,
    %swap3A_67 = arith.constant 528 : index
    %swap3A_68 = tpu.vector_load %arg10[%swap3A_67] {strides = array<i32>} : memref<1024xi32, #tpu.memory_space<vmem>>, vector<16xi32>,
    tpu.vector_store %arg10[%swap3A_67], %broadcast_in_dim3A_1 {strides = array<i32>} : memref<1024xi32, #tpu.memory_space<vmem>>, vector<16xi32>,
    %swap3A_69 = arith.constant 544 : index
    %swap3A_70 = tpu.vector_load %arg10[%swap3A_69] {strides = array<i32>} : memref<1024xi32, #tpu.memory_space<vmem>>, vector<16xi32>,
    tpu.vector_store %arg10[%swap3A_69], %broadcast_in_dim3A_1 {strides = array<i32>} : memref<1024xi32, #tpu.memory_space<vmem>>, vector<16xi32>,
    %swap3A_71 = arith.constant 560 : index
    %swap3A_72 = tpu.vector_load %arg10[%swap3A_71] {strides = array<i32>} : memref<1024xi32, #tpu.memory_space<vmem>>, vector<16xi32>,
    tpu.vector_store %arg10[%swap3A_71], %broadcast_in_dim3A_1 {strides = array<i32>} : memref<1024xi32, #tpu.memory_space<vmem>>, vector<16xi32>,
    %swap3A_73 = arith.constant 576 : index
    %swap3A_74 = tpu.vector_load %arg10[%swap3A_73] {strides = array<i32>} : memref<1024xi32, #tpu.memory_space<vmem>>, vector<16xi32>,
    tpu.vector_store %arg10[%swap3A_73], %broadcast_in_dim3A_1 {strides = array<i32>} : memref<1024xi32, #tpu.memory_space<vmem>>, vector<16xi32>,
    %swap3A_75 = arith.constant 592 : index
    %swap3A_76 = tpu.vector_load %arg10[%swap3A_75] {strides = array<i32>} : memref<1024xi32, #tpu.memory_space<vmem>>, vector<16xi32>,
    tpu.vector_store %arg10[%swap3A_75], %broadcast_in_dim3A_1 {strides = array<i32>} : memref<1024xi32, #tpu.memory_space<vmem>>, vector<16xi32>,
    %swap3A_77 = arith.constant 608 : index
    %swap3A_78 = tpu.vector_load %arg10[%swap3A_77] {strides = array<i32>} : memref<1024xi32, #tpu.memory_space<vmem>>, vector<16xi32>,
    tpu.vector_store %arg10[%swap3A_77], %broadcast_in_dim3A_1 {strides = array<i32>} : memref<1024xi32, #tpu.memory_space<vmem>>, vector<16xi32>,
    %swap3A_79 = arith.constant 624 : index
    %swap3A_80 = tpu.vector_load %arg10[%swap3A_79] {strides = array<i32>} : memref<1024xi32, #tpu.memory_space<vmem>>, vector<16xi32>,
    tpu.vector_store %arg10[%swap3A_79], %broadcast_in_dim3A_1 {strides = array<i32>} : memref<1024xi32, #tpu.memory_space<vmem>>, vector<16xi32>,
    %swap3A_81 = arith.constant 640 : index
    %swap3A_82 = tpu.vector_load %arg10[%swap3A_81] {strides = array<i32>} : memref<1024xi32, #tpu.memory_space<vmem>>, vector<16xi32>,
    tpu.vector_store %arg10[%swap3A_81], %broadcast_in_dim3A_1 {strides = array<i32>} : memref<1024xi32, #tpu.memory_space<vmem>>, vector<16xi32>,
    %swap3A_83 = arith.constant 656 : index
    %swap3A_84 = tpu.vector_load %arg10[%swap3A_83] {strides = array<i32>} : memref<1024xi32, #tpu.memory_space<vmem>>, vector<16xi32>,
    tpu.vector_store %arg10[%swap3A_83], %broadcast_in_dim3A_1 {strides = array<i32>} : memref<1024xi32, #tpu.memory_space<vmem>>, vector<16xi32>,
    %swap3A_85 = arith.constant 672 : index
    %swap3A_86 = tpu.vector_load %arg10[%swap3A_85] {strides = array<i32>} : memref<1024xi32, #tpu.memory_space<vmem>>, vector<16xi32>,
    tpu.vector_store %arg10[%swap3A_85], %broadcast_in_dim3A_1 {strides = array<i32>} : memref<1024xi32, #tpu.memory_space<vmem>>, vector<16xi32>,
    %swap3A_87 = arith.constant 688 : index
    %swap3A_88 = tpu.vector_load %arg10[%swap3A_87] {strides = array<i32>} : memref<1024xi32, #tpu.memory_space<vmem>>, vector<16xi32>,
    tpu.vector_store %arg10[%swap3A_87], %broadcast_in_dim3A_1 {strides = array<i32>} : memref<1024xi32, #tpu.memory_space<vmem>>, vector<16xi32>,
    %swap3A_89 = arith.constant 704 : index
    %swap3A_90 = tpu.vector_load %arg10[%swap3A_89] {strides = array<i32>} : memref<1024xi32, #tpu.memory_space<vmem>>, vector<16xi32>,
    tpu.vector_store %arg10[%swap3A_89], %broadcast_in_dim3A_1 {strides = array<i32>} : memref<1024xi32, #tpu.memory_space<vmem>>, vector<16xi32>,
    %swap3A_91 = arith.constant 720 : index
    %swap3A_92 = tpu.vector_load %arg10[%swap3A_91] {strides = array<i32>} : memref<1024xi32, #tpu.memory_space<vmem>>, vector<16xi32>,
    tpu.vector_store %arg10[%swap3A_91], %broadcast_in_dim3A_1 {strides = array<i32>} : memref<1024xi32, #tpu.memory_space<vmem>>, vector<16xi32>,
    %swap3A_93 = arith.constant 736 : index
    %swap3A_94 = tpu.vector_load %arg10[%swap3A_93] {strides = array<i32>} : memref<1024xi32, #tpu.memory_space<vmem>>, vector<16xi32>,
    tpu.vector_store %arg10[%swap3A_93], %broadcast_in_dim3A_1 {strides = array<i32>} : memref<1024xi32, #tpu.memory_space<vmem>>, vector<16xi32>,
    %swap3A_95 = arith.constant 752 : index
    %swap3A_96 = tpu.vector_load %arg10[%swap3A_95] {strides = array<i32>} : memref<1024xi32, #tpu.memory_space<vmem>>, vector<16xi32>,
    tpu.vector_store %arg10[%swap3A_95], %broadcast_in_dim3A_1 {strides = array<i32>} : memref<1024xi32, #tpu.memory_space<vmem>>, vector<16xi32>,
    %swap3A_97 = arith.constant 768 : index
    %swap3A_98 = tpu.vector_load %arg10[%swap3A_97] {strides = array<i32>} : memref<1024xi32, #tpu.memory_space<vmem>>, vector<16xi32>,
    tpu.vector_store %arg10[%swap3A_97], %broadcast_in_dim3A_1 {strides = array<i32>} : memref<1024xi32, #tpu.memory_space<vmem>>, vector<16xi32>,
    %swap3A_99 = arith.constant 784 : index
    %swap3A_100 = tpu.vector_load %arg10[%swap3A_99] {strides = array<i32>} : memref<1024xi32, #tpu.memory_space<vmem>>, vector<16xi32>,
    tpu.vector_store %arg10[%swap3A_99], %broadcast_in_dim3A_1 {strides = array<i32>} : memref<1024xi32, #tpu.memory_space<vmem>>, vector<16xi32>,
    %swap3A_101 = arith.constant 800 : index
    %swap3A_102 = tpu.vector_load %arg10[%swap3A_101] {strides = array<i32>} : memref<1024xi32, #tpu.memory_space<vmem>>, vector<16xi32>,
    tpu.vector_store %arg10[%swap3A_101], %broadcast_in_dim3A_1 {strides = array<i32>} : memref<1024xi32, #tpu.memory_space<vmem>>, vector<16xi32>,
    %swap3A_103 = arith.constant 816 : index
    %swap3A_104 = tpu.vector_load %arg10[%swap3A_103] {strides = array<i32>} : memref<1024xi32, #tpu.memory_space<vmem>>, vector<16xi32>,
    tpu.vector_store %arg10[%swap3A_103], %broadcast_in_dim3A_1 {strides = array<i32>} : memref<1024xi32, #tpu.memory_space<vmem>>, vector<16xi32>,
    %swap3A_105 = arith.constant 832 : index
    %swap3A_106 = tpu.vector_load %arg10[%swap3A_105] {strides = array<i32>} : memref<1024xi32, #tpu.memory_space<vmem>>, vector<16xi32>,
    tpu.vector_store %arg10[%swap3A_105], %broadcast_in_dim3A_1 {strides = array<i32>} : memref<1024xi32, #tpu.memory_space<vmem>>, vector<16xi32>,
    %swap3A_107 = arith.constant 848 : index
    %swap3A_108 = tpu.vector_load %arg10[%swap3A_107] {strides = array<i32>} : memref<1024xi32, #tpu.memory_space<vmem>>, vector<16xi32>,
    tpu.vector_store %arg10[%swap3A_107], %broadcast_in_dim3A_1 {strides = array<i32>} : memref<1024xi32, #tpu.memory_space<vmem>>, vector<16xi32>,
    %swap3A_109 = arith.constant 864 : index
    %swap3A_110 = tpu.vector_load %arg10[%swap3A_109] {strides = array<i32>} : memref<1024xi32, #tpu.memory_space<vmem>>, vector<16xi32>,
    tpu.vector_store %arg10[%swap3A_109], %broadcast_in_dim3A_1 {strides = array<i32>} : memref<1024xi32, #tpu.memory_space<vmem>>, vector<16xi32>,
    %swap3A_111 = arith.constant 880 : index
    %swap3A_112 = tpu.vector_load %arg10[%swap3A_111] {strides = array<i32>} : memref<1024xi32, #tpu.memory_space<vmem>>, vector<16xi32>,
    tpu.vector_store %arg10[%swap3A_111], %broadcast_in_dim3A_1 {strides = array<i32>} : memref<1024xi32, #tpu.memory_space<vmem>>, vector<16xi32>,
    %swap3A_113 = arith.constant 896 : index
    %swap3A_114 = tpu.vector_load %arg10[%swap3A_113] {strides = array<i32>} : memref<1024xi32, #tpu.memory_space<vmem>>, vector<16xi32>,
    tpu.vector_store %arg10[%swap3A_113], %broadcast_in_dim3A_1 {strides = array<i32>} : memref<1024xi32, #tpu.memory_space<vmem>>, vector<16xi32>,
    %swap3A_115 = arith.constant 912 : index
    %swap3A_116 = tpu.vector_load %arg10[%swap3A_115] {strides = array<i32>} : memref<1024xi32, #tpu.memory_space<vmem>>, vector<16xi32>,
    tpu.vector_store %arg10[%swap3A_115], %broadcast_in_dim3A_1 {strides = array<i32>} : memref<1024xi32, #tpu.memory_space<vmem>>, vector<16xi32>,
    %swap3A_117 = arith.constant 928 : index
    %swap3A_118 = tpu.vector_load %arg10[%swap3A_117] {strides = array<i32>} : memref<1024xi32, #tpu.memory_space<vmem>>, vector<16xi32>,
    tpu.vector_store %arg10[%swap3A_117], %broadcast_in_dim3A_1 {strides = array<i32>} : memref<1024xi32, #tpu.memory_space<vmem>>, vector<16xi32>,
    %swap3A_119 = arith.constant 944 : index
    %swap3A_120 = tpu.vector_load %arg10[%swap3A_119] {strides = array<i32>} : memref<1024xi32, #tpu.memory_space<vmem>>, vector<16xi32>,
    tpu.vector_store %arg10[%swap3A_119], %broadcast_in_dim3A_1 {strides = array<i32>} : memref<1024xi32, #tpu.memory_space<vmem>>, vector<16xi32>,
    %swap3A_121 = arith.constant 960 : index
    %swap3A_122 = tpu.vector_load %arg10[%swap3A_121] {strides = array<i32>} : memref<1024xi32, #tpu.memory_space<vmem>>, vector<16xi32>,
    tpu.vector_store %arg10[%swap3A_121], %broadcast_in_dim3A_1 {strides = array<i32>} : memref<1024xi32, #tpu.memory_space<vmem>>, vector<16xi32>,
    %swap3A_123 = arith.constant 976 : index
    %swap3A_124 = tpu.vector_load %arg10[%swap3A_123] {strides = array<i32>} : memref<1024xi32, #tpu.memory_space<vmem>>, vector<16xi32>,
    tpu.vector_store %arg10[%swap3A_123], %broadcast_in_dim3A_1 {strides = array<i32>} : memref<1024xi32, #tpu.memory_space<vmem>>, vector<16xi32>,
    %swap3A_125 = arith.constant 992 : index
    %swap3A_126 = tpu.vector_load %arg10[%swap3A_125] {strides = array<i32>} : memref<1024xi32, #tpu.memory_space<vmem>>, vector<16xi32>,
    tpu.vector_store %arg10[%swap3A_125], %broadcast_in_dim3A_1 {strides = array<i32>} : memref<1024xi32, #tpu.memory_space<vmem>>, vector<16xi32>,
    %swap3A_127 = arith.constant 1008 : index
    %swap3A_128 = tpu.vector_load %arg10[%swap3A_127] {strides = array<i32>} : memref<1024xi32, #tpu.memory_space<vmem>>, vector<16xi32>,
    tpu.vector_store %arg10[%swap3A_127], %broadcast_in_dim3A_1 {strides = array<i32>} : memref<1024xi32, #tpu.memory_space<vmem>>, vector<16xi32>,
    %broadcast_in_dim3A_129 = arith.constant 1 : i32
    %broadcast_in_dim3A_130 = vector.broadcast %broadcast_in_dim3A_129 : i32 to vector<16xi32>
    %iota3A = tpu.iota {dimensions = array<i32: 0>} : vector<16xi32>
    %mul3A_131 = arith.constant 64 : i32
    %mul3A_132 = vector.broadcast %mul3A_131 : i32 to vector<16xi32>
    %mul3A_133 = arith.muli %iota3A, %mul3A_132 : vector<16xi32>
    %get3A = arith.constant 0 : index
    %get3A_134 = tpu.vector_load %arg8[%get3A] {strides = array<i32>} : memref<256xf32, #tpu.memory_space<vmem>>, vector<16xf32>,
    %mul3A_135 = arith.constant 6.400000e+01 : f32
    %mul3A_136 = vector.broadcast %mul3A_135 : f32 to vector<16xf32>
    %mul3A_137 = arith.mulf %get3A_134, %mul3A_136 : vector<16xf32>
    %convert_element_type3A = arith.fptosi %mul3A_137 : vector<16xf32> to vector<16xi32>
    %max3A = arith.constant 0 : i32
    %max3A_138 = vector.broadcast %max3A : i32 to vector<16xi32>
    %max3A_139 = arith.maxsi %convert_element_type3A, %max3A_138 : vector<16xi32>
    %min3A = arith.constant 63 : i32
    %min3A_140 = vector.broadcast %min3A : i32 to vector<16xi32>
    %min3A_141 = arith.minsi %max3A_139, %min3A_140 : vector<16xi32>
    %swap3A_142 = arith.constant 0 : index
    %swap3A_143 = tpu.vector_load %arg9[%swap3A_142] {strides = array<i32>} : memref<256xi32, #tpu.memory_space<vmem>>, vector<16xi32>,
    tpu.vector_store %arg9[%swap3A_142], %min3A_141 {strides = array<i32>} : memref<256xi32, #tpu.memory_space<vmem>>, vector<16xi32>,
    %add3A = arith.addi %mul3A_133, %min3A_141 : vector<16xi32>
    tpu.vector_store_idx %arg10[%add3A], %broadcast_in_dim3A_130 {add = true} : memref<1024xi32, #tpu.memory_space<vmem>>[vector<16xi32>], vector<16xi32>,
    %get3A_144 = arith.constant 16 : index
    %get3A_145 = tpu.vector_load %arg8[%get3A_144] {strides = array<i32>} : memref<256xf32, #tpu.memory_space<vmem>>, vector<16xf32>,
    %mul3A_146 = arith.constant 6.400000e+01 : f32
    %mul3A_147 = vector.broadcast %mul3A_146 : f32 to vector<16xf32>
    %mul3A_148 = arith.mulf %get3A_145, %mul3A_147 : vector<16xf32>
    %convert_element_type3A_149 = arith.fptosi %mul3A_148 : vector<16xf32> to vector<16xi32>
    %max3A_150 = arith.constant 0 : i32
    %max3A_151 = vector.broadcast %max3A_150 : i32 to vector<16xi32>
    %max3A_152 = arith.maxsi %convert_element_type3A_149, %max3A_151 : vector<16xi32>
    %min3A_153 = arith.constant 63 : i32
    %min3A_154 = vector.broadcast %min3A_153 : i32 to vector<16xi32>
    %min3A_155 = arith.minsi %max3A_152, %min3A_154 : vector<16xi32>
    %swap3A_156 = arith.constant 16 : index
    %swap3A_157 = tpu.vector_load %arg9[%swap3A_156] {strides = array<i32>} : memref<256xi32, #tpu.memory_space<vmem>>, vector<16xi32>,
    tpu.vector_store %arg9[%swap3A_156], %min3A_155 {strides = array<i32>} : memref<256xi32, #tpu.memory_space<vmem>>, vector<16xi32>,
    %add3A_158 = arith.addi %mul3A_133, %min3A_155 : vector<16xi32>
    tpu.vector_store_idx %arg10[%add3A_158], %broadcast_in_dim3A_130 {add = true} : memref<1024xi32, #tpu.memory_space<vmem>>[vector<16xi32>], vector<16xi32>,
    %get3A_159 = arith.constant 32 : index
    %get3A_160 = tpu.vector_load %arg8[%get3A_159] {strides = array<i32>} : memref<256xf32, #tpu.memory_space<vmem>>, vector<16xf32>,
    %mul3A_161 = arith.constant 6.400000e+01 : f32
    %mul3A_162 = vector.broadcast %mul3A_161 : f32 to vector<16xf32>
    %mul3A_163 = arith.mulf %get3A_160, %mul3A_162 : vector<16xf32>
    %convert_element_type3A_164 = arith.fptosi %mul3A_163 : vector<16xf32> to vector<16xi32>
    %max3A_165 = arith.constant 0 : i32
    %max3A_166 = vector.broadcast %max3A_165 : i32 to vector<16xi32>
    %max3A_167 = arith.maxsi %convert_element_type3A_164, %max3A_166 : vector<16xi32>
    %min3A_168 = arith.constant 63 : i32
    %min3A_169 = vector.broadcast %min3A_168 : i32 to vector<16xi32>
    %min3A_170 = arith.minsi %max3A_167, %min3A_169 : vector<16xi32>
    %swap3A_171 = arith.constant 32 : index
    %swap3A_172 = tpu.vector_load %arg9[%swap3A_171] {strides = array<i32>} : memref<256xi32, #tpu.memory_space<vmem>>, vector<16xi32>,
    tpu.vector_store %arg9[%swap3A_171], %min3A_170 {strides = array<i32>} : memref<256xi32, #tpu.memory_space<vmem>>, vector<16xi32>,
    %add3A_173 = arith.addi %mul3A_133, %min3A_170 : vector<16xi32>
    tpu.vector_store_idx %arg10[%add3A_173], %broadcast_in_dim3A_130 {add = true} : memref<1024xi32, #tpu.memory_space<vmem>>[vector<16xi32>], vector<16xi32>,
    %get3A_174 = arith.constant 48 : index
    %get3A_175 = tpu.vector_load %arg8[%get3A_174] {strides = array<i32>} : memref<256xf32, #tpu.memory_space<vmem>>, vector<16xf32>,
    %mul3A_176 = arith.constant 6.400000e+01 : f32
    %mul3A_177 = vector.broadcast %mul3A_176 : f32 to vector<16xf32>
    %mul3A_178 = arith.mulf %get3A_175, %mul3A_177 : vector<16xf32>
    %convert_element_type3A_179 = arith.fptosi %mul3A_178 : vector<16xf32> to vector<16xi32>
    %max3A_180 = arith.constant 0 : i32
    %max3A_181 = vector.broadcast %max3A_180 : i32 to vector<16xi32>
    %max3A_182 = arith.maxsi %convert_element_type3A_179, %max3A_181 : vector<16xi32>
    %min3A_183 = arith.constant 63 : i32
    %min3A_184 = vector.broadcast %min3A_183 : i32 to vector<16xi32>
    %min3A_185 = arith.minsi %max3A_182, %min3A_184 : vector<16xi32>
    %swap3A_186 = arith.constant 48 : index
    %swap3A_187 = tpu.vector_load %arg9[%swap3A_186] {strides = array<i32>} : memref<256xi32, #tpu.memory_space<vmem>>, vector<16xi32>,
    tpu.vector_store %arg9[%swap3A_186], %min3A_185 {strides = array<i32>} : memref<256xi32, #tpu.memory_space<vmem>>, vector<16xi32>,
    %add3A_188 = arith.addi %mul3A_133, %min3A_185 : vector<16xi32>
    tpu.vector_store_idx %arg10[%add3A_188], %broadcast_in_dim3A_130 {add = true} : memref<1024xi32, #tpu.memory_space<vmem>>[vector<16xi32>], vector<16xi32>,
    %get3A_189 = arith.constant 64 : index
    %get3A_190 = tpu.vector_load %arg8[%get3A_189] {strides = array<i32>} : memref<256xf32, #tpu.memory_space<vmem>>, vector<16xf32>,
    %mul3A_191 = arith.constant 6.400000e+01 : f32
    %mul3A_192 = vector.broadcast %mul3A_191 : f32 to vector<16xf32>
    %mul3A_193 = arith.mulf %get3A_190, %mul3A_192 : vector<16xf32>
    %convert_element_type3A_194 = arith.fptosi %mul3A_193 : vector<16xf32> to vector<16xi32>
    %max3A_195 = arith.constant 0 : i32
    %max3A_196 = vector.broadcast %max3A_195 : i32 to vector<16xi32>
    %max3A_197 = arith.maxsi %convert_element_type3A_194, %max3A_196 : vector<16xi32>
    %min3A_198 = arith.constant 63 : i32
    %min3A_199 = vector.broadcast %min3A_198 : i32 to vector<16xi32>
    %min3A_200 = arith.minsi %max3A_197, %min3A_199 : vector<16xi32>
    %swap3A_201 = arith.constant 64 : index
    %swap3A_202 = tpu.vector_load %arg9[%swap3A_201] {strides = array<i32>} : memref<256xi32, #tpu.memory_space<vmem>>, vector<16xi32>,
    tpu.vector_store %arg9[%swap3A_201], %min3A_200 {strides = array<i32>} : memref<256xi32, #tpu.memory_space<vmem>>, vector<16xi32>,
    %add3A_203 = arith.addi %mul3A_133, %min3A_200 : vector<16xi32>
    tpu.vector_store_idx %arg10[%add3A_203], %broadcast_in_dim3A_130 {add = true} : memref<1024xi32, #tpu.memory_space<vmem>>[vector<16xi32>], vector<16xi32>,
    %get3A_204 = arith.constant 80 : index
    %get3A_205 = tpu.vector_load %arg8[%get3A_204] {strides = array<i32>} : memref<256xf32, #tpu.memory_space<vmem>>, vector<16xf32>,
    %mul3A_206 = arith.constant 6.400000e+01 : f32
    %mul3A_207 = vector.broadcast %mul3A_206 : f32 to vector<16xf32>
    %mul3A_208 = arith.mulf %get3A_205, %mul3A_207 : vector<16xf32>
    %convert_element_type3A_209 = arith.fptosi %mul3A_208 : vector<16xf32> to vector<16xi32>
    %max3A_210 = arith.constant 0 : i32
    %max3A_211 = vector.broadcast %max3A_210 : i32 to vector<16xi32>
    %max3A_212 = arith.maxsi %convert_element_type3A_209, %max3A_211 : vector<16xi32>
    %min3A_213 = arith.constant 63 : i32
    %min3A_214 = vector.broadcast %min3A_213 : i32 to vector<16xi32>
    %min3A_215 = arith.minsi %max3A_212, %min3A_214 : vector<16xi32>
    %swap3A_216 = arith.constant 80 : index
    %swap3A_217 = tpu.vector_load %arg9[%swap3A_216] {strides = array<i32>} : memref<256xi32, #tpu.memory_space<vmem>>, vector<16xi32>,
    tpu.vector_store %arg9[%swap3A_216], %min3A_215 {strides = array<i32>} : memref<256xi32, #tpu.memory_space<vmem>>, vector<16xi32>,
    %add3A_218 = arith.addi %mul3A_133, %min3A_215 : vector<16xi32>
    tpu.vector_store_idx %arg10[%add3A_218], %broadcast_in_dim3A_130 {add = true} : memref<1024xi32, #tpu.memory_space<vmem>>[vector<16xi32>], vector<16xi32>,
    %get3A_219 = arith.constant 96 : index
    %get3A_220 = tpu.vector_load %arg8[%get3A_219] {strides = array<i32>} : memref<256xf32, #tpu.memory_space<vmem>>, vector<16xf32>,
    %mul3A_221 = arith.constant 6.400000e+01 : f32
    %mul3A_222 = vector.broadcast %mul3A_221 : f32 to vector<16xf32>
    %mul3A_223 = arith.mulf %get3A_220, %mul3A_222 : vector<16xf32>
    %convert_element_type3A_224 = arith.fptosi %mul3A_223 : vector<16xf32> to vector<16xi32>
    %max3A_225 = arith.constant 0 : i32
    %max3A_226 = vector.broadcast %max3A_225 : i32 to vector<16xi32>
    %max3A_227 = arith.maxsi %convert_element_type3A_224, %max3A_226 : vector<16xi32>
    %min3A_228 = arith.constant 63 : i32
    %min3A_229 = vector.broadcast %min3A_228 : i32 to vector<16xi32>
    %min3A_230 = arith.minsi %max3A_227, %min3A_229 : vector<16xi32>
    %swap3A_231 = arith.constant 96 : index
    %swap3A_232 = tpu.vector_load %arg9[%swap3A_231] {strides = array<i32>} : memref<256xi32, #tpu.memory_space<vmem>>, vector<16xi32>,
    tpu.vector_store %arg9[%swap3A_231], %min3A_230 {strides = array<i32>} : memref<256xi32, #tpu.memory_space<vmem>>, vector<16xi32>,
    %add3A_233 = arith.addi %mul3A_133, %min3A_230 : vector<16xi32>
    tpu.vector_store_idx %arg10[%add3A_233], %broadcast_in_dim3A_130 {add = true} : memref<1024xi32, #tpu.memory_space<vmem>>[vector<16xi32>], vector<16xi32>,
    %get3A_234 = arith.constant 112 : index
    %get3A_235 = tpu.vector_load %arg8[%get3A_234] {strides = array<i32>} : memref<256xf32, #tpu.memory_space<vmem>>, vector<16xf32>,
    %mul3A_236 = arith.constant 6.400000e+01 : f32
    %mul3A_237 = vector.broadcast %mul3A_236 : f32 to vector<16xf32>
    %mul3A_238 = arith.mulf %get3A_235, %mul3A_237 : vector<16xf32>
    %convert_element_type3A_239 = arith.fptosi %mul3A_238 : vector<16xf32> to vector<16xi32>
    %max3A_240 = arith.constant 0 : i32
    %max3A_241 = vector.broadcast %max3A_240 : i32 to vector<16xi32>
    %max3A_242 = arith.maxsi %convert_element_type3A_239, %max3A_241 : vector<16xi32>
    %min3A_243 = arith.constant 63 : i32
    %min3A_244 = vector.broadcast %min3A_243 : i32 to vector<16xi32>
    %min3A_245 = arith.minsi %max3A_242, %min3A_244 : vector<16xi32>
    %swap3A_246 = arith.constant 112 : index
    %swap3A_247 = tpu.vector_load %arg9[%swap3A_246] {strides = array<i32>} : memref<256xi32, #tpu.memory_space<vmem>>, vector<16xi32>,
    tpu.vector_store %arg9[%swap3A_246], %min3A_245 {strides = array<i32>} : memref<256xi32, #tpu.memory_space<vmem>>, vector<16xi32>,
    %add3A_248 = arith.addi %mul3A_133, %min3A_245 : vector<16xi32>
    tpu.vector_store_idx %arg10[%add3A_248], %broadcast_in_dim3A_130 {add = true} : memref<1024xi32, #tpu.memory_space<vmem>>[vector<16xi32>], vector<16xi32>,
    %get3A_249 = arith.constant 128 : index
    %get3A_250 = tpu.vector_load %arg8[%get3A_249] {strides = array<i32>} : memref<256xf32, #tpu.memory_space<vmem>>, vector<16xf32>,
    %mul3A_251 = arith.constant 6.400000e+01 : f32
    %mul3A_252 = vector.broadcast %mul3A_251 : f32 to vector<16xf32>
    %mul3A_253 = arith.mulf %get3A_250, %mul3A_252 : vector<16xf32>
    %convert_element_type3A_254 = arith.fptosi %mul3A_253 : vector<16xf32> to vector<16xi32>
    %max3A_255 = arith.constant 0 : i32
    %max3A_256 = vector.broadcast %max3A_255 : i32 to vector<16xi32>
    %max3A_257 = arith.maxsi %convert_element_type3A_254, %max3A_256 : vector<16xi32>
    %min3A_258 = arith.constant 63 : i32
    %min3A_259 = vector.broadcast %min3A_258 : i32 to vector<16xi32>
    %min3A_260 = arith.minsi %max3A_257, %min3A_259 : vector<16xi32>
    %swap3A_261 = arith.constant 128 : index
    %swap3A_262 = tpu.vector_load %arg9[%swap3A_261] {strides = array<i32>} : memref<256xi32, #tpu.memory_space<vmem>>, vector<16xi32>,
    tpu.vector_store %arg9[%swap3A_261], %min3A_260 {strides = array<i32>} : memref<256xi32, #tpu.memory_space<vmem>>, vector<16xi32>,
    %add3A_263 = arith.addi %mul3A_133, %min3A_260 : vector<16xi32>
    tpu.vector_store_idx %arg10[%add3A_263], %broadcast_in_dim3A_130 {add = true} : memref<1024xi32, #tpu.memory_space<vmem>>[vector<16xi32>], vector<16xi32>,
    %get3A_264 = arith.constant 144 : index
    %get3A_265 = tpu.vector_load %arg8[%get3A_264] {strides = array<i32>} : memref<256xf32, #tpu.memory_space<vmem>>, vector<16xf32>,
    %mul3A_266 = arith.constant 6.400000e+01 : f32
    %mul3A_267 = vector.broadcast %mul3A_266 : f32 to vector<16xf32>
    %mul3A_268 = arith.mulf %get3A_265, %mul3A_267 : vector<16xf32>
    %convert_element_type3A_269 = arith.fptosi %mul3A_268 : vector<16xf32> to vector<16xi32>
    %max3A_270 = arith.constant 0 : i32
    %max3A_271 = vector.broadcast %max3A_270 : i32 to vector<16xi32>
    %max3A_272 = arith.maxsi %convert_element_type3A_269, %max3A_271 : vector<16xi32>
    %min3A_273 = arith.constant 63 : i32
    %min3A_274 = vector.broadcast %min3A_273 : i32 to vector<16xi32>
    %min3A_275 = arith.minsi %max3A_272, %min3A_274 : vector<16xi32>
    %swap3A_276 = arith.constant 144 : index
    %swap3A_277 = tpu.vector_load %arg9[%swap3A_276] {strides = array<i32>} : memref<256xi32, #tpu.memory_space<vmem>>, vector<16xi32>,
    tpu.vector_store %arg9[%swap3A_276], %min3A_275 {strides = array<i32>} : memref<256xi32, #tpu.memory_space<vmem>>, vector<16xi32>,
    %add3A_278 = arith.addi %mul3A_133, %min3A_275 : vector<16xi32>
    tpu.vector_store_idx %arg10[%add3A_278], %broadcast_in_dim3A_130 {add = true} : memref<1024xi32, #tpu.memory_space<vmem>>[vector<16xi32>], vector<16xi32>,
    %get3A_279 = arith.constant 160 : index
    %get3A_280 = tpu.vector_load %arg8[%get3A_279] {strides = array<i32>} : memref<256xf32, #tpu.memory_space<vmem>>, vector<16xf32>,
    %mul3A_281 = arith.constant 6.400000e+01 : f32
    %mul3A_282 = vector.broadcast %mul3A_281 : f32 to vector<16xf32>
    %mul3A_283 = arith.mulf %get3A_280, %mul3A_282 : vector<16xf32>
    %convert_element_type3A_284 = arith.fptosi %mul3A_283 : vector<16xf32> to vector<16xi32>
    %max3A_285 = arith.constant 0 : i32
    %max3A_286 = vector.broadcast %max3A_285 : i32 to vector<16xi32>
    %max3A_287 = arith.maxsi %convert_element_type3A_284, %max3A_286 : vector<16xi32>
    %min3A_288 = arith.constant 63 : i32
    %min3A_289 = vector.broadcast %min3A_288 : i32 to vector<16xi32>
    %min3A_290 = arith.minsi %max3A_287, %min3A_289 : vector<16xi32>
    %swap3A_291 = arith.constant 160 : index
    %swap3A_292 = tpu.vector_load %arg9[%swap3A_291] {strides = array<i32>} : memref<256xi32, #tpu.memory_space<vmem>>, vector<16xi32>,
    tpu.vector_store %arg9[%swap3A_291], %min3A_290 {strides = array<i32>} : memref<256xi32, #tpu.memory_space<vmem>>, vector<16xi32>,
    %add3A_293 = arith.addi %mul3A_133, %min3A_290 : vector<16xi32>
    tpu.vector_store_idx %arg10[%add3A_293], %broadcast_in_dim3A_130 {add = true} : memref<1024xi32, #tpu.memory_space<vmem>>[vector<16xi32>], vector<16xi32>,
    %get3A_294 = arith.constant 176 : index
    %get3A_295 = tpu.vector_load %arg8[%get3A_294] {strides = array<i32>} : memref<256xf32, #tpu.memory_space<vmem>>, vector<16xf32>,
    %mul3A_296 = arith.constant 6.400000e+01 : f32
    %mul3A_297 = vector.broadcast %mul3A_296 : f32 to vector<16xf32>
    %mul3A_298 = arith.mulf %get3A_295, %mul3A_297 : vector<16xf32>
    %convert_element_type3A_299 = arith.fptosi %mul3A_298 : vector<16xf32> to vector<16xi32>
    %max3A_300 = arith.constant 0 : i32
    %max3A_301 = vector.broadcast %max3A_300 : i32 to vector<16xi32>
    %max3A_302 = arith.maxsi %convert_element_type3A_299, %max3A_301 : vector<16xi32>
    %min3A_303 = arith.constant 63 : i32
    %min3A_304 = vector.broadcast %min3A_303 : i32 to vector<16xi32>
    %min3A_305 = arith.minsi %max3A_302, %min3A_304 : vector<16xi32>
    %swap3A_306 = arith.constant 176 : index
    %swap3A_307 = tpu.vector_load %arg9[%swap3A_306] {strides = array<i32>} : memref<256xi32, #tpu.memory_space<vmem>>, vector<16xi32>,
    tpu.vector_store %arg9[%swap3A_306], %min3A_305 {strides = array<i32>} : memref<256xi32, #tpu.memory_space<vmem>>, vector<16xi32>,
    %add3A_308 = arith.addi %mul3A_133, %min3A_305 : vector<16xi32>
    tpu.vector_store_idx %arg10[%add3A_308], %broadcast_in_dim3A_130 {add = true} : memref<1024xi32, #tpu.memory_space<vmem>>[vector<16xi32>], vector<16xi32>,
    %get3A_309 = arith.constant 192 : index
    %get3A_310 = tpu.vector_load %arg8[%get3A_309] {strides = array<i32>} : memref<256xf32, #tpu.memory_space<vmem>>, vector<16xf32>,
    %mul3A_311 = arith.constant 6.400000e+01 : f32
    %mul3A_312 = vector.broadcast %mul3A_311 : f32 to vector<16xf32>
    %mul3A_313 = arith.mulf %get3A_310, %mul3A_312 : vector<16xf32>
    %convert_element_type3A_314 = arith.fptosi %mul3A_313 : vector<16xf32> to vector<16xi32>
    %max3A_315 = arith.constant 0 : i32
    %max3A_316 = vector.broadcast %max3A_315 : i32 to vector<16xi32>
    %max3A_317 = arith.maxsi %convert_element_type3A_314, %max3A_316 : vector<16xi32>
    %min3A_318 = arith.constant 63 : i32
    %min3A_319 = vector.broadcast %min3A_318 : i32 to vector<16xi32>
    %min3A_320 = arith.minsi %max3A_317, %min3A_319 : vector<16xi32>
    %swap3A_321 = arith.constant 192 : index
    %swap3A_322 = tpu.vector_load %arg9[%swap3A_321] {strides = array<i32>} : memref<256xi32, #tpu.memory_space<vmem>>, vector<16xi32>,
    tpu.vector_store %arg9[%swap3A_321], %min3A_320 {strides = array<i32>} : memref<256xi32, #tpu.memory_space<vmem>>, vector<16xi32>,
    %add3A_323 = arith.addi %mul3A_133, %min3A_320 : vector<16xi32>
    tpu.vector_store_idx %arg10[%add3A_323], %broadcast_in_dim3A_130 {add = true} : memref<1024xi32, #tpu.memory_space<vmem>>[vector<16xi32>], vector<16xi32>,
    %get3A_324 = arith.constant 208 : index
    %get3A_325 = tpu.vector_load %arg8[%get3A_324] {strides = array<i32>} : memref<256xf32, #tpu.memory_space<vmem>>, vector<16xf32>,
    %mul3A_326 = arith.constant 6.400000e+01 : f32
    %mul3A_327 = vector.broadcast %mul3A_326 : f32 to vector<16xf32>
    %mul3A_328 = arith.mulf %get3A_325, %mul3A_327 : vector<16xf32>
    %convert_element_type3A_329 = arith.fptosi %mul3A_328 : vector<16xf32> to vector<16xi32>
    %max3A_330 = arith.constant 0 : i32
    %max3A_331 = vector.broadcast %max3A_330 : i32 to vector<16xi32>
    %max3A_332 = arith.maxsi %convert_element_type3A_329, %max3A_331 : vector<16xi32>
    %min3A_333 = arith.constant 63 : i32
    %min3A_334 = vector.broadcast %min3A_333 : i32 to vector<16xi32>
    %min3A_335 = arith.minsi %max3A_332, %min3A_334 : vector<16xi32>
    %swap3A_336 = arith.constant 208 : index
    %swap3A_337 = tpu.vector_load %arg9[%swap3A_336] {strides = array<i32>} : memref<256xi32, #tpu.memory_space<vmem>>, vector<16xi32>,
    tpu.vector_store %arg9[%swap3A_336], %min3A_335 {strides = array<i32>} : memref<256xi32, #tpu.memory_space<vmem>>, vector<16xi32>,
    %add3A_338 = arith.addi %mul3A_133, %min3A_335 : vector<16xi32>
    tpu.vector_store_idx %arg10[%add3A_338], %broadcast_in_dim3A_130 {add = true} : memref<1024xi32, #tpu.memory_space<vmem>>[vector<16xi32>], vector<16xi32>,
    %get3A_339 = arith.constant 224 : index
    %get3A_340 = tpu.vector_load %arg8[%get3A_339] {strides = array<i32>} : memref<256xf32, #tpu.memory_space<vmem>>, vector<16xf32>,
    %mul3A_341 = arith.constant 6.400000e+01 : f32
    %mul3A_342 = vector.broadcast %mul3A_341 : f32 to vector<16xf32>
    %mul3A_343 = arith.mulf %get3A_340, %mul3A_342 : vector<16xf32>
    %convert_element_type3A_344 = arith.fptosi %mul3A_343 : vector<16xf32> to vector<16xi32>
    %max3A_345 = arith.constant 0 : i32
    %max3A_346 = vector.broadcast %max3A_345 : i32 to vector<16xi32>
    %max3A_347 = arith.maxsi %convert_element_type3A_344, %max3A_346 : vector<16xi32>
    %min3A_348 = arith.constant 63 : i32
    %min3A_349 = vector.broadcast %min3A_348 : i32 to vector<16xi32>
    %min3A_350 = arith.minsi %max3A_347, %min3A_349 : vector<16xi32>
    %swap3A_351 = arith.constant 224 : index
    %swap3A_352 = tpu.vector_load %arg9[%swap3A_351] {strides = array<i32>} : memref<256xi32, #tpu.memory_space<vmem>>, vector<16xi32>,
    tpu.vector_store %arg9[%swap3A_351], %min3A_350 {strides = array<i32>} : memref<256xi32, #tpu.memory_space<vmem>>, vector<16xi32>,
    %add3A_353 = arith.addi %mul3A_133, %min3A_350 : vector<16xi32>
    tpu.vector_store_idx %arg10[%add3A_353], %broadcast_in_dim3A_130 {add = true} : memref<1024xi32, #tpu.memory_space<vmem>>[vector<16xi32>], vector<16xi32>,
    %get3A_354 = arith.constant 240 : index
    %get3A_355 = tpu.vector_load %arg8[%get3A_354] {strides = array<i32>} : memref<256xf32, #tpu.memory_space<vmem>>, vector<16xf32>,
    %mul3A_356 = arith.constant 6.400000e+01 : f32
    %mul3A_357 = vector.broadcast %mul3A_356 : f32 to vector<16xf32>
    %mul3A_358 = arith.mulf %get3A_355, %mul3A_357 : vector<16xf32>
    %convert_element_type3A_359 = arith.fptosi %mul3A_358 : vector<16xf32> to vector<16xi32>
    %max3A_360 = arith.constant 0 : i32
    %max3A_361 = vector.broadcast %max3A_360 : i32 to vector<16xi32>
    %max3A_362 = arith.maxsi %convert_element_type3A_359, %max3A_361 : vector<16xi32>
    %min3A_363 = arith.constant 63 : i32
    %min3A_364 = vector.broadcast %min3A_363 : i32 to vector<16xi32>
    %min3A_365 = arith.minsi %max3A_362, %min3A_364 : vector<16xi32>
    %swap3A_366 = arith.constant 240 : index
    %swap3A_367 = tpu.vector_load %arg9[%swap3A_366] {strides = array<i32>} : memref<256xi32, #tpu.memory_space<vmem>>, vector<16xi32>,
    tpu.vector_store %arg9[%swap3A_366], %min3A_365 {strides = array<i32>} : memref<256xi32, #tpu.memory_space<vmem>>, vector<16xi32>,
    %add3A_368 = arith.addi %mul3A_133, %min3A_365 : vector<16xi32>
    tpu.vector_store_idx %arg10[%add3A_368], %broadcast_in_dim3A_130 {add = true} : memref<1024xi32, #tpu.memory_space<vmem>>[vector<16xi32>], vector<16xi32>,
    %get3A_369 = arith.constant 0 : index
    %get3A_370 = tpu.vector_load %arg10[%get3A_369] {strides = array<i32>} : memref<1024xi32, #tpu.memory_space<vmem>>, vector<16xi32>,
    %add3A_371 = arith.addi %broadcast_in_dim3A_1, %get3A_370 : vector<16xi32>
    %get3A_372 = arith.constant 64 : index
    %get3A_373 = tpu.vector_load %arg10[%get3A_372] {strides = array<i32>} : memref<1024xi32, #tpu.memory_space<vmem>>, vector<16xi32>,
    %add3A_374 = arith.addi %add3A_371, %get3A_373 : vector<16xi32>
    %get3A_375 = arith.constant 128 : index
    %get3A_376 = tpu.vector_load %arg10[%get3A_375] {strides = array<i32>} : memref<1024xi32, #tpu.memory_space<vmem>>, vector<16xi32>,
    %add3A_377 = arith.addi %add3A_374, %get3A_376 : vector<16xi32>
    %get3A_378 = arith.constant 192 : index
    %get3A_379 = tpu.vector_load %arg10[%get3A_378] {strides = array<i32>} : memref<1024xi32, #tpu.memory_space<vmem>>, vector<16xi32>,
    %add3A_380 = arith.addi %add3A_377, %get3A_379 : vector<16xi32>
    %get3A_381 = arith.constant 256 : index
    %get3A_382 = tpu.vector_load %arg10[%get3A_381] {strides = array<i32>} : memref<1024xi32, #tpu.memory_space<vmem>>, vector<16xi32>,
    %add3A_383 = arith.addi %add3A_380, %get3A_382 : vector<16xi32>
    %get3A_384 = arith.constant 320 : index
    %get3A_385 = tpu.vector_load %arg10[%get3A_384] {strides = array<i32>} : memref<1024xi32, #tpu.memory_space<vmem>>, vector<16xi32>,
    %add3A_386 = arith.addi %add3A_383, %get3A_385 : vector<16xi32>
    %get3A_387 = arith.constant 384 : index
    %get3A_388 = tpu.vector_load %arg10[%get3A_387] {strides = array<i32>} : memref<1024xi32, #tpu.memory_space<vmem>>, vector<16xi32>,
    %add3A_389 = arith.addi %add3A_386, %get3A_388 : vector<16xi32>
    %get3A_390 = arith.constant 448 : index
    %get3A_391 = tpu.vector_load %arg10[%get3A_390] {strides = array<i32>} : memref<1024xi32, #tpu.memory_space<vmem>>, vector<16xi32>,
    %add3A_392 = arith.addi %add3A_389, %get3A_391 : vector<16xi32>
    %get3A_393 = arith.constant 512 : index
    %get3A_394 = tpu.vector_load %arg10[%get3A_393] {strides = array<i32>} : memref<1024xi32, #tpu.memory_space<vmem>>, vector<16xi32>,
    %add3A_395 = arith.addi %add3A_392, %get3A_394 : vector<16xi32>
    %get3A_396 = arith.constant 576 : index
    %get3A_397 = tpu.vector_load %arg10[%get3A_396] {strides = array<i32>} : memref<1024xi32, #tpu.memory_space<vmem>>, vector<16xi32>,
    %add3A_398 = arith.addi %add3A_395, %get3A_397 : vector<16xi32>
    %get3A_399 = arith.constant 640 : index
    %get3A_400 = tpu.vector_load %arg10[%get3A_399] {strides = array<i32>} : memref<1024xi32, #tpu.memory_space<vmem>>, vector<16xi32>,
    %add3A_401 = arith.addi %add3A_398, %get3A_400 : vector<16xi32>
    %get3A_402 = arith.constant 704 : index
    %get3A_403 = tpu.vector_load %arg10[%get3A_402] {strides = array<i32>} : memref<1024xi32, #tpu.memory_space<vmem>>, vector<16xi32>,
    %add3A_404 = arith.addi %add3A_401, %get3A_403 : vector<16xi32>
    %get3A_405 = arith.constant 768 : index
    %get3A_406 = tpu.vector_load %arg10[%get3A_405] {strides = array<i32>} : memref<1024xi32, #tpu.memory_space<vmem>>, vector<16xi32>,
    %add3A_407 = arith.addi %add3A_404, %get3A_406 : vector<16xi32>
    %get3A_408 = arith.constant 832 : index
    %get3A_409 = tpu.vector_load %arg10[%get3A_408] {strides = array<i32>} : memref<1024xi32, #tpu.memory_space<vmem>>, vector<16xi32>,
    %add3A_410 = arith.addi %add3A_407, %get3A_409 : vector<16xi32>
    %get3A_411 = arith.constant 896 : index
    %get3A_412 = tpu.vector_load %arg10[%get3A_411] {strides = array<i32>} : memref<1024xi32, #tpu.memory_space<vmem>>, vector<16xi32>,
    %add3A_413 = arith.addi %add3A_410, %get3A_412 : vector<16xi32>
    %get3A_414 = arith.constant 960 : index
    %get3A_415 = tpu.vector_load %arg10[%get3A_414] {strides = array<i32>} : memref<1024xi32, #tpu.memory_space<vmem>>, vector<16xi32>,
    %add3A_416 = arith.addi %add3A_413, %get3A_415 : vector<16xi32>
    %swap3A_417 = arith.constant 0 : index
    %swap3A_418 = tpu.vector_load %arg11[%swap3A_417] {strides = array<i32>} : memref<64xi32, #tpu.memory_space<vmem>>, vector<16xi32>,
    tpu.vector_store %arg11[%swap3A_417], %add3A_416 {strides = array<i32>} : memref<64xi32, #tpu.memory_space<vmem>>, vector<16xi32>,
    %get3A_419 = arith.constant 16 : index
    %get3A_420 = tpu.vector_load %arg10[%get3A_419] {strides = array<i32>} : memref<1024xi32, #tpu.memory_space<vmem>>, vector<16xi32>,
    %add3A_421 = arith.addi %broadcast_in_dim3A_1, %get3A_420 : vector<16xi32>
    %get3A_422 = arith.constant 80 : index
    %get3A_423 = tpu.vector_load %arg10[%get3A_422] {strides = array<i32>} : memref<1024xi32, #tpu.memory_space<vmem>>, vector<16xi32>,
    %add3A_424 = arith.addi %add3A_421, %get3A_423 : vector<16xi32>
    %get3A_425 = arith.constant 144 : index
    %get3A_426 = tpu.vector_load %arg10[%get3A_425] {strides = array<i32>} : memref<1024xi32, #tpu.memory_space<vmem>>, vector<16xi32>,
    %add3A_427 = arith.addi %add3A_424, %get3A_426 : vector<16xi32>
    %get3A_428 = arith.constant 208 : index
    %get3A_429 = tpu.vector_load %arg10[%get3A_428] {strides = array<i32>} : memref<1024xi32, #tpu.memory_space<vmem>>, vector<16xi32>,
    %add3A_430 = arith.addi %add3A_427, %get3A_429 : vector<16xi32>
    %get3A_431 = arith.constant 272 : index
    %get3A_432 = tpu.vector_load %arg10[%get3A_431] {strides = array<i32>} : memref<1024xi32, #tpu.memory_space<vmem>>, vector<16xi32>,
    %add3A_433 = arith.addi %add3A_430, %get3A_432 : vector<16xi32>
    %get3A_434 = arith.constant 336 : index
    %get3A_435 = tpu.vector_load %arg10[%get3A_434] {strides = array<i32>} : memref<1024xi32, #tpu.memory_space<vmem>>, vector<16xi32>,
    %add3A_436 = arith.addi %add3A_433, %get3A_435 : vector<16xi32>
    %get3A_437 = arith.constant 400 : index
    %get3A_438 = tpu.vector_load %arg10[%get3A_437] {strides = array<i32>} : memref<1024xi32, #tpu.memory_space<vmem>>, vector<16xi32>,
    %add3A_439 = arith.addi %add3A_436, %get3A_438 : vector<16xi32>
    %get3A_440 = arith.constant 464 : index
    %get3A_441 = tpu.vector_load %arg10[%get3A_440] {strides = array<i32>} : memref<1024xi32, #tpu.memory_space<vmem>>, vector<16xi32>,
    %add3A_442 = arith.addi %add3A_439, %get3A_441 : vector<16xi32>
    %get3A_443 = arith.constant 528 : index
    %get3A_444 = tpu.vector_load %arg10[%get3A_443] {strides = array<i32>} : memref<1024xi32, #tpu.memory_space<vmem>>, vector<16xi32>,
    %add3A_445 = arith.addi %add3A_442, %get3A_444 : vector<16xi32>
    %get3A_446 = arith.constant 592 : index
    %get3A_447 = tpu.vector_load %arg10[%get3A_446] {strides = array<i32>} : memref<1024xi32, #tpu.memory_space<vmem>>, vector<16xi32>,
    %add3A_448 = arith.addi %add3A_445, %get3A_447 : vector<16xi32>
    %get3A_449 = arith.constant 656 : index
    %get3A_450 = tpu.vector_load %arg10[%get3A_449] {strides = array<i32>} : memref<1024xi32, #tpu.memory_space<vmem>>, vector<16xi32>,
    %add3A_451 = arith.addi %add3A_448, %get3A_450 : vector<16xi32>
    %get3A_452 = arith.constant 720 : index
    %get3A_453 = tpu.vector_load %arg10[%get3A_452] {strides = array<i32>} : memref<1024xi32, #tpu.memory_space<vmem>>, vector<16xi32>,
    %add3A_454 = arith.addi %add3A_451, %get3A_453 : vector<16xi32>
    %get3A_455 = arith.constant 784 : index
    %get3A_456 = tpu.vector_load %arg10[%get3A_455] {strides = array<i32>} : memref<1024xi32, #tpu.memory_space<vmem>>, vector<16xi32>,
    %add3A_457 = arith.addi %add3A_454, %get3A_456 : vector<16xi32>
    %get3A_458 = arith.constant 848 : index
    %get3A_459 = tpu.vector_load %arg10[%get3A_458] {strides = array<i32>} : memref<1024xi32, #tpu.memory_space<vmem>>, vector<16xi32>,
    %add3A_460 = arith.addi %add3A_457, %get3A_459 : vector<16xi32>
    %get3A_461 = arith.constant 912 : index
    %get3A_462 = tpu.vector_load %arg10[%get3A_461] {strides = array<i32>} : memref<1024xi32, #tpu.memory_space<vmem>>, vector<16xi32>,
    %add3A_463 = arith.addi %add3A_460, %get3A_462 : vector<16xi32>
    %get3A_464 = arith.constant 976 : index
    %get3A_465 = tpu.vector_load %arg10[%get3A_464] {strides = array<i32>} : memref<1024xi32, #tpu.memory_space<vmem>>, vector<16xi32>,
    %add3A_466 = arith.addi %add3A_463, %get3A_465 : vector<16xi32>
    %swap3A_467 = arith.constant 16 : index
    %swap3A_468 = tpu.vector_load %arg11[%swap3A_467] {strides = array<i32>} : memref<64xi32, #tpu.memory_space<vmem>>, vector<16xi32>,
    tpu.vector_store %arg11[%swap3A_467], %add3A_466 {strides = array<i32>} : memref<64xi32, #tpu.memory_space<vmem>>, vector<16xi32>,
    %get3A_469 = arith.constant 32 : index
    %get3A_470 = tpu.vector_load %arg10[%get3A_469] {strides = array<i32>} : memref<1024xi32, #tpu.memory_space<vmem>>, vector<16xi32>,
    %add3A_471 = arith.addi %broadcast_in_dim3A_1, %get3A_470 : vector<16xi32>
    %get3A_472 = arith.constant 96 : index
    %get3A_473 = tpu.vector_load %arg10[%get3A_472] {strides = array<i32>} : memref<1024xi32, #tpu.memory_space<vmem>>, vector<16xi32>,
    %add3A_474 = arith.addi %add3A_471, %get3A_473 : vector<16xi32>
    %get3A_475 = arith.constant 160 : index
    %get3A_476 = tpu.vector_load %arg10[%get3A_475] {strides = array<i32>} : memref<1024xi32, #tpu.memory_space<vmem>>, vector<16xi32>,
    %add3A_477 = arith.addi %add3A_474, %get3A_476 : vector<16xi32>
    %get3A_478 = arith.constant 224 : index
    %get3A_479 = tpu.vector_load %arg10[%get3A_478] {strides = array<i32>} : memref<1024xi32, #tpu.memory_space<vmem>>, vector<16xi32>,
    %add3A_480 = arith.addi %add3A_477, %get3A_479 : vector<16xi32>
    %get3A_481 = arith.constant 288 : index
    %get3A_482 = tpu.vector_load %arg10[%get3A_481] {strides = array<i32>} : memref<1024xi32, #tpu.memory_space<vmem>>, vector<16xi32>,
    %add3A_483 = arith.addi %add3A_480, %get3A_482 : vector<16xi32>
    %get3A_484 = arith.constant 352 : index
    %get3A_485 = tpu.vector_load %arg10[%get3A_484] {strides = array<i32>} : memref<1024xi32, #tpu.memory_space<vmem>>, vector<16xi32>,
    %add3A_486 = arith.addi %add3A_483, %get3A_485 : vector<16xi32>
    %get3A_487 = arith.constant 416 : index
    %get3A_488 = tpu.vector_load %arg10[%get3A_487] {strides = array<i32>} : memref<1024xi32, #tpu.memory_space<vmem>>, vector<16xi32>,
    %add3A_489 = arith.addi %add3A_486, %get3A_488 : vector<16xi32>
    %get3A_490 = arith.constant 480 : index
    %get3A_491 = tpu.vector_load %arg10[%get3A_490] {strides = array<i32>} : memref<1024xi32, #tpu.memory_space<vmem>>, vector<16xi32>,
    %add3A_492 = arith.addi %add3A_489, %get3A_491 : vector<16xi32>
    %get3A_493 = arith.constant 544 : index
    %get3A_494 = tpu.vector_load %arg10[%get3A_493] {strides = array<i32>} : memref<1024xi32, #tpu.memory_space<vmem>>, vector<16xi32>,
    %add3A_495 = arith.addi %add3A_492, %get3A_494 : vector<16xi32>
    %get3A_496 = arith.constant 608 : index
    %get3A_497 = tpu.vector_load %arg10[%get3A_496] {strides = array<i32>} : memref<1024xi32, #tpu.memory_space<vmem>>, vector<16xi32>,
    %add3A_498 = arith.addi %add3A_495, %get3A_497 : vector<16xi32>
    %get3A_499 = arith.constant 672 : index
    %get3A_500 = tpu.vector_load %arg10[%get3A_499] {strides = array<i32>} : memref<1024xi32, #tpu.memory_space<vmem>>, vector<16xi32>,
    %add3A_501 = arith.addi %add3A_498, %get3A_500 : vector<16xi32>
    %get3A_502 = arith.constant 736 : index
    %get3A_503 = tpu.vector_load %arg10[%get3A_502] {strides = array<i32>} : memref<1024xi32, #tpu.memory_space<vmem>>, vector<16xi32>,
    %add3A_504 = arith.addi %add3A_501, %get3A_503 : vector<16xi32>
    %get3A_505 = arith.constant 800 : index
    %get3A_506 = tpu.vector_load %arg10[%get3A_505] {strides = array<i32>} : memref<1024xi32, #tpu.memory_space<vmem>>, vector<16xi32>,
    %add3A_507 = arith.addi %add3A_504, %get3A_506 : vector<16xi32>
    %get3A_508 = arith.constant 864 : index
    %get3A_509 = tpu.vector_load %arg10[%get3A_508] {strides = array<i32>} : memref<1024xi32, #tpu.memory_space<vmem>>, vector<16xi32>,
    %add3A_510 = arith.addi %add3A_507, %get3A_509 : vector<16xi32>
    %get3A_511 = arith.constant 928 : index
    %get3A_512 = tpu.vector_load %arg10[%get3A_511] {strides = array<i32>} : memref<1024xi32, #tpu.memory_space<vmem>>, vector<16xi32>,
    %add3A_513 = arith.addi %add3A_510, %get3A_512 : vector<16xi32>
    %get3A_514 = arith.constant 992 : index
    %get3A_515 = tpu.vector_load %arg10[%get3A_514] {strides = array<i32>} : memref<1024xi32, #tpu.memory_space<vmem>>, vector<16xi32>,
    %add3A_516 = arith.addi %add3A_513, %get3A_515 : vector<16xi32>
    %swap3A_517 = arith.constant 32 : index
    %swap3A_518 = tpu.vector_load %arg11[%swap3A_517] {strides = array<i32>} : memref<64xi32, #tpu.memory_space<vmem>>, vector<16xi32>,
    tpu.vector_store %arg11[%swap3A_517], %add3A_516 {strides = array<i32>} : memref<64xi32, #tpu.memory_space<vmem>>, vector<16xi32>,
    %get3A_519 = arith.constant 48 : index
    %get3A_520 = tpu.vector_load %arg10[%get3A_519] {strides = array<i32>} : memref<1024xi32, #tpu.memory_space<vmem>>, vector<16xi32>,
    %add3A_521 = arith.addi %broadcast_in_dim3A_1, %get3A_520 : vector<16xi32>
    %get3A_522 = arith.constant 112 : index
    %get3A_523 = tpu.vector_load %arg10[%get3A_522] {strides = array<i32>} : memref<1024xi32, #tpu.memory_space<vmem>>, vector<16xi32>,
    %add3A_524 = arith.addi %add3A_521, %get3A_523 : vector<16xi32>
    %get3A_525 = arith.constant 176 : index
    %get3A_526 = tpu.vector_load %arg10[%get3A_525] {strides = array<i32>} : memref<1024xi32, #tpu.memory_space<vmem>>, vector<16xi32>,
    %add3A_527 = arith.addi %add3A_524, %get3A_526 : vector<16xi32>
    %get3A_528 = arith.constant 240 : index
    %get3A_529 = tpu.vector_load %arg10[%get3A_528] {strides = array<i32>} : memref<1024xi32, #tpu.memory_space<vmem>>, vector<16xi32>,
    %add3A_530 = arith.addi %add3A_527, %get3A_529 : vector<16xi32>
    %get3A_531 = arith.constant 304 : index
    %get3A_532 = tpu.vector_load %arg10[%get3A_531] {strides = array<i32>} : memref<1024xi32, #tpu.memory_space<vmem>>, vector<16xi32>,
    %add3A_533 = arith.addi %add3A_530, %get3A_532 : vector<16xi32>
    %get3A_534 = arith.constant 368 : index
    %get3A_535 = tpu.vector_load %arg10[%get3A_534] {strides = array<i32>} : memref<1024xi32, #tpu.memory_space<vmem>>, vector<16xi32>,
    %add3A_536 = arith.addi %add3A_533, %get3A_535 : vector<16xi32>
    %get3A_537 = arith.constant 432 : index
    %get3A_538 = tpu.vector_load %arg10[%get3A_537] {strides = array<i32>} : memref<1024xi32, #tpu.memory_space<vmem>>, vector<16xi32>,
    %add3A_539 = arith.addi %add3A_536, %get3A_538 : vector<16xi32>
    %get3A_540 = arith.constant 496 : index
    %get3A_541 = tpu.vector_load %arg10[%get3A_540] {strides = array<i32>} : memref<1024xi32, #tpu.memory_space<vmem>>, vector<16xi32>,
    %add3A_542 = arith.addi %add3A_539, %get3A_541 : vector<16xi32>
    %get3A_543 = arith.constant 560 : index
    %get3A_544 = tpu.vector_load %arg10[%get3A_543] {strides = array<i32>} : memref<1024xi32, #tpu.memory_space<vmem>>, vector<16xi32>,
    %add3A_545 = arith.addi %add3A_542, %get3A_544 : vector<16xi32>
    %get3A_546 = arith.constant 624 : index
    %get3A_547 = tpu.vector_load %arg10[%get3A_546] {strides = array<i32>} : memref<1024xi32, #tpu.memory_space<vmem>>, vector<16xi32>,
    %add3A_548 = arith.addi %add3A_545, %get3A_547 : vector<16xi32>
    %get3A_549 = arith.constant 688 : index
    %get3A_550 = tpu.vector_load %arg10[%get3A_549] {strides = array<i32>} : memref<1024xi32, #tpu.memory_space<vmem>>, vector<16xi32>,
    %add3A_551 = arith.addi %add3A_548, %get3A_550 : vector<16xi32>
    %get3A_552 = arith.constant 752 : index
    %get3A_553 = tpu.vector_load %arg10[%get3A_552] {strides = array<i32>} : memref<1024xi32, #tpu.memory_space<vmem>>, vector<16xi32>,
    %add3A_554 = arith.addi %add3A_551, %get3A_553 : vector<16xi32>
    %get3A_555 = arith.constant 816 : index
    %get3A_556 = tpu.vector_load %arg10[%get3A_555] {strides = array<i32>} : memref<1024xi32, #tpu.memory_space<vmem>>, vector<16xi32>,
    %add3A_557 = arith.addi %add3A_554, %get3A_556 : vector<16xi32>
    %get3A_558 = arith.constant 880 : index
    %get3A_559 = tpu.vector_load %arg10[%get3A_558] {strides = array<i32>} : memref<1024xi32, #tpu.memory_space<vmem>>, vector<16xi32>,
    %add3A_560 = arith.addi %add3A_557, %get3A_559 : vector<16xi32>
    %get3A_561 = arith.constant 944 : index
    %get3A_562 = tpu.vector_load %arg10[%get3A_561] {strides = array<i32>} : memref<1024xi32, #tpu.memory_space<vmem>>, vector<16xi32>,
    %add3A_563 = arith.addi %add3A_560, %get3A_562 : vector<16xi32>
    %get3A_564 = arith.constant 1008 : index
    %get3A_565 = tpu.vector_load %arg10[%get3A_564] {strides = array<i32>} : memref<1024xi32, #tpu.memory_space<vmem>>, vector<16xi32>,
    %add3A_566 = arith.addi %add3A_563, %get3A_565 : vector<16xi32>
    %swap3A_567 = arith.constant 48 : index
    %swap3A_568 = tpu.vector_load %arg11[%swap3A_567] {strides = array<i32>} : memref<64xi32, #tpu.memory_space<vmem>>, vector<16xi32>,
    tpu.vector_store %arg11[%swap3A_567], %add3A_566 {strides = array<i32>} : memref<64xi32, #tpu.memory_space<vmem>>, vector<16xi32>,
    "tpu.region"() ({
      %run_scoped3A = tpu.sem_alloc : memref<!tpu.dma_semaphore, #tpu.memory_space<semaphore_mem>>
      %dma_start3A_1362 = arith.constant 0 : i32
      %dma_start3A_1363 = tpu.memref_slice %arg17[%arg1, %dma_start3A_1362] : memref<16x64xi32, #tpu.memory_space<vmem_shared>> -> memref<1x64xi32, #tpu.memory_space<vmem_shared>>
      %dma_start3A_1364 = tpu.memref_squeeze %dma_start3A_1363 : memref<1x64xi32, #tpu.memory_space<vmem_shared>> -> memref<64xi32, #tpu.memory_space<vmem_shared>>
      %dma_start3A_1365 = arith.constant 0 : i32
      %dma_start3A_1366 = tpu.memref_slice %arg17[%arg1, %dma_start3A_1365] : memref<16x64xi32, #tpu.memory_space<vmem_shared>> -> memref<1x64xi32, #tpu.memory_space<vmem_shared>>
      %dma_start3A_1367 = tpu.memref_squeeze %dma_start3A_1366 : memref<1x64xi32, #tpu.memory_space<vmem_shared>> -> memref<64xi32, #tpu.memory_space<vmem_shared>>
      tpu.enqueue_dma source(%arg11 : memref<64xi32, #tpu.memory_space<vmem>>) target(%dma_start3A_1367 : memref<64xi32, #tpu.memory_space<vmem_shared>>) target_semaphore(%run_scoped3A : memref<!tpu.dma_semaphore, #tpu.memory_space<semaphore_mem>>)
      %dma_wait3A_1368 = arith.constant 0 : i32
      %dma_wait3A_1369 = tpu.memref_slice %arg17[%arg1, %dma_wait3A_1368] : memref<16x64xi32, #tpu.memory_space<vmem_shared>> -> memref<1x64xi32, #tpu.memory_space<vmem_shared>>
      %dma_wait3A_1370 = tpu.memref_squeeze %dma_wait3A_1369 : memref<1x64xi32, #tpu.memory_space<vmem_shared>> -> memref<64xi32, #tpu.memory_space<vmem_shared>>
      %dma_wait3A_1371 = arith.constant 0 : i32
      %dma_wait3A_1372 = tpu.memref_slice %arg17[%arg1, %dma_wait3A_1371] : memref<16x64xi32, #tpu.memory_space<vmem_shared>> -> memref<1x64xi32, #tpu.memory_space<vmem_shared>>
      %dma_wait3A_1373 = tpu.memref_squeeze %dma_wait3A_1372 : memref<1x64xi32, #tpu.memory_space<vmem_shared>> -> memref<64xi32, #tpu.memory_space<vmem_shared>>
      tpu.wait_dma2 semaphore(%run_scoped3A : memref<!tpu.dma_semaphore, #tpu.memory_space<semaphore_mem>>) src(%arg11 : memref<64xi32, #tpu.memory_space<vmem>>) dst(%dma_wait3A_1373 : memref<64xi32, #tpu.memory_space<vmem_shared>>)
      tpu.yield
    }) : () -> ()
    %barrier3A = arith.constant 0 : index
    tpu.barrier barrier_id(%barrier3A)
    "tpu.region"() ({
      %run_scoped3A = tpu.sem_alloc : memref<!tpu.dma_semaphore, #tpu.memory_space<semaphore_mem>>
      tpu.enqueue_dma source(%arg17 : memref<16x64xi32, #tpu.memory_space<vmem_shared>>) target(%arg12 : memref<16x64xi32, #tpu.memory_space<vmem>>) target_semaphore(%run_scoped3A : memref<!tpu.dma_semaphore, #tpu.memory_space<semaphore_mem>>)
      tpu.wait_dma2 semaphore(%run_scoped3A : memref<!tpu.dma_semaphore, #tpu.memory_space<semaphore_mem>>) src(%arg17 : memref<16x64xi32, #tpu.memory_space<vmem_shared>>) dst(%arg12 : memref<16x64xi32, #tpu.memory_space<vmem>>)
      tpu.yield
    }) : () -> ()
    %broadcast_in_dim3A_569 = arith.constant 0 : i32
    %broadcast_in_dim3A_570 = vector.broadcast %broadcast_in_dim3A_569 : i32 to vector<16xi32>
    %broadcast_in_dim3A_571 = arith.constant 0 : i32
    %broadcast_in_dim3A_572 = vector.broadcast %broadcast_in_dim3A_571 : i32 to vector<16xi32>
    %get3A_573 = arith.constant 0 : i32
    %get3A_574 = arith.index_cast %get3A_573 : i32 to index
    %get3A_575 = arith.constant 0 : index
    %get3A_576 = tpu.vector_load %arg12[%get3A_574, %get3A_575] {strides = array<i32>} : memref<16x64xi32, #tpu.memory_space<vmem>>, vector<16xi32>,
    %add3A_577 = arith.addi %broadcast_in_dim3A_570, %get3A_576 : vector<16xi32>
    %gt3A = arith.constant 0 : i32
    %gt3A_578 = arith.cmpi sgt, %arg1, %gt3A : i32
    %convert_element_type3A_579 = arith.extui %gt3A_578 : i1 to i32
    %mul3A_580 = vector.broadcast %convert_element_type3A_579 : i32 to vector<16xi32>
    %mul3A_581 = arith.muli %get3A_576, %mul3A_580 : vector<16xi32>
    %add3A_582 = arith.addi %broadcast_in_dim3A_572, %mul3A_581 : vector<16xi32>
    %get3A_583 = arith.constant 1 : i32
    %get3A_584 = arith.index_cast %get3A_583 : i32 to index
    %get3A_585 = arith.constant 0 : index
    %get3A_586 = tpu.vector_load %arg12[%get3A_584, %get3A_585] {strides = array<i32>} : memref<16x64xi32, #tpu.memory_space<vmem>>, vector<16xi32>,
    %add3A_587 = arith.addi %add3A_577, %get3A_586 : vector<16xi32>
    %gt3A_588 = arith.constant 1 : i32
    %gt3A_589 = arith.cmpi sgt, %arg1, %gt3A_588 : i32
    %convert_element_type3A_590 = arith.extui %gt3A_589 : i1 to i32
    %mul3A_591 = vector.broadcast %convert_element_type3A_590 : i32 to vector<16xi32>
    %mul3A_592 = arith.muli %get3A_586, %mul3A_591 : vector<16xi32>
    %add3A_593 = arith.addi %add3A_582, %mul3A_592 : vector<16xi32>
    %get3A_594 = arith.constant 2 : i32
    %get3A_595 = arith.index_cast %get3A_594 : i32 to index
    %get3A_596 = arith.constant 0 : index
    %get3A_597 = tpu.vector_load %arg12[%get3A_595, %get3A_596] {strides = array<i32>} : memref<16x64xi32, #tpu.memory_space<vmem>>, vector<16xi32>,
    %add3A_598 = arith.addi %add3A_587, %get3A_597 : vector<16xi32>
    %gt3A_599 = arith.constant 2 : i32
    %gt3A_600 = arith.cmpi sgt, %arg1, %gt3A_599 : i32
    %convert_element_type3A_601 = arith.extui %gt3A_600 : i1 to i32
    %mul3A_602 = vector.broadcast %convert_element_type3A_601 : i32 to vector<16xi32>
    %mul3A_603 = arith.muli %get3A_597, %mul3A_602 : vector<16xi32>
    %add3A_604 = arith.addi %add3A_593, %mul3A_603 : vector<16xi32>
    %get3A_605 = arith.constant 3 : i32
    %get3A_606 = arith.index_cast %get3A_605 : i32 to index
    %get3A_607 = arith.constant 0 : index
    %get3A_608 = tpu.vector_load %arg12[%get3A_606, %get3A_607] {strides = array<i32>} : memref<16x64xi32, #tpu.memory_space<vmem>>, vector<16xi32>,
    %add3A_609 = arith.addi %add3A_598, %get3A_608 : vector<16xi32>
    %gt3A_610 = arith.constant 3 : i32
    %gt3A_611 = arith.cmpi sgt, %arg1, %gt3A_610 : i32
    %convert_element_type3A_612 = arith.extui %gt3A_611 : i1 to i32
    %mul3A_613 = vector.broadcast %convert_element_type3A_612 : i32 to vector<16xi32>
    %mul3A_614 = arith.muli %get3A_608, %mul3A_613 : vector<16xi32>
    %add3A_615 = arith.addi %add3A_604, %mul3A_614 : vector<16xi32>
    %get3A_616 = arith.constant 4 : i32
    %get3A_617 = arith.index_cast %get3A_616 : i32 to index
    %get3A_618 = arith.constant 0 : index
    %get3A_619 = tpu.vector_load %arg12[%get3A_617, %get3A_618] {strides = array<i32>} : memref<16x64xi32, #tpu.memory_space<vmem>>, vector<16xi32>,
    %add3A_620 = arith.addi %add3A_609, %get3A_619 : vector<16xi32>
    %gt3A_621 = arith.constant 4 : i32
    %gt3A_622 = arith.cmpi sgt, %arg1, %gt3A_621 : i32
    %convert_element_type3A_623 = arith.extui %gt3A_622 : i1 to i32
    %mul3A_624 = vector.broadcast %convert_element_type3A_623 : i32 to vector<16xi32>
    %mul3A_625 = arith.muli %get3A_619, %mul3A_624 : vector<16xi32>
    %add3A_626 = arith.addi %add3A_615, %mul3A_625 : vector<16xi32>
    %get3A_627 = arith.constant 5 : i32
    %get3A_628 = arith.index_cast %get3A_627 : i32 to index
    %get3A_629 = arith.constant 0 : index
    %get3A_630 = tpu.vector_load %arg12[%get3A_628, %get3A_629] {strides = array<i32>} : memref<16x64xi32, #tpu.memory_space<vmem>>, vector<16xi32>,
    %add3A_631 = arith.addi %add3A_620, %get3A_630 : vector<16xi32>
    %gt3A_632 = arith.constant 5 : i32
    %gt3A_633 = arith.cmpi sgt, %arg1, %gt3A_632 : i32
    %convert_element_type3A_634 = arith.extui %gt3A_633 : i1 to i32
    %mul3A_635 = vector.broadcast %convert_element_type3A_634 : i32 to vector<16xi32>
    %mul3A_636 = arith.muli %get3A_630, %mul3A_635 : vector<16xi32>
    %add3A_637 = arith.addi %add3A_626, %mul3A_636 : vector<16xi32>
    %get3A_638 = arith.constant 6 : i32
    %get3A_639 = arith.index_cast %get3A_638 : i32 to index
    %get3A_640 = arith.constant 0 : index
    %get3A_641 = tpu.vector_load %arg12[%get3A_639, %get3A_640] {strides = array<i32>} : memref<16x64xi32, #tpu.memory_space<vmem>>, vector<16xi32>,
    %add3A_642 = arith.addi %add3A_631, %get3A_641 : vector<16xi32>
    %gt3A_643 = arith.constant 6 : i32
    %gt3A_644 = arith.cmpi sgt, %arg1, %gt3A_643 : i32
    %convert_element_type3A_645 = arith.extui %gt3A_644 : i1 to i32
    %mul3A_646 = vector.broadcast %convert_element_type3A_645 : i32 to vector<16xi32>
    %mul3A_647 = arith.muli %get3A_641, %mul3A_646 : vector<16xi32>
    %add3A_648 = arith.addi %add3A_637, %mul3A_647 : vector<16xi32>
    %get3A_649 = arith.constant 7 : i32
    %get3A_650 = arith.index_cast %get3A_649 : i32 to index
    %get3A_651 = arith.constant 0 : index
    %get3A_652 = tpu.vector_load %arg12[%get3A_650, %get3A_651] {strides = array<i32>} : memref<16x64xi32, #tpu.memory_space<vmem>>, vector<16xi32>,
    %add3A_653 = arith.addi %add3A_642, %get3A_652 : vector<16xi32>
    %gt3A_654 = arith.constant 7 : i32
    %gt3A_655 = arith.cmpi sgt, %arg1, %gt3A_654 : i32
    %convert_element_type3A_656 = arith.extui %gt3A_655 : i1 to i32
    %mul3A_657 = vector.broadcast %convert_element_type3A_656 : i32 to vector<16xi32>
    %mul3A_658 = arith.muli %get3A_652, %mul3A_657 : vector<16xi32>
    %add3A_659 = arith.addi %add3A_648, %mul3A_658 : vector<16xi32>
    %get3A_660 = arith.constant 8 : i32
    %get3A_661 = arith.index_cast %get3A_660 : i32 to index
    %get3A_662 = arith.constant 0 : index
    %get3A_663 = tpu.vector_load %arg12[%get3A_661, %get3A_662] {strides = array<i32>} : memref<16x64xi32, #tpu.memory_space<vmem>>, vector<16xi32>,
    %add3A_664 = arith.addi %add3A_653, %get3A_663 : vector<16xi32>
    %gt3A_665 = arith.constant 8 : i32
    %gt3A_666 = arith.cmpi sgt, %arg1, %gt3A_665 : i32
    %convert_element_type3A_667 = arith.extui %gt3A_666 : i1 to i32
    %mul3A_668 = vector.broadcast %convert_element_type3A_667 : i32 to vector<16xi32>
    %mul3A_669 = arith.muli %get3A_663, %mul3A_668 : vector<16xi32>
    %add3A_670 = arith.addi %add3A_659, %mul3A_669 : vector<16xi32>
    %get3A_671 = arith.constant 9 : i32
    %get3A_672 = arith.index_cast %get3A_671 : i32 to index
    %get3A_673 = arith.constant 0 : index
    %get3A_674 = tpu.vector_load %arg12[%get3A_672, %get3A_673] {strides = array<i32>} : memref<16x64xi32, #tpu.memory_space<vmem>>, vector<16xi32>,
    %add3A_675 = arith.addi %add3A_664, %get3A_674 : vector<16xi32>
    %gt3A_676 = arith.constant 9 : i32
    %gt3A_677 = arith.cmpi sgt, %arg1, %gt3A_676 : i32
    %convert_element_type3A_678 = arith.extui %gt3A_677 : i1 to i32
    %mul3A_679 = vector.broadcast %convert_element_type3A_678 : i32 to vector<16xi32>
    %mul3A_680 = arith.muli %get3A_674, %mul3A_679 : vector<16xi32>
    %add3A_681 = arith.addi %add3A_670, %mul3A_680 : vector<16xi32>
    %get3A_682 = arith.constant 10 : i32
    %get3A_683 = arith.index_cast %get3A_682 : i32 to index
    %get3A_684 = arith.constant 0 : index
    %get3A_685 = tpu.vector_load %arg12[%get3A_683, %get3A_684] {strides = array<i32>} : memref<16x64xi32, #tpu.memory_space<vmem>>, vector<16xi32>,
    %add3A_686 = arith.addi %add3A_675, %get3A_685 : vector<16xi32>
    %gt3A_687 = arith.constant 10 : i32
    %gt3A_688 = arith.cmpi sgt, %arg1, %gt3A_687 : i32
    %convert_element_type3A_689 = arith.extui %gt3A_688 : i1 to i32
    %mul3A_690 = vector.broadcast %convert_element_type3A_689 : i32 to vector<16xi32>
    %mul3A_691 = arith.muli %get3A_685, %mul3A_690 : vector<16xi32>
    %add3A_692 = arith.addi %add3A_681, %mul3A_691 : vector<16xi32>
    %get3A_693 = arith.constant 11 : i32
    %get3A_694 = arith.index_cast %get3A_693 : i32 to index
    %get3A_695 = arith.constant 0 : index
    %get3A_696 = tpu.vector_load %arg12[%get3A_694, %get3A_695] {strides = array<i32>} : memref<16x64xi32, #tpu.memory_space<vmem>>, vector<16xi32>,
    %add3A_697 = arith.addi %add3A_686, %get3A_696 : vector<16xi32>
    %gt3A_698 = arith.constant 11 : i32
    %gt3A_699 = arith.cmpi sgt, %arg1, %gt3A_698 : i32
    %convert_element_type3A_700 = arith.extui %gt3A_699 : i1 to i32
    %mul3A_701 = vector.broadcast %convert_element_type3A_700 : i32 to vector<16xi32>
    %mul3A_702 = arith.muli %get3A_696, %mul3A_701 : vector<16xi32>
    %add3A_703 = arith.addi %add3A_692, %mul3A_702 : vector<16xi32>
    %get3A_704 = arith.constant 12 : i32
    %get3A_705 = arith.index_cast %get3A_704 : i32 to index
    %get3A_706 = arith.constant 0 : index
    %get3A_707 = tpu.vector_load %arg12[%get3A_705, %get3A_706] {strides = array<i32>} : memref<16x64xi32, #tpu.memory_space<vmem>>, vector<16xi32>,
    %add3A_708 = arith.addi %add3A_697, %get3A_707 : vector<16xi32>
    %gt3A_709 = arith.constant 12 : i32
    %gt3A_710 = arith.cmpi sgt, %arg1, %gt3A_709 : i32
    %convert_element_type3A_711 = arith.extui %gt3A_710 : i1 to i32
    %mul3A_712 = vector.broadcast %convert_element_type3A_711 : i32 to vector<16xi32>
    %mul3A_713 = arith.muli %get3A_707, %mul3A_712 : vector<16xi32>
    %add3A_714 = arith.addi %add3A_703, %mul3A_713 : vector<16xi32>
    %get3A_715 = arith.constant 13 : i32
    %get3A_716 = arith.index_cast %get3A_715 : i32 to index
    %get3A_717 = arith.constant 0 : index
    %get3A_718 = tpu.vector_load %arg12[%get3A_716, %get3A_717] {strides = array<i32>} : memref<16x64xi32, #tpu.memory_space<vmem>>, vector<16xi32>,
    %add3A_719 = arith.addi %add3A_708, %get3A_718 : vector<16xi32>
    %gt3A_720 = arith.constant 13 : i32
    %gt3A_721 = arith.cmpi sgt, %arg1, %gt3A_720 : i32
    %convert_element_type3A_722 = arith.extui %gt3A_721 : i1 to i32
    %mul3A_723 = vector.broadcast %convert_element_type3A_722 : i32 to vector<16xi32>
    %mul3A_724 = arith.muli %get3A_718, %mul3A_723 : vector<16xi32>
    %add3A_725 = arith.addi %add3A_714, %mul3A_724 : vector<16xi32>
    %get3A_726 = arith.constant 14 : i32
    %get3A_727 = arith.index_cast %get3A_726 : i32 to index
    %get3A_728 = arith.constant 0 : index
    %get3A_729 = tpu.vector_load %arg12[%get3A_727, %get3A_728] {strides = array<i32>} : memref<16x64xi32, #tpu.memory_space<vmem>>, vector<16xi32>,
    %add3A_730 = arith.addi %add3A_719, %get3A_729 : vector<16xi32>
    %gt3A_731 = arith.constant 14 : i32
    %gt3A_732 = arith.cmpi sgt, %arg1, %gt3A_731 : i32
    %convert_element_type3A_733 = arith.extui %gt3A_732 : i1 to i32
    %mul3A_734 = vector.broadcast %convert_element_type3A_733 : i32 to vector<16xi32>
    %mul3A_735 = arith.muli %get3A_729, %mul3A_734 : vector<16xi32>
    %add3A_736 = arith.addi %add3A_725, %mul3A_735 : vector<16xi32>
    %get3A_737 = arith.constant 15 : i32
    %get3A_738 = arith.index_cast %get3A_737 : i32 to index
    %get3A_739 = arith.constant 0 : index
    %get3A_740 = tpu.vector_load %arg12[%get3A_738, %get3A_739] {strides = array<i32>} : memref<16x64xi32, #tpu.memory_space<vmem>>, vector<16xi32>,
    %add3A_741 = arith.addi %add3A_730, %get3A_740 : vector<16xi32>
    %gt3A_742 = arith.constant 15 : i32
    %gt3A_743 = arith.cmpi sgt, %arg1, %gt3A_742 : i32
    %convert_element_type3A_744 = arith.extui %gt3A_743 : i1 to i32
    %mul3A_745 = vector.broadcast %convert_element_type3A_744 : i32 to vector<16xi32>
    %mul3A_746 = arith.muli %get3A_740, %mul3A_745 : vector<16xi32>
    %add3A_747 = arith.addi %add3A_736, %mul3A_746 : vector<16xi32>
    %broadcast_in_dim3A_748 = arith.constant true
    %broadcast_in_dim3A_749 = vector.broadcast %broadcast_in_dim3A_748 : i1 to vector<16xi1>
    %masked_cumsum3A = tpu.scan <sum>, %add3A_741 masked %broadcast_in_dim3A_749 : vector<16xi32>, vector<16xi1> -> vector<16xi32>
    %sub3A = arith.subi %masked_cumsum3A, %add3A_741 : vector<16xi32>
    %add3A_750 = arith.addi %sub3A, %add3A_747 : vector<16xi32>
    %add3A_751 = arith.constant 0 : i32
    %add3A_752 = vector.broadcast %add3A_751 : i32 to vector<16xi32>
    %add3A_753 = arith.addi %add3A_750, %add3A_752 : vector<16xi32>
    %swap3A_754 = arith.constant 0 : index
    %swap3A_755 = tpu.vector_load %arg13[%swap3A_754] {strides = array<i32>} : memref<64xi32, #tpu.memory_space<vmem>>, vector<16xi32>,
    tpu.vector_store %arg13[%swap3A_754], %add3A_753 {strides = array<i32>} : memref<64xi32, #tpu.memory_space<vmem>>, vector<16xi32>,
    %reduce_sum3A = arith.constant true
    %reduce_sum3A_756 = vector.broadcast %reduce_sum3A : i1 to vector<16xi1>
    %reduce_sum3A_757 = tpu.scan <sum>, %add3A_741 masked %reduce_sum3A_756 : vector<16xi32>, vector<16xi1> -> vector<16xi32>
    %reduce_sum3A_758 = vector.extract %reduce_sum3A_757[15] : i32 from vector<16xi32>
    %add3A_759 = arith.constant 0 : i32
    %add3A_760 = arith.addi %add3A_759, %reduce_sum3A_758 : i32
    %broadcast_in_dim3A_761 = arith.constant 0 : i32
    %broadcast_in_dim3A_762 = vector.broadcast %broadcast_in_dim3A_761 : i32 to vector<16xi32>
    %broadcast_in_dim3A_763 = arith.constant 0 : i32
    %broadcast_in_dim3A_764 = vector.broadcast %broadcast_in_dim3A_763 : i32 to vector<16xi32>
    %get3A_765 = arith.constant 0 : i32
    %get3A_766 = arith.index_cast %get3A_765 : i32 to index
    %get3A_767 = arith.constant 16 : index
    %get3A_768 = tpu.vector_load %arg12[%get3A_766, %get3A_767] {strides = array<i32>} : memref<16x64xi32, #tpu.memory_space<vmem>>, vector<16xi32>,
    %add3A_769 = arith.addi %broadcast_in_dim3A_762, %get3A_768 : vector<16xi32>
    %gt3A_770 = arith.constant 0 : i32
    %gt3A_771 = arith.cmpi sgt, %arg1, %gt3A_770 : i32
    %convert_element_type3A_772 = arith.extui %gt3A_771 : i1 to i32
    %mul3A_773 = vector.broadcast %convert_element_type3A_772 : i32 to vector<16xi32>
    %mul3A_774 = arith.muli %get3A_768, %mul3A_773 : vector<16xi32>
    %add3A_775 = arith.addi %broadcast_in_dim3A_764, %mul3A_774 : vector<16xi32>
    %get3A_776 = arith.constant 1 : i32
    %get3A_777 = arith.index_cast %get3A_776 : i32 to index
    %get3A_778 = arith.constant 16 : index
    %get3A_779 = tpu.vector_load %arg12[%get3A_777, %get3A_778] {strides = array<i32>} : memref<16x64xi32, #tpu.memory_space<vmem>>, vector<16xi32>,
    %add3A_780 = arith.addi %add3A_769, %get3A_779 : vector<16xi32>
    %gt3A_781 = arith.constant 1 : i32
    %gt3A_782 = arith.cmpi sgt, %arg1, %gt3A_781 : i32
    %convert_element_type3A_783 = arith.extui %gt3A_782 : i1 to i32
    %mul3A_784 = vector.broadcast %convert_element_type3A_783 : i32 to vector<16xi32>
    %mul3A_785 = arith.muli %get3A_779, %mul3A_784 : vector<16xi32>
    %add3A_786 = arith.addi %add3A_775, %mul3A_785 : vector<16xi32>
    %get3A_787 = arith.constant 2 : i32
    %get3A_788 = arith.index_cast %get3A_787 : i32 to index
    %get3A_789 = arith.constant 16 : index
    %get3A_790 = tpu.vector_load %arg12[%get3A_788, %get3A_789] {strides = array<i32>} : memref<16x64xi32, #tpu.memory_space<vmem>>, vector<16xi32>,
    %add3A_791 = arith.addi %add3A_780, %get3A_790 : vector<16xi32>
    %gt3A_792 = arith.constant 2 : i32
    %gt3A_793 = arith.cmpi sgt, %arg1, %gt3A_792 : i32
    %convert_element_type3A_794 = arith.extui %gt3A_793 : i1 to i32
    %mul3A_795 = vector.broadcast %convert_element_type3A_794 : i32 to vector<16xi32>
    %mul3A_796 = arith.muli %get3A_790, %mul3A_795 : vector<16xi32>
    %add3A_797 = arith.addi %add3A_786, %mul3A_796 : vector<16xi32>
    %get3A_798 = arith.constant 3 : i32
    %get3A_799 = arith.index_cast %get3A_798 : i32 to index
    %get3A_800 = arith.constant 16 : index
    %get3A_801 = tpu.vector_load %arg12[%get3A_799, %get3A_800] {strides = array<i32>} : memref<16x64xi32, #tpu.memory_space<vmem>>, vector<16xi32>,
    %add3A_802 = arith.addi %add3A_791, %get3A_801 : vector<16xi32>
    %gt3A_803 = arith.constant 3 : i32
    %gt3A_804 = arith.cmpi sgt, %arg1, %gt3A_803 : i32
    %convert_element_type3A_805 = arith.extui %gt3A_804 : i1 to i32
    %mul3A_806 = vector.broadcast %convert_element_type3A_805 : i32 to vector<16xi32>
    %mul3A_807 = arith.muli %get3A_801, %mul3A_806 : vector<16xi32>
    %add3A_808 = arith.addi %add3A_797, %mul3A_807 : vector<16xi32>
    %get3A_809 = arith.constant 4 : i32
    %get3A_810 = arith.index_cast %get3A_809 : i32 to index
    %get3A_811 = arith.constant 16 : index
    %get3A_812 = tpu.vector_load %arg12[%get3A_810, %get3A_811] {strides = array<i32>} : memref<16x64xi32, #tpu.memory_space<vmem>>, vector<16xi32>,
    %add3A_813 = arith.addi %add3A_802, %get3A_812 : vector<16xi32>
    %gt3A_814 = arith.constant 4 : i32
    %gt3A_815 = arith.cmpi sgt, %arg1, %gt3A_814 : i32
    %convert_element_type3A_816 = arith.extui %gt3A_815 : i1 to i32
    %mul3A_817 = vector.broadcast %convert_element_type3A_816 : i32 to vector<16xi32>
    %mul3A_818 = arith.muli %get3A_812, %mul3A_817 : vector<16xi32>
    %add3A_819 = arith.addi %add3A_808, %mul3A_818 : vector<16xi32>
    %get3A_820 = arith.constant 5 : i32
    %get3A_821 = arith.index_cast %get3A_820 : i32 to index
    %get3A_822 = arith.constant 16 : index
    %get3A_823 = tpu.vector_load %arg12[%get3A_821, %get3A_822] {strides = array<i32>} : memref<16x64xi32, #tpu.memory_space<vmem>>, vector<16xi32>,
    %add3A_824 = arith.addi %add3A_813, %get3A_823 : vector<16xi32>
    %gt3A_825 = arith.constant 5 : i32
    %gt3A_826 = arith.cmpi sgt, %arg1, %gt3A_825 : i32
    %convert_element_type3A_827 = arith.extui %gt3A_826 : i1 to i32
    %mul3A_828 = vector.broadcast %convert_element_type3A_827 : i32 to vector<16xi32>
    %mul3A_829 = arith.muli %get3A_823, %mul3A_828 : vector<16xi32>
    %add3A_830 = arith.addi %add3A_819, %mul3A_829 : vector<16xi32>
    %get3A_831 = arith.constant 6 : i32
    %get3A_832 = arith.index_cast %get3A_831 : i32 to index
    %get3A_833 = arith.constant 16 : index
    %get3A_834 = tpu.vector_load %arg12[%get3A_832, %get3A_833] {strides = array<i32>} : memref<16x64xi32, #tpu.memory_space<vmem>>, vector<16xi32>,
    %add3A_835 = arith.addi %add3A_824, %get3A_834 : vector<16xi32>
    %gt3A_836 = arith.constant 6 : i32
    %gt3A_837 = arith.cmpi sgt, %arg1, %gt3A_836 : i32
    %convert_element_type3A_838 = arith.extui %gt3A_837 : i1 to i32
    %mul3A_839 = vector.broadcast %convert_element_type3A_838 : i32 to vector<16xi32>
    %mul3A_840 = arith.muli %get3A_834, %mul3A_839 : vector<16xi32>
    %add3A_841 = arith.addi %add3A_830, %mul3A_840 : vector<16xi32>
    %get3A_842 = arith.constant 7 : i32
    %get3A_843 = arith.index_cast %get3A_842 : i32 to index
    %get3A_844 = arith.constant 16 : index
    %get3A_845 = tpu.vector_load %arg12[%get3A_843, %get3A_844] {strides = array<i32>} : memref<16x64xi32, #tpu.memory_space<vmem>>, vector<16xi32>,
    %add3A_846 = arith.addi %add3A_835, %get3A_845 : vector<16xi32>
    %gt3A_847 = arith.constant 7 : i32
    %gt3A_848 = arith.cmpi sgt, %arg1, %gt3A_847 : i32
    %convert_element_type3A_849 = arith.extui %gt3A_848 : i1 to i32
    %mul3A_850 = vector.broadcast %convert_element_type3A_849 : i32 to vector<16xi32>
    %mul3A_851 = arith.muli %get3A_845, %mul3A_850 : vector<16xi32>
    %add3A_852 = arith.addi %add3A_841, %mul3A_851 : vector<16xi32>
    %get3A_853 = arith.constant 8 : i32
    %get3A_854 = arith.index_cast %get3A_853 : i32 to index
    %get3A_855 = arith.constant 16 : index
    %get3A_856 = tpu.vector_load %arg12[%get3A_854, %get3A_855] {strides = array<i32>} : memref<16x64xi32, #tpu.memory_space<vmem>>, vector<16xi32>,
    %add3A_857 = arith.addi %add3A_846, %get3A_856 : vector<16xi32>
    %gt3A_858 = arith.constant 8 : i32
    %gt3A_859 = arith.cmpi sgt, %arg1, %gt3A_858 : i32
    %convert_element_type3A_860 = arith.extui %gt3A_859 : i1 to i32
    %mul3A_861 = vector.broadcast %convert_element_type3A_860 : i32 to vector<16xi32>
    %mul3A_862 = arith.muli %get3A_856, %mul3A_861 : vector<16xi32>
    %add3A_863 = arith.addi %add3A_852, %mul3A_862 : vector<16xi32>
    %get3A_864 = arith.constant 9 : i32
    %get3A_865 = arith.index_cast %get3A_864 : i32 to index
    %get3A_866 = arith.constant 16 : index
    %get3A_867 = tpu.vector_load %arg12[%get3A_865, %get3A_866] {strides = array<i32>} : memref<16x64xi32, #tpu.memory_space<vmem>>, vector<16xi32>,
    %add3A_868 = arith.addi %add3A_857, %get3A_867 : vector<16xi32>
    %gt3A_869 = arith.constant 9 : i32
    %gt3A_870 = arith.cmpi sgt, %arg1, %gt3A_869 : i32
    %convert_element_type3A_871 = arith.extui %gt3A_870 : i1 to i32
    %mul3A_872 = vector.broadcast %convert_element_type3A_871 : i32 to vector<16xi32>
    %mul3A_873 = arith.muli %get3A_867, %mul3A_872 : vector<16xi32>
    %add3A_874 = arith.addi %add3A_863, %mul3A_873 : vector<16xi32>
    %get3A_875 = arith.constant 10 : i32
    %get3A_876 = arith.index_cast %get3A_875 : i32 to index
    %get3A_877 = arith.constant 16 : index
    %get3A_878 = tpu.vector_load %arg12[%get3A_876, %get3A_877] {strides = array<i32>} : memref<16x64xi32, #tpu.memory_space<vmem>>, vector<16xi32>,
    %add3A_879 = arith.addi %add3A_868, %get3A_878 : vector<16xi32>
    %gt3A_880 = arith.constant 10 : i32
    %gt3A_881 = arith.cmpi sgt, %arg1, %gt3A_880 : i32
    %convert_element_type3A_882 = arith.extui %gt3A_881 : i1 to i32
    %mul3A_883 = vector.broadcast %convert_element_type3A_882 : i32 to vector<16xi32>
    %mul3A_884 = arith.muli %get3A_878, %mul3A_883 : vector<16xi32>
    %add3A_885 = arith.addi %add3A_874, %mul3A_884 : vector<16xi32>
    %get3A_886 = arith.constant 11 : i32
    %get3A_887 = arith.index_cast %get3A_886 : i32 to index
    %get3A_888 = arith.constant 16 : index
    %get3A_889 = tpu.vector_load %arg12[%get3A_887, %get3A_888] {strides = array<i32>} : memref<16x64xi32, #tpu.memory_space<vmem>>, vector<16xi32>,
    %add3A_890 = arith.addi %add3A_879, %get3A_889 : vector<16xi32>
    %gt3A_891 = arith.constant 11 : i32
    %gt3A_892 = arith.cmpi sgt, %arg1, %gt3A_891 : i32
    %convert_element_type3A_893 = arith.extui %gt3A_892 : i1 to i32
    %mul3A_894 = vector.broadcast %convert_element_type3A_893 : i32 to vector<16xi32>
    %mul3A_895 = arith.muli %get3A_889, %mul3A_894 : vector<16xi32>
    %add3A_896 = arith.addi %add3A_885, %mul3A_895 : vector<16xi32>
    %get3A_897 = arith.constant 12 : i32
    %get3A_898 = arith.index_cast %get3A_897 : i32 to index
    %get3A_899 = arith.constant 16 : index
    %get3A_900 = tpu.vector_load %arg12[%get3A_898, %get3A_899] {strides = array<i32>} : memref<16x64xi32, #tpu.memory_space<vmem>>, vector<16xi32>,
    %add3A_901 = arith.addi %add3A_890, %get3A_900 : vector<16xi32>
    %gt3A_902 = arith.constant 12 : i32
    %gt3A_903 = arith.cmpi sgt, %arg1, %gt3A_902 : i32
    %convert_element_type3A_904 = arith.extui %gt3A_903 : i1 to i32
    %mul3A_905 = vector.broadcast %convert_element_type3A_904 : i32 to vector<16xi32>
    %mul3A_906 = arith.muli %get3A_900, %mul3A_905 : vector<16xi32>
    %add3A_907 = arith.addi %add3A_896, %mul3A_906 : vector<16xi32>
    %get3A_908 = arith.constant 13 : i32
    %get3A_909 = arith.index_cast %get3A_908 : i32 to index
    %get3A_910 = arith.constant 16 : index
    %get3A_911 = tpu.vector_load %arg12[%get3A_909, %get3A_910] {strides = array<i32>} : memref<16x64xi32, #tpu.memory_space<vmem>>, vector<16xi32>,
    %add3A_912 = arith.addi %add3A_901, %get3A_911 : vector<16xi32>
    %gt3A_913 = arith.constant 13 : i32
    %gt3A_914 = arith.cmpi sgt, %arg1, %gt3A_913 : i32
    %convert_element_type3A_915 = arith.extui %gt3A_914 : i1 to i32
    %mul3A_916 = vector.broadcast %convert_element_type3A_915 : i32 to vector<16xi32>
    %mul3A_917 = arith.muli %get3A_911, %mul3A_916 : vector<16xi32>
    %add3A_918 = arith.addi %add3A_907, %mul3A_917 : vector<16xi32>
    %get3A_919 = arith.constant 14 : i32
    %get3A_920 = arith.index_cast %get3A_919 : i32 to index
    %get3A_921 = arith.constant 16 : index
    %get3A_922 = tpu.vector_load %arg12[%get3A_920, %get3A_921] {strides = array<i32>} : memref<16x64xi32, #tpu.memory_space<vmem>>, vector<16xi32>,
    %add3A_923 = arith.addi %add3A_912, %get3A_922 : vector<16xi32>
    %gt3A_924 = arith.constant 14 : i32
    %gt3A_925 = arith.cmpi sgt, %arg1, %gt3A_924 : i32
    %convert_element_type3A_926 = arith.extui %gt3A_925 : i1 to i32
    %mul3A_927 = vector.broadcast %convert_element_type3A_926 : i32 to vector<16xi32>
    %mul3A_928 = arith.muli %get3A_922, %mul3A_927 : vector<16xi32>
    %add3A_929 = arith.addi %add3A_918, %mul3A_928 : vector<16xi32>
    %get3A_930 = arith.constant 15 : i32
    %get3A_931 = arith.index_cast %get3A_930 : i32 to index
    %get3A_932 = arith.constant 16 : index
    %get3A_933 = tpu.vector_load %arg12[%get3A_931, %get3A_932] {strides = array<i32>} : memref<16x64xi32, #tpu.memory_space<vmem>>, vector<16xi32>,
    %add3A_934 = arith.addi %add3A_923, %get3A_933 : vector<16xi32>
    %gt3A_935 = arith.constant 15 : i32
    %gt3A_936 = arith.cmpi sgt, %arg1, %gt3A_935 : i32
    %convert_element_type3A_937 = arith.extui %gt3A_936 : i1 to i32
    %mul3A_938 = vector.broadcast %convert_element_type3A_937 : i32 to vector<16xi32>
    %mul3A_939 = arith.muli %get3A_933, %mul3A_938 : vector<16xi32>
    %add3A_940 = arith.addi %add3A_929, %mul3A_939 : vector<16xi32>
    %broadcast_in_dim3A_941 = arith.constant true
    %broadcast_in_dim3A_942 = vector.broadcast %broadcast_in_dim3A_941 : i1 to vector<16xi1>
    %masked_cumsum3A_943 = tpu.scan <sum>, %add3A_934 masked %broadcast_in_dim3A_942 : vector<16xi32>, vector<16xi1> -> vector<16xi32>
    %sub3A_944 = arith.subi %masked_cumsum3A_943, %add3A_934 : vector<16xi32>
    %add3A_945 = arith.addi %sub3A_944, %add3A_940 : vector<16xi32>
    %add3A_946 = vector.broadcast %add3A_760 : i32 to vector<16xi32>
    %add3A_947 = arith.addi %add3A_945, %add3A_946 : vector<16xi32>
    %swap3A_948 = arith.constant 16 : index
    %swap3A_949 = tpu.vector_load %arg13[%swap3A_948] {strides = array<i32>} : memref<64xi32, #tpu.memory_space<vmem>>, vector<16xi32>,
    tpu.vector_store %arg13[%swap3A_948], %add3A_947 {strides = array<i32>} : memref<64xi32, #tpu.memory_space<vmem>>, vector<16xi32>,
    %reduce_sum3A_950 = arith.constant true
    %reduce_sum3A_951 = vector.broadcast %reduce_sum3A_950 : i1 to vector<16xi1>
    %reduce_sum3A_952 = tpu.scan <sum>, %add3A_934 masked %reduce_sum3A_951 : vector<16xi32>, vector<16xi1> -> vector<16xi32>
    %reduce_sum3A_953 = vector.extract %reduce_sum3A_952[15] : i32 from vector<16xi32>
    %add3A_954 = arith.addi %add3A_760, %reduce_sum3A_953 : i32
    %broadcast_in_dim3A_955 = arith.constant 0 : i32
    %broadcast_in_dim3A_956 = vector.broadcast %broadcast_in_dim3A_955 : i32 to vector<16xi32>
    %broadcast_in_dim3A_957 = arith.constant 0 : i32
    %broadcast_in_dim3A_958 = vector.broadcast %broadcast_in_dim3A_957 : i32 to vector<16xi32>
    %get3A_959 = arith.constant 0 : i32
    %get3A_960 = arith.index_cast %get3A_959 : i32 to index
    %get3A_961 = arith.constant 32 : index
    %get3A_962 = tpu.vector_load %arg12[%get3A_960, %get3A_961] {strides = array<i32>} : memref<16x64xi32, #tpu.memory_space<vmem>>, vector<16xi32>,
    %add3A_963 = arith.addi %broadcast_in_dim3A_956, %get3A_962 : vector<16xi32>
    %gt3A_964 = arith.constant 0 : i32
    %gt3A_965 = arith.cmpi sgt, %arg1, %gt3A_964 : i32
    %convert_element_type3A_966 = arith.extui %gt3A_965 : i1 to i32
    %mul3A_967 = vector.broadcast %convert_element_type3A_966 : i32 to vector<16xi32>
    %mul3A_968 = arith.muli %get3A_962, %mul3A_967 : vector<16xi32>
    %add3A_969 = arith.addi %broadcast_in_dim3A_958, %mul3A_968 : vector<16xi32>
    %get3A_970 = arith.constant 1 : i32
    %get3A_971 = arith.index_cast %get3A_970 : i32 to index
    %get3A_972 = arith.constant 32 : index
    %get3A_973 = tpu.vector_load %arg12[%get3A_971, %get3A_972] {strides = array<i32>} : memref<16x64xi32, #tpu.memory_space<vmem>>, vector<16xi32>,
    %add3A_974 = arith.addi %add3A_963, %get3A_973 : vector<16xi32>
    %gt3A_975 = arith.constant 1 : i32
    %gt3A_976 = arith.cmpi sgt, %arg1, %gt3A_975 : i32
    %convert_element_type3A_977 = arith.extui %gt3A_976 : i1 to i32
    %mul3A_978 = vector.broadcast %convert_element_type3A_977 : i32 to vector<16xi32>
    %mul3A_979 = arith.muli %get3A_973, %mul3A_978 : vector<16xi32>
    %add3A_980 = arith.addi %add3A_969, %mul3A_979 : vector<16xi32>
    %get3A_981 = arith.constant 2 : i32
    %get3A_982 = arith.index_cast %get3A_981 : i32 to index
    %get3A_983 = arith.constant 32 : index
    %get3A_984 = tpu.vector_load %arg12[%get3A_982, %get3A_983] {strides = array<i32>} : memref<16x64xi32, #tpu.memory_space<vmem>>, vector<16xi32>,
    %add3A_985 = arith.addi %add3A_974, %get3A_984 : vector<16xi32>
    %gt3A_986 = arith.constant 2 : i32
    %gt3A_987 = arith.cmpi sgt, %arg1, %gt3A_986 : i32
    %convert_element_type3A_988 = arith.extui %gt3A_987 : i1 to i32
    %mul3A_989 = vector.broadcast %convert_element_type3A_988 : i32 to vector<16xi32>
    %mul3A_990 = arith.muli %get3A_984, %mul3A_989 : vector<16xi32>
    %add3A_991 = arith.addi %add3A_980, %mul3A_990 : vector<16xi32>
    %get3A_992 = arith.constant 3 : i32
    %get3A_993 = arith.index_cast %get3A_992 : i32 to index
    %get3A_994 = arith.constant 32 : index
    %get3A_995 = tpu.vector_load %arg12[%get3A_993, %get3A_994] {strides = array<i32>} : memref<16x64xi32, #tpu.memory_space<vmem>>, vector<16xi32>,
    %add3A_996 = arith.addi %add3A_985, %get3A_995 : vector<16xi32>
    %gt3A_997 = arith.constant 3 : i32
    %gt3A_998 = arith.cmpi sgt, %arg1, %gt3A_997 : i32
    %convert_element_type3A_999 = arith.extui %gt3A_998 : i1 to i32
    %mul3A_1000 = vector.broadcast %convert_element_type3A_999 : i32 to vector<16xi32>
    %mul3A_1001 = arith.muli %get3A_995, %mul3A_1000 : vector<16xi32>
    %add3A_1002 = arith.addi %add3A_991, %mul3A_1001 : vector<16xi32>
    %get3A_1003 = arith.constant 4 : i32
    %get3A_1004 = arith.index_cast %get3A_1003 : i32 to index
    %get3A_1005 = arith.constant 32 : index
    %get3A_1006 = tpu.vector_load %arg12[%get3A_1004, %get3A_1005] {strides = array<i32>} : memref<16x64xi32, #tpu.memory_space<vmem>>, vector<16xi32>,
    %add3A_1007 = arith.addi %add3A_996, %get3A_1006 : vector<16xi32>
    %gt3A_1008 = arith.constant 4 : i32
    %gt3A_1009 = arith.cmpi sgt, %arg1, %gt3A_1008 : i32
    %convert_element_type3A_1010 = arith.extui %gt3A_1009 : i1 to i32
    %mul3A_1011 = vector.broadcast %convert_element_type3A_1010 : i32 to vector<16xi32>
    %mul3A_1012 = arith.muli %get3A_1006, %mul3A_1011 : vector<16xi32>
    %add3A_1013 = arith.addi %add3A_1002, %mul3A_1012 : vector<16xi32>
    %get3A_1014 = arith.constant 5 : i32
    %get3A_1015 = arith.index_cast %get3A_1014 : i32 to index
    %get3A_1016 = arith.constant 32 : index
    %get3A_1017 = tpu.vector_load %arg12[%get3A_1015, %get3A_1016] {strides = array<i32>} : memref<16x64xi32, #tpu.memory_space<vmem>>, vector<16xi32>,
    %add3A_1018 = arith.addi %add3A_1007, %get3A_1017 : vector<16xi32>
    %gt3A_1019 = arith.constant 5 : i32
    %gt3A_1020 = arith.cmpi sgt, %arg1, %gt3A_1019 : i32
    %convert_element_type3A_1021 = arith.extui %gt3A_1020 : i1 to i32
    %mul3A_1022 = vector.broadcast %convert_element_type3A_1021 : i32 to vector<16xi32>
    %mul3A_1023 = arith.muli %get3A_1017, %mul3A_1022 : vector<16xi32>
    %add3A_1024 = arith.addi %add3A_1013, %mul3A_1023 : vector<16xi32>
    %get3A_1025 = arith.constant 6 : i32
    %get3A_1026 = arith.index_cast %get3A_1025 : i32 to index
    %get3A_1027 = arith.constant 32 : index
    %get3A_1028 = tpu.vector_load %arg12[%get3A_1026, %get3A_1027] {strides = array<i32>} : memref<16x64xi32, #tpu.memory_space<vmem>>, vector<16xi32>,
    %add3A_1029 = arith.addi %add3A_1018, %get3A_1028 : vector<16xi32>
    %gt3A_1030 = arith.constant 6 : i32
    %gt3A_1031 = arith.cmpi sgt, %arg1, %gt3A_1030 : i32
    %convert_element_type3A_1032 = arith.extui %gt3A_1031 : i1 to i32
    %mul3A_1033 = vector.broadcast %convert_element_type3A_1032 : i32 to vector<16xi32>
    %mul3A_1034 = arith.muli %get3A_1028, %mul3A_1033 : vector<16xi32>
    %add3A_1035 = arith.addi %add3A_1024, %mul3A_1034 : vector<16xi32>
    %get3A_1036 = arith.constant 7 : i32
    %get3A_1037 = arith.index_cast %get3A_1036 : i32 to index
    %get3A_1038 = arith.constant 32 : index
    %get3A_1039 = tpu.vector_load %arg12[%get3A_1037, %get3A_1038] {strides = array<i32>} : memref<16x64xi32, #tpu.memory_space<vmem>>, vector<16xi32>,
    %add3A_1040 = arith.addi %add3A_1029, %get3A_1039 : vector<16xi32>
    %gt3A_1041 = arith.constant 7 : i32
    %gt3A_1042 = arith.cmpi sgt, %arg1, %gt3A_1041 : i32
    %convert_element_type3A_1043 = arith.extui %gt3A_1042 : i1 to i32
    %mul3A_1044 = vector.broadcast %convert_element_type3A_1043 : i32 to vector<16xi32>
    %mul3A_1045 = arith.muli %get3A_1039, %mul3A_1044 : vector<16xi32>
    %add3A_1046 = arith.addi %add3A_1035, %mul3A_1045 : vector<16xi32>
    %get3A_1047 = arith.constant 8 : i32
    %get3A_1048 = arith.index_cast %get3A_1047 : i32 to index
    %get3A_1049 = arith.constant 32 : index
    %get3A_1050 = tpu.vector_load %arg12[%get3A_1048, %get3A_1049] {strides = array<i32>} : memref<16x64xi32, #tpu.memory_space<vmem>>, vector<16xi32>,
    %add3A_1051 = arith.addi %add3A_1040, %get3A_1050 : vector<16xi32>
    %gt3A_1052 = arith.constant 8 : i32
    %gt3A_1053 = arith.cmpi sgt, %arg1, %gt3A_1052 : i32
    %convert_element_type3A_1054 = arith.extui %gt3A_1053 : i1 to i32
    %mul3A_1055 = vector.broadcast %convert_element_type3A_1054 : i32 to vector<16xi32>
    %mul3A_1056 = arith.muli %get3A_1050, %mul3A_1055 : vector<16xi32>
    %add3A_1057 = arith.addi %add3A_1046, %mul3A_1056 : vector<16xi32>
    %get3A_1058 = arith.constant 9 : i32
    %get3A_1059 = arith.index_cast %get3A_1058 : i32 to index
    %get3A_1060 = arith.constant 32 : index
    %get3A_1061 = tpu.vector_load %arg12[%get3A_1059, %get3A_1060] {strides = array<i32>} : memref<16x64xi32, #tpu.memory_space<vmem>>, vector<16xi32>,
    %add3A_1062 = arith.addi %add3A_1051, %get3A_1061 : vector<16xi32>
    %gt3A_1063 = arith.constant 9 : i32
    %gt3A_1064 = arith.cmpi sgt, %arg1, %gt3A_1063 : i32
    %convert_element_type3A_1065 = arith.extui %gt3A_1064 : i1 to i32
    %mul3A_1066 = vector.broadcast %convert_element_type3A_1065 : i32 to vector<16xi32>
    %mul3A_1067 = arith.muli %get3A_1061, %mul3A_1066 : vector<16xi32>
    %add3A_1068 = arith.addi %add3A_1057, %mul3A_1067 : vector<16xi32>
    %get3A_1069 = arith.constant 10 : i32
    %get3A_1070 = arith.index_cast %get3A_1069 : i32 to index
    %get3A_1071 = arith.constant 32 : index
    %get3A_1072 = tpu.vector_load %arg12[%get3A_1070, %get3A_1071] {strides = array<i32>} : memref<16x64xi32, #tpu.memory_space<vmem>>, vector<16xi32>,
    %add3A_1073 = arith.addi %add3A_1062, %get3A_1072 : vector<16xi32>
    %gt3A_1074 = arith.constant 10 : i32
    %gt3A_1075 = arith.cmpi sgt, %arg1, %gt3A_1074 : i32
    %convert_element_type3A_1076 = arith.extui %gt3A_1075 : i1 to i32
    %mul3A_1077 = vector.broadcast %convert_element_type3A_1076 : i32 to vector<16xi32>
    %mul3A_1078 = arith.muli %get3A_1072, %mul3A_1077 : vector<16xi32>
    %add3A_1079 = arith.addi %add3A_1068, %mul3A_1078 : vector<16xi32>
    %get3A_1080 = arith.constant 11 : i32
    %get3A_1081 = arith.index_cast %get3A_1080 : i32 to index
    %get3A_1082 = arith.constant 32 : index
    %get3A_1083 = tpu.vector_load %arg12[%get3A_1081, %get3A_1082] {strides = array<i32>} : memref<16x64xi32, #tpu.memory_space<vmem>>, vector<16xi32>,
    %add3A_1084 = arith.addi %add3A_1073, %get3A_1083 : vector<16xi32>
    %gt3A_1085 = arith.constant 11 : i32
    %gt3A_1086 = arith.cmpi sgt, %arg1, %gt3A_1085 : i32
    %convert_element_type3A_1087 = arith.extui %gt3A_1086 : i1 to i32
    %mul3A_1088 = vector.broadcast %convert_element_type3A_1087 : i32 to vector<16xi32>
    %mul3A_1089 = arith.muli %get3A_1083, %mul3A_1088 : vector<16xi32>
    %add3A_1090 = arith.addi %add3A_1079, %mul3A_1089 : vector<16xi32>
    %get3A_1091 = arith.constant 12 : i32
    %get3A_1092 = arith.index_cast %get3A_1091 : i32 to index
    %get3A_1093 = arith.constant 32 : index
    %get3A_1094 = tpu.vector_load %arg12[%get3A_1092, %get3A_1093] {strides = array<i32>} : memref<16x64xi32, #tpu.memory_space<vmem>>, vector<16xi32>,
    %add3A_1095 = arith.addi %add3A_1084, %get3A_1094 : vector<16xi32>
    %gt3A_1096 = arith.constant 12 : i32
    %gt3A_1097 = arith.cmpi sgt, %arg1, %gt3A_1096 : i32
    %convert_element_type3A_1098 = arith.extui %gt3A_1097 : i1 to i32
    %mul3A_1099 = vector.broadcast %convert_element_type3A_1098 : i32 to vector<16xi32>
    %mul3A_1100 = arith.muli %get3A_1094, %mul3A_1099 : vector<16xi32>
    %add3A_1101 = arith.addi %add3A_1090, %mul3A_1100 : vector<16xi32>
    %get3A_1102 = arith.constant 13 : i32
    %get3A_1103 = arith.index_cast %get3A_1102 : i32 to index
    %get3A_1104 = arith.constant 32 : index
    %get3A_1105 = tpu.vector_load %arg12[%get3A_1103, %get3A_1104] {strides = array<i32>} : memref<16x64xi32, #tpu.memory_space<vmem>>, vector<16xi32>,
    %add3A_1106 = arith.addi %add3A_1095, %get3A_1105 : vector<16xi32>
    %gt3A_1107 = arith.constant 13 : i32
    %gt3A_1108 = arith.cmpi sgt, %arg1, %gt3A_1107 : i32
    %convert_element_type3A_1109 = arith.extui %gt3A_1108 : i1 to i32
    %mul3A_1110 = vector.broadcast %convert_element_type3A_1109 : i32 to vector<16xi32>
    %mul3A_1111 = arith.muli %get3A_1105, %mul3A_1110 : vector<16xi32>
    %add3A_1112 = arith.addi %add3A_1101, %mul3A_1111 : vector<16xi32>
    %get3A_1113 = arith.constant 14 : i32
    %get3A_1114 = arith.index_cast %get3A_1113 : i32 to index
    %get3A_1115 = arith.constant 32 : index
    %get3A_1116 = tpu.vector_load %arg12[%get3A_1114, %get3A_1115] {strides = array<i32>} : memref<16x64xi32, #tpu.memory_space<vmem>>, vector<16xi32>,
    %add3A_1117 = arith.addi %add3A_1106, %get3A_1116 : vector<16xi32>
    %gt3A_1118 = arith.constant 14 : i32
    %gt3A_1119 = arith.cmpi sgt, %arg1, %gt3A_1118 : i32
    %convert_element_type3A_1120 = arith.extui %gt3A_1119 : i1 to i32
    %mul3A_1121 = vector.broadcast %convert_element_type3A_1120 : i32 to vector<16xi32>
    %mul3A_1122 = arith.muli %get3A_1116, %mul3A_1121 : vector<16xi32>
    %add3A_1123 = arith.addi %add3A_1112, %mul3A_1122 : vector<16xi32>
    %get3A_1124 = arith.constant 15 : i32
    %get3A_1125 = arith.index_cast %get3A_1124 : i32 to index
    %get3A_1126 = arith.constant 32 : index
    %get3A_1127 = tpu.vector_load %arg12[%get3A_1125, %get3A_1126] {strides = array<i32>} : memref<16x64xi32, #tpu.memory_space<vmem>>, vector<16xi32>,
    %add3A_1128 = arith.addi %add3A_1117, %get3A_1127 : vector<16xi32>
    %gt3A_1129 = arith.constant 15 : i32
    %gt3A_1130 = arith.cmpi sgt, %arg1, %gt3A_1129 : i32
    %convert_element_type3A_1131 = arith.extui %gt3A_1130 : i1 to i32
    %mul3A_1132 = vector.broadcast %convert_element_type3A_1131 : i32 to vector<16xi32>
    %mul3A_1133 = arith.muli %get3A_1127, %mul3A_1132 : vector<16xi32>
    %add3A_1134 = arith.addi %add3A_1123, %mul3A_1133 : vector<16xi32>
    %broadcast_in_dim3A_1135 = arith.constant true
    %broadcast_in_dim3A_1136 = vector.broadcast %broadcast_in_dim3A_1135 : i1 to vector<16xi1>
    %masked_cumsum3A_1137 = tpu.scan <sum>, %add3A_1128 masked %broadcast_in_dim3A_1136 : vector<16xi32>, vector<16xi1> -> vector<16xi32>
    %sub3A_1138 = arith.subi %masked_cumsum3A_1137, %add3A_1128 : vector<16xi32>
    %add3A_1139 = arith.addi %sub3A_1138, %add3A_1134 : vector<16xi32>
    %add3A_1140 = vector.broadcast %add3A_954 : i32 to vector<16xi32>
    %add3A_1141 = arith.addi %add3A_1139, %add3A_1140 : vector<16xi32>
    %swap3A_1142 = arith.constant 32 : index
    %swap3A_1143 = tpu.vector_load %arg13[%swap3A_1142] {strides = array<i32>} : memref<64xi32, #tpu.memory_space<vmem>>, vector<16xi32>,
    tpu.vector_store %arg13[%swap3A_1142], %add3A_1141 {strides = array<i32>} : memref<64xi32, #tpu.memory_space<vmem>>, vector<16xi32>,
    %reduce_sum3A_1144 = arith.constant true
    %reduce_sum3A_1145 = vector.broadcast %reduce_sum3A_1144 : i1 to vector<16xi1>
    %reduce_sum3A_1146 = tpu.scan <sum>, %add3A_1128 masked %reduce_sum3A_1145 : vector<16xi32>, vector<16xi1> -> vector<16xi32>
    %reduce_sum3A_1147 = vector.extract %reduce_sum3A_1146[15] : i32 from vector<16xi32>
    %add3A_1148 = arith.addi %add3A_954, %reduce_sum3A_1147 : i32
    %broadcast_in_dim3A_1149 = arith.constant 0 : i32
    %broadcast_in_dim3A_1150 = vector.broadcast %broadcast_in_dim3A_1149 : i32 to vector<16xi32>
    %broadcast_in_dim3A_1151 = arith.constant 0 : i32
    %broadcast_in_dim3A_1152 = vector.broadcast %broadcast_in_dim3A_1151 : i32 to vector<16xi32>
    %get3A_1153 = arith.constant 0 : i32
    %get3A_1154 = arith.index_cast %get3A_1153 : i32 to index
    %get3A_1155 = arith.constant 48 : index
    %get3A_1156 = tpu.vector_load %arg12[%get3A_1154, %get3A_1155] {strides = array<i32>} : memref<16x64xi32, #tpu.memory_space<vmem>>, vector<16xi32>,
    %add3A_1157 = arith.addi %broadcast_in_dim3A_1150, %get3A_1156 : vector<16xi32>
    %gt3A_1158 = arith.constant 0 : i32
    %gt3A_1159 = arith.cmpi sgt, %arg1, %gt3A_1158 : i32
    %convert_element_type3A_1160 = arith.extui %gt3A_1159 : i1 to i32
    %mul3A_1161 = vector.broadcast %convert_element_type3A_1160 : i32 to vector<16xi32>
    %mul3A_1162 = arith.muli %get3A_1156, %mul3A_1161 : vector<16xi32>
    %add3A_1163 = arith.addi %broadcast_in_dim3A_1152, %mul3A_1162 : vector<16xi32>
    %get3A_1164 = arith.constant 1 : i32
    %get3A_1165 = arith.index_cast %get3A_1164 : i32 to index
    %get3A_1166 = arith.constant 48 : index
    %get3A_1167 = tpu.vector_load %arg12[%get3A_1165, %get3A_1166] {strides = array<i32>} : memref<16x64xi32, #tpu.memory_space<vmem>>, vector<16xi32>,
    %add3A_1168 = arith.addi %add3A_1157, %get3A_1167 : vector<16xi32>
    %gt3A_1169 = arith.constant 1 : i32
    %gt3A_1170 = arith.cmpi sgt, %arg1, %gt3A_1169 : i32
    %convert_element_type3A_1171 = arith.extui %gt3A_1170 : i1 to i32
    %mul3A_1172 = vector.broadcast %convert_element_type3A_1171 : i32 to vector<16xi32>
    %mul3A_1173 = arith.muli %get3A_1167, %mul3A_1172 : vector<16xi32>
    %add3A_1174 = arith.addi %add3A_1163, %mul3A_1173 : vector<16xi32>
    %get3A_1175 = arith.constant 2 : i32
    %get3A_1176 = arith.index_cast %get3A_1175 : i32 to index
    %get3A_1177 = arith.constant 48 : index
    %get3A_1178 = tpu.vector_load %arg12[%get3A_1176, %get3A_1177] {strides = array<i32>} : memref<16x64xi32, #tpu.memory_space<vmem>>, vector<16xi32>,
    %add3A_1179 = arith.addi %add3A_1168, %get3A_1178 : vector<16xi32>
    %gt3A_1180 = arith.constant 2 : i32
    %gt3A_1181 = arith.cmpi sgt, %arg1, %gt3A_1180 : i32
    %convert_element_type3A_1182 = arith.extui %gt3A_1181 : i1 to i32
    %mul3A_1183 = vector.broadcast %convert_element_type3A_1182 : i32 to vector<16xi32>
    %mul3A_1184 = arith.muli %get3A_1178, %mul3A_1183 : vector<16xi32>
    %add3A_1185 = arith.addi %add3A_1174, %mul3A_1184 : vector<16xi32>
    %get3A_1186 = arith.constant 3 : i32
    %get3A_1187 = arith.index_cast %get3A_1186 : i32 to index
    %get3A_1188 = arith.constant 48 : index
    %get3A_1189 = tpu.vector_load %arg12[%get3A_1187, %get3A_1188] {strides = array<i32>} : memref<16x64xi32, #tpu.memory_space<vmem>>, vector<16xi32>,
    %add3A_1190 = arith.addi %add3A_1179, %get3A_1189 : vector<16xi32>
    %gt3A_1191 = arith.constant 3 : i32
    %gt3A_1192 = arith.cmpi sgt, %arg1, %gt3A_1191 : i32
    %convert_element_type3A_1193 = arith.extui %gt3A_1192 : i1 to i32
    %mul3A_1194 = vector.broadcast %convert_element_type3A_1193 : i32 to vector<16xi32>
    %mul3A_1195 = arith.muli %get3A_1189, %mul3A_1194 : vector<16xi32>
    %add3A_1196 = arith.addi %add3A_1185, %mul3A_1195 : vector<16xi32>
    %get3A_1197 = arith.constant 4 : i32
    %get3A_1198 = arith.index_cast %get3A_1197 : i32 to index
    %get3A_1199 = arith.constant 48 : index
    %get3A_1200 = tpu.vector_load %arg12[%get3A_1198, %get3A_1199] {strides = array<i32>} : memref<16x64xi32, #tpu.memory_space<vmem>>, vector<16xi32>,
    %add3A_1201 = arith.addi %add3A_1190, %get3A_1200 : vector<16xi32>
    %gt3A_1202 = arith.constant 4 : i32
    %gt3A_1203 = arith.cmpi sgt, %arg1, %gt3A_1202 : i32
    %convert_element_type3A_1204 = arith.extui %gt3A_1203 : i1 to i32
    %mul3A_1205 = vector.broadcast %convert_element_type3A_1204 : i32 to vector<16xi32>
    %mul3A_1206 = arith.muli %get3A_1200, %mul3A_1205 : vector<16xi32>
    %add3A_1207 = arith.addi %add3A_1196, %mul3A_1206 : vector<16xi32>
    %get3A_1208 = arith.constant 5 : i32
    %get3A_1209 = arith.index_cast %get3A_1208 : i32 to index
    %get3A_1210 = arith.constant 48 : index
    %get3A_1211 = tpu.vector_load %arg12[%get3A_1209, %get3A_1210] {strides = array<i32>} : memref<16x64xi32, #tpu.memory_space<vmem>>, vector<16xi32>,
    %add3A_1212 = arith.addi %add3A_1201, %get3A_1211 : vector<16xi32>
    %gt3A_1213 = arith.constant 5 : i32
    %gt3A_1214 = arith.cmpi sgt, %arg1, %gt3A_1213 : i32
    %convert_element_type3A_1215 = arith.extui %gt3A_1214 : i1 to i32
    %mul3A_1216 = vector.broadcast %convert_element_type3A_1215 : i32 to vector<16xi32>
    %mul3A_1217 = arith.muli %get3A_1211, %mul3A_1216 : vector<16xi32>
    %add3A_1218 = arith.addi %add3A_1207, %mul3A_1217 : vector<16xi32>
    %get3A_1219 = arith.constant 6 : i32
    %get3A_1220 = arith.index_cast %get3A_1219 : i32 to index
    %get3A_1221 = arith.constant 48 : index
    %get3A_1222 = tpu.vector_load %arg12[%get3A_1220, %get3A_1221] {strides = array<i32>} : memref<16x64xi32, #tpu.memory_space<vmem>>, vector<16xi32>,
    %add3A_1223 = arith.addi %add3A_1212, %get3A_1222 : vector<16xi32>
    %gt3A_1224 = arith.constant 6 : i32
    %gt3A_1225 = arith.cmpi sgt, %arg1, %gt3A_1224 : i32
    %convert_element_type3A_1226 = arith.extui %gt3A_1225 : i1 to i32
    %mul3A_1227 = vector.broadcast %convert_element_type3A_1226 : i32 to vector<16xi32>
    %mul3A_1228 = arith.muli %get3A_1222, %mul3A_1227 : vector<16xi32>
    %add3A_1229 = arith.addi %add3A_1218, %mul3A_1228 : vector<16xi32>
    %get3A_1230 = arith.constant 7 : i32
    %get3A_1231 = arith.index_cast %get3A_1230 : i32 to index
    %get3A_1232 = arith.constant 48 : index
    %get3A_1233 = tpu.vector_load %arg12[%get3A_1231, %get3A_1232] {strides = array<i32>} : memref<16x64xi32, #tpu.memory_space<vmem>>, vector<16xi32>,
    %add3A_1234 = arith.addi %add3A_1223, %get3A_1233 : vector<16xi32>
    %gt3A_1235 = arith.constant 7 : i32
    %gt3A_1236 = arith.cmpi sgt, %arg1, %gt3A_1235 : i32
    %convert_element_type3A_1237 = arith.extui %gt3A_1236 : i1 to i32
    %mul3A_1238 = vector.broadcast %convert_element_type3A_1237 : i32 to vector<16xi32>
    %mul3A_1239 = arith.muli %get3A_1233, %mul3A_1238 : vector<16xi32>
    %add3A_1240 = arith.addi %add3A_1229, %mul3A_1239 : vector<16xi32>
    %get3A_1241 = arith.constant 8 : i32
    %get3A_1242 = arith.index_cast %get3A_1241 : i32 to index
    %get3A_1243 = arith.constant 48 : index
    %get3A_1244 = tpu.vector_load %arg12[%get3A_1242, %get3A_1243] {strides = array<i32>} : memref<16x64xi32, #tpu.memory_space<vmem>>, vector<16xi32>,
    %add3A_1245 = arith.addi %add3A_1234, %get3A_1244 : vector<16xi32>
    %gt3A_1246 = arith.constant 8 : i32
    %gt3A_1247 = arith.cmpi sgt, %arg1, %gt3A_1246 : i32
    %convert_element_type3A_1248 = arith.extui %gt3A_1247 : i1 to i32
    %mul3A_1249 = vector.broadcast %convert_element_type3A_1248 : i32 to vector<16xi32>
    %mul3A_1250 = arith.muli %get3A_1244, %mul3A_1249 : vector<16xi32>
    %add3A_1251 = arith.addi %add3A_1240, %mul3A_1250 : vector<16xi32>
    %get3A_1252 = arith.constant 9 : i32
    %get3A_1253 = arith.index_cast %get3A_1252 : i32 to index
    %get3A_1254 = arith.constant 48 : index
    %get3A_1255 = tpu.vector_load %arg12[%get3A_1253, %get3A_1254] {strides = array<i32>} : memref<16x64xi32, #tpu.memory_space<vmem>>, vector<16xi32>,
    %add3A_1256 = arith.addi %add3A_1245, %get3A_1255 : vector<16xi32>
    %gt3A_1257 = arith.constant 9 : i32
    %gt3A_1258 = arith.cmpi sgt, %arg1, %gt3A_1257 : i32
    %convert_element_type3A_1259 = arith.extui %gt3A_1258 : i1 to i32
    %mul3A_1260 = vector.broadcast %convert_element_type3A_1259 : i32 to vector<16xi32>
    %mul3A_1261 = arith.muli %get3A_1255, %mul3A_1260 : vector<16xi32>
    %add3A_1262 = arith.addi %add3A_1251, %mul3A_1261 : vector<16xi32>
    %get3A_1263 = arith.constant 10 : i32
    %get3A_1264 = arith.index_cast %get3A_1263 : i32 to index
    %get3A_1265 = arith.constant 48 : index
    %get3A_1266 = tpu.vector_load %arg12[%get3A_1264, %get3A_1265] {strides = array<i32>} : memref<16x64xi32, #tpu.memory_space<vmem>>, vector<16xi32>,
    %add3A_1267 = arith.addi %add3A_1256, %get3A_1266 : vector<16xi32>
    %gt3A_1268 = arith.constant 10 : i32
    %gt3A_1269 = arith.cmpi sgt, %arg1, %gt3A_1268 : i32
    %convert_element_type3A_1270 = arith.extui %gt3A_1269 : i1 to i32
    %mul3A_1271 = vector.broadcast %convert_element_type3A_1270 : i32 to vector<16xi32>
    %mul3A_1272 = arith.muli %get3A_1266, %mul3A_1271 : vector<16xi32>
    %add3A_1273 = arith.addi %add3A_1262, %mul3A_1272 : vector<16xi32>
    %get3A_1274 = arith.constant 11 : i32
    %get3A_1275 = arith.index_cast %get3A_1274 : i32 to index
    %get3A_1276 = arith.constant 48 : index
    %get3A_1277 = tpu.vector_load %arg12[%get3A_1275, %get3A_1276] {strides = array<i32>} : memref<16x64xi32, #tpu.memory_space<vmem>>, vector<16xi32>,
    %add3A_1278 = arith.addi %add3A_1267, %get3A_1277 : vector<16xi32>
    %gt3A_1279 = arith.constant 11 : i32
    %gt3A_1280 = arith.cmpi sgt, %arg1, %gt3A_1279 : i32
    %convert_element_type3A_1281 = arith.extui %gt3A_1280 : i1 to i32
    %mul3A_1282 = vector.broadcast %convert_element_type3A_1281 : i32 to vector<16xi32>
    %mul3A_1283 = arith.muli %get3A_1277, %mul3A_1282 : vector<16xi32>
    %add3A_1284 = arith.addi %add3A_1273, %mul3A_1283 : vector<16xi32>
    %get3A_1285 = arith.constant 12 : i32
    %get3A_1286 = arith.index_cast %get3A_1285 : i32 to index
    %get3A_1287 = arith.constant 48 : index
    %get3A_1288 = tpu.vector_load %arg12[%get3A_1286, %get3A_1287] {strides = array<i32>} : memref<16x64xi32, #tpu.memory_space<vmem>>, vector<16xi32>,
    %add3A_1289 = arith.addi %add3A_1278, %get3A_1288 : vector<16xi32>
    %gt3A_1290 = arith.constant 12 : i32
    %gt3A_1291 = arith.cmpi sgt, %arg1, %gt3A_1290 : i32
    %convert_element_type3A_1292 = arith.extui %gt3A_1291 : i1 to i32
    %mul3A_1293 = vector.broadcast %convert_element_type3A_1292 : i32 to vector<16xi32>
    %mul3A_1294 = arith.muli %get3A_1288, %mul3A_1293 : vector<16xi32>
    %add3A_1295 = arith.addi %add3A_1284, %mul3A_1294 : vector<16xi32>
    %get3A_1296 = arith.constant 13 : i32
    %get3A_1297 = arith.index_cast %get3A_1296 : i32 to index
    %get3A_1298 = arith.constant 48 : index
    %get3A_1299 = tpu.vector_load %arg12[%get3A_1297, %get3A_1298] {strides = array<i32>} : memref<16x64xi32, #tpu.memory_space<vmem>>, vector<16xi32>,
    %add3A_1300 = arith.addi %add3A_1289, %get3A_1299 : vector<16xi32>
    %gt3A_1301 = arith.constant 13 : i32
    %gt3A_1302 = arith.cmpi sgt, %arg1, %gt3A_1301 : i32
    %convert_element_type3A_1303 = arith.extui %gt3A_1302 : i1 to i32
    %mul3A_1304 = vector.broadcast %convert_element_type3A_1303 : i32 to vector<16xi32>
    %mul3A_1305 = arith.muli %get3A_1299, %mul3A_1304 : vector<16xi32>
    %add3A_1306 = arith.addi %add3A_1295, %mul3A_1305 : vector<16xi32>
    %get3A_1307 = arith.constant 14 : i32
    %get3A_1308 = arith.index_cast %get3A_1307 : i32 to index
    %get3A_1309 = arith.constant 48 : index
    %get3A_1310 = tpu.vector_load %arg12[%get3A_1308, %get3A_1309] {strides = array<i32>} : memref<16x64xi32, #tpu.memory_space<vmem>>, vector<16xi32>,
    %add3A_1311 = arith.addi %add3A_1300, %get3A_1310 : vector<16xi32>
    %gt3A_1312 = arith.constant 14 : i32
    %gt3A_1313 = arith.cmpi sgt, %arg1, %gt3A_1312 : i32
    %convert_element_type3A_1314 = arith.extui %gt3A_1313 : i1 to i32
    %mul3A_1315 = vector.broadcast %convert_element_type3A_1314 : i32 to vector<16xi32>
    %mul3A_1316 = arith.muli %get3A_1310, %mul3A_1315 : vector<16xi32>
    %add3A_1317 = arith.addi %add3A_1306, %mul3A_1316 : vector<16xi32>
    %get3A_1318 = arith.constant 15 : i32
    %get3A_1319 = arith.index_cast %get3A_1318 : i32 to index
    %get3A_1320 = arith.constant 48 : index
    %get3A_1321 = tpu.vector_load %arg12[%get3A_1319, %get3A_1320] {strides = array<i32>} : memref<16x64xi32, #tpu.memory_space<vmem>>, vector<16xi32>,
    %add3A_1322 = arith.addi %add3A_1311, %get3A_1321 : vector<16xi32>
    %gt3A_1323 = arith.constant 15 : i32
    %gt3A_1324 = arith.cmpi sgt, %arg1, %gt3A_1323 : i32
    %convert_element_type3A_1325 = arith.extui %gt3A_1324 : i1 to i32
    %mul3A_1326 = vector.broadcast %convert_element_type3A_1325 : i32 to vector<16xi32>
    %mul3A_1327 = arith.muli %get3A_1321, %mul3A_1326 : vector<16xi32>
    %add3A_1328 = arith.addi %add3A_1317, %mul3A_1327 : vector<16xi32>
    %broadcast_in_dim3A_1329 = arith.constant true
    %broadcast_in_dim3A_1330 = vector.broadcast %broadcast_in_dim3A_1329 : i1 to vector<16xi1>
    %masked_cumsum3A_1331 = tpu.scan <sum>, %add3A_1322 masked %broadcast_in_dim3A_1330 : vector<16xi32>, vector<16xi1> -> vector<16xi32>
    %sub3A_1332 = arith.subi %masked_cumsum3A_1331, %add3A_1322 : vector<16xi32>
    %add3A_1333 = arith.addi %sub3A_1332, %add3A_1328 : vector<16xi32>
    %add3A_1334 = vector.broadcast %add3A_1148 : i32 to vector<16xi32>
    %add3A_1335 = arith.addi %add3A_1333, %add3A_1334 : vector<16xi32>
    %swap3A_1336 = arith.constant 48 : index
    %swap3A_1337 = tpu.vector_load %arg13[%swap3A_1336] {strides = array<i32>} : memref<64xi32, #tpu.memory_space<vmem>>, vector<16xi32>,
    tpu.vector_store %arg13[%swap3A_1336], %add3A_1335 {strides = array<i32>} : memref<64xi32, #tpu.memory_space<vmem>>, vector<16xi32>,
    %reduce_sum3A_1338 = arith.constant true
    %reduce_sum3A_1339 = vector.broadcast %reduce_sum3A_1338 : i1 to vector<16xi1>
    %reduce_sum3A_1340 = tpu.scan <sum>, %add3A_1322 masked %reduce_sum3A_1339 : vector<16xi32>, vector<16xi1> -> vector<16xi32>
    %reduce_sum3A_1341 = vector.extract %reduce_sum3A_1340[15] : i32 from vector<16xi32>
    %add3A_1342 = arith.addi %add3A_1148, %reduce_sum3A_1341 : i32
    %iota3A_1343 = tpu.iota {dimensions = array<i32: 0>} : vector<16xi32>
    %eq3A = arith.constant 0 : i32
    %eq3A_1344 = vector.broadcast %eq3A : i32 to vector<16xi32>
    %eq3A_1345 = arith.cmpi eq, %iota3A_1343, %eq3A_1344 : vector<16xi32>
    %scan3A = arith.constant 0 : i32
    %scan3A_1346 = arith.constant 0 : i32
    %scan3A_1347 = arith.constant 256 : i32
    %scan3A_1348 = arith.addi %scan3A_1346, %scan3A_1347 : i32
    %scan3A_1349 = arith.constant 1 : i32
    %scan3A_1350 = scf.for %scan3A_1362 = %scan3A_1346 to %scan3A_1348 step %scan3A_1349 iter_args(%scan3A_1363 = %scan3A) -> (i32)  : i32 {
      %broadcast_in_dim3A_1364 = vector.broadcast %scan3A_1362 : i32 to vector<16xi32>
      %gather3A = tpu.vector_load_idx %arg9[%broadcast_in_dim3A_1364] : memref<256xi32, #tpu.memory_space<vmem>>[vector<16xi32>], vector<16xi32>,
      %gather3A_1365 = tpu.vector_load_idx %arg13[%gather3A] : memref<64xi32, #tpu.memory_space<vmem>>[vector<16xi32>], vector<16xi32>,
      %add3A_1366 = arith.constant 1 : i32
      %add3A_1367 = vector.broadcast %add3A_1366 : i32 to vector<16xi32>
      %add3A_1368 = arith.addi %gather3A_1365, %add3A_1367 : vector<16xi32>
      tpu.vector_store_idx %arg13[%gather3A], %add3A_1368 masked %eq3A_1345 : memref<64xi32, #tpu.memory_space<vmem>>[vector<16xi32>], vector<16xi32>, vector<16xi1>
      tpu.vector_store_idx %arg14[%broadcast_in_dim3A_1364], %gather3A_1365 masked %eq3A_1345 : memref<256xi32, #tpu.memory_space<vmem>>[vector<16xi32>], vector<16xi32>, vector<16xi1>
      %scan3A_1369 = arith.constant 0 : i32
      scf.yield %scan3A_1369 : i32
    }
    %scan3A_1351 = arith.constant 256 : i32
    "tpu.region"() ({
      %run_scoped3A = tpu.sem_alloc : memref<!tpu.dma_semaphore, #tpu.memory_space<semaphore_mem>>
      %dma_start3A_1362 = arith.constant 0 : i32
      %dma_start3A_1363 = tpu.memref_slice %arg3[%mul3A_0, %dma_start3A_1362] : memref<4096x16xf32, #tpu.memory_space<hbm>> -> memref<256x16xf32, #tpu.memory_space<hbm>>
      %dma_start3A_1364 = arith.constant 0 : i32
      %dma_start3A_1365 = tpu.memref_slice %arg3[%mul3A_0, %dma_start3A_1364] : memref<4096x16xf32, #tpu.memory_space<hbm>> -> memref<256x16xf32, #tpu.memory_space<hbm>>
      tpu.enqueue_dma source(%dma_start3A_1365 : memref<256x16xf32, #tpu.memory_space<hbm>>) target(%arg15 : memref<256x16xf32, #tpu.memory_space<vmem>>) target_semaphore(%run_scoped3A : memref<!tpu.dma_semaphore, #tpu.memory_space<semaphore_mem>>)
      %dma_wait3A_1366 = arith.constant 0 : i32
      %dma_wait3A_1367 = tpu.memref_slice %arg3[%mul3A_0, %dma_wait3A_1366] : memref<4096x16xf32, #tpu.memory_space<hbm>> -> memref<256x16xf32, #tpu.memory_space<hbm>>
      %dma_wait3A_1368 = arith.constant 0 : i32
      %dma_wait3A_1369 = tpu.memref_slice %arg3[%mul3A_0, %dma_wait3A_1368] : memref<4096x16xf32, #tpu.memory_space<hbm>> -> memref<256x16xf32, #tpu.memory_space<hbm>>
      tpu.wait_dma2 semaphore(%run_scoped3A : memref<!tpu.dma_semaphore, #tpu.memory_space<semaphore_mem>>) src(%dma_wait3A_1369 : memref<256x16xf32, #tpu.memory_space<hbm>>) dst(%arg15 : memref<256x16xf32, #tpu.memory_space<vmem>>)
      tpu.yield
    }) : () -> ()
    "tpu.region"() ({
      %run_scoped3A = tpu.sem_alloc : memref<!tpu.dma_semaphore, #tpu.memory_space<semaphore_mem>>
      %dma_start3A_1362 = arith.constant 0 : i32
      %dma_start3A_1363 = tpu.memref_slice %arg4[%mul3A_0, %dma_start3A_1362] : memref<4096x64xf32, #tpu.memory_space<hbm>> -> memref<256x64xf32, #tpu.memory_space<hbm>>
      %dma_start3A_1364 = arith.constant 0 : i32
      %dma_start3A_1365 = tpu.memref_slice %arg4[%mul3A_0, %dma_start3A_1364] : memref<4096x64xf32, #tpu.memory_space<hbm>> -> memref<256x64xf32, #tpu.memory_space<hbm>>
      tpu.enqueue_dma source(%dma_start3A_1365 : memref<256x64xf32, #tpu.memory_space<hbm>>) target(%arg16 : memref<256x64xf32, #tpu.memory_space<vmem>>) target_semaphore(%run_scoped3A : memref<!tpu.dma_semaphore, #tpu.memory_space<semaphore_mem>>)
      %dma_wait3A_1366 = arith.constant 0 : i32
      %dma_wait3A_1367 = tpu.memref_slice %arg4[%mul3A_0, %dma_wait3A_1366] : memref<4096x64xf32, #tpu.memory_space<hbm>> -> memref<256x64xf32, #tpu.memory_space<hbm>>
      %dma_wait3A_1368 = arith.constant 0 : i32
      %dma_wait3A_1369 = tpu.memref_slice %arg4[%mul3A_0, %dma_wait3A_1368] : memref<4096x64xf32, #tpu.memory_space<hbm>> -> memref<256x64xf32, #tpu.memory_space<hbm>>
      tpu.wait_dma2 semaphore(%run_scoped3A : memref<!tpu.dma_semaphore, #tpu.memory_space<semaphore_mem>>) src(%dma_wait3A_1369 : memref<256x64xf32, #tpu.memory_space<hbm>>) dst(%arg16 : memref<256x64xf32, #tpu.memory_space<vmem>>)
      tpu.yield
    }) : () -> ()
    %dma_start3A = arith.constant 0 : i32
    %dma_start3A_1352 = arith.constant 0 : i32
    %dma_start3A_1353 = tpu.memref_slice %arg5[%dma_start3A, %dma_start3A_1352] : memref<4096x16xf32, #tpu.memory_space<hbm>> -> memref<4096x16xf32, #tpu.memory_space<hbm>>
    tpu.enqueue_indirect_dma source(%arg15 : memref<256x16xf32, #tpu.memory_space<vmem>>) target(%dma_start3A_1353 : memref<4096x16xf32, #tpu.memory_space<hbm>>) offsets(%arg14 : memref<256xi32, #tpu.memory_space<vmem>>) semaphore(%arg18 : memref<!tpu.dma_semaphore, #tpu.memory_space<semaphore_mem>>)
    %dma_wait3A = arith.constant 0 : i32
    %dma_wait3A_1354 = arith.constant 0 : i32
    %dma_wait3A_1355 = tpu.memref_slice %arg5[%dma_wait3A, %dma_wait3A_1354] : memref<4096x16xf32, #tpu.memory_space<hbm>> -> memref<4096x16xf32, #tpu.memory_space<hbm>>
    tpu.wait_indirect_dma semaphore(%arg18 : memref<!tpu.dma_semaphore, #tpu.memory_space<semaphore_mem>>) src(%arg15 : memref<256x16xf32, #tpu.memory_space<vmem>>) dst(%dma_wait3A_1355 : memref<4096x16xf32, #tpu.memory_space<hbm>>)
    %dma_start3A_1356 = arith.constant 0 : i32
    %dma_start3A_1357 = arith.constant 0 : i32
    %dma_start3A_1358 = tpu.memref_slice %arg6[%dma_start3A_1356, %dma_start3A_1357] : memref<4096x64xf32, #tpu.memory_space<hbm>> -> memref<4096x64xf32, #tpu.memory_space<hbm>>
    tpu.enqueue_indirect_dma source(%arg16 : memref<256x64xf32, #tpu.memory_space<vmem>>) target(%dma_start3A_1358 : memref<4096x64xf32, #tpu.memory_space<hbm>>) offsets(%arg14 : memref<256xi32, #tpu.memory_space<vmem>>) semaphore(%arg18 : memref<!tpu.dma_semaphore, #tpu.memory_space<semaphore_mem>>)
    %dma_wait3A_1359 = arith.constant 0 : i32
    %dma_wait3A_1360 = arith.constant 0 : i32
    %dma_wait3A_1361 = tpu.memref_slice %arg6[%dma_wait3A_1359, %dma_wait3A_1360] : memref<4096x64xf32, #tpu.memory_space<hbm>> -> memref<4096x64xf32, #tpu.memory_space<hbm>>
    tpu.wait_indirect_dma semaphore(%arg18 : memref<!tpu.dma_semaphore, #tpu.memory_space<semaphore_mem>>) src(%arg16 : memref<256x64xf32, #tpu.memory_space<vmem>>) dst(%dma_wait3A_1361 : memref<4096x64xf32, #tpu.memory_space<hbm>>)
    "tpu.region"() ({
      %run_scoped3A = tpu.sem_alloc : memref<!tpu.dma_semaphore, #tpu.memory_space<semaphore_mem>>
      %dma_start3A_1362 = tpu.memref_slice %arg7[%mul3A_0] : memref<4096xi32, #tpu.memory_space<hbm>> -> memref<256xi32, #tpu.memory_space<hbm>>
      %dma_start3A_1363 = tpu.memref_slice %arg7[%mul3A_0] : memref<4096xi32, #tpu.memory_space<hbm>> -> memref<256xi32, #tpu.memory_space<hbm>>
      tpu.enqueue_dma source(%arg14 : memref<256xi32, #tpu.memory_space<vmem>>) target(%dma_start3A_1363 : memref<256xi32, #tpu.memory_space<hbm>>) target_semaphore(%run_scoped3A : memref<!tpu.dma_semaphore, #tpu.memory_space<semaphore_mem>>)
      %dma_wait3A_1364 = tpu.memref_slice %arg7[%mul3A_0] : memref<4096xi32, #tpu.memory_space<hbm>> -> memref<256xi32, #tpu.memory_space<hbm>>
      %dma_wait3A_1365 = tpu.memref_slice %arg7[%mul3A_0] : memref<4096xi32, #tpu.memory_space<hbm>> -> memref<256xi32, #tpu.memory_space<hbm>>
      tpu.wait_dma2 semaphore(%run_scoped3A : memref<!tpu.dma_semaphore, #tpu.memory_space<semaphore_mem>>) src(%arg14 : memref<256xi32, #tpu.memory_space<vmem>>) dst(%dma_wait3A_1365 : memref<256xi32, #tpu.memory_space<hbm>>)
      tpu.yield
    }) : () -> ()
    return
  }
}

module attributes {stable_mosaic.version = 14 : i64} {
  func.func @_windowed_body(%arg0: i32, %arg1: memref<512x4xf32, #tpu.memory_space<vmem>>, %arg2: memref<4x4096xf32, #tpu.memory_space<vmem>>, %arg3: memref<512x1xf32, #tpu.memory_space<vmem>>, %arg4: memref<1x4096xf32, #tpu.memory_space<vmem>>, %arg5: memref<512x1xf32, #tpu.memory_space<vmem>>, %arg6: memref<1x4096xf32, #tpu.memory_space<vmem>>, %arg7: memref<4096x64xf32, #tpu.memory_space<vmem>>, %arg8: memref<64x64xf32, #tpu.memory_space<vmem>>, %arg9: memref<1x64xf32, #tpu.memory_space<vmem>>, %arg10: memref<512x64xf32, #tpu.memory_space<vmem>>, %arg11: memref<4096x64xf32, #tpu.memory_space<vmem>>) attributes {dimension_semantics = [#tpu.dimension_semantics<arbitrary>], iteration_bounds = array<i64: 8>, scalar_prefetch = 0 : i64, scratch_operands = 1 : i64, tpu.core_type = #tpu.core_type<tc>, window_params = [{transform_indices = @transform_0, window_bounds = array<i64: 512, 4>}, {pipeline_mode = #tpu.pipeline_mode<synchronous>, transform_indices = @transform_1, window_bounds = array<i64: 4, 4096>}, {transform_indices = @transform_2, window_bounds = array<i64: 512, 1>}, {pipeline_mode = #tpu.pipeline_mode<synchronous>, transform_indices = @transform_3, window_bounds = array<i64: 1, 4096>}, {transform_indices = @transform_4, window_bounds = array<i64: 512, 1>}, {pipeline_mode = #tpu.pipeline_mode<synchronous>, transform_indices = @transform_5, window_bounds = array<i64: 1, 4096>}, {pipeline_mode = #tpu.pipeline_mode<synchronous>, transform_indices = @transform_6, window_bounds = array<i64: 4096, 64>}, {pipeline_mode = #tpu.pipeline_mode<synchronous>, transform_indices = @transform_7, window_bounds = array<i64: 64, 64>}, {pipeline_mode = #tpu.pipeline_mode<synchronous>, transform_indices = @transform_8, window_bounds = array<i64: 1, 64>}, {transform_indices = @transform_9, window_bounds = array<i64: 512, 64>}]} {
    %eq3A = arith.constant 0 : i32
    %eq3A_0 = arith.cmpi eq, %arg0, %eq3A : i32
    %convert_element_type3A = arith.extui %eq3A_0 : i1 to i32
    %cond3A = arith.constant 0 : i32
    %cond3A_1 = arith.cmpi ne, %convert_element_type3A, %cond3A : i32
    scf.if %cond3A_1 {
      %get3A_114 = arith.constant 0 : index
      %get3A_115 = arith.constant 0 : index
      %get3A_116 = vector.load %arg7[%get3A_114, %get3A_115] : memref<4096x64xf32, #tpu.memory_space<vmem>>, vector<4096x64xf32>
      %get3A_117 = arith.constant 0 : index
      %get3A_118 = arith.constant 0 : index
      %get3A_119 = vector.load %arg8[%get3A_117, %get3A_118] : memref<64x64xf32, #tpu.memory_space<vmem>>, vector<64x64xf32>
      %dot_general3A = arith.constant dense<0.000000e+00> : vector<4096x64xf32>
      %dot_general3A_120 = tpu.matmul %get3A_116, %get3A_119, %dot_general3A {dimension_numbers = #tpu.dot_dimension_numbers<[1], [0], [0], [1], [0, 0, 1, 1], [], []>, precision = #tpu.contract_precision<fp32>, transpose_lhs_hint = false} : vector<4096x64xf32>, vector<64x64xf32>, vector<4096x64xf32> -> vector<4096x64xf32>
      %swap3A_121 = arith.constant 0 : index
      %swap3A_122 = arith.constant 0 : index
      %swap3A_123 = vector.load %arg11[%swap3A_121, %swap3A_122] : memref<4096x64xf32, #tpu.memory_space<vmem>>, vector<4096x64xf32>
      tpu.vector_store %arg11[%swap3A_121, %swap3A_122], %dot_general3A_120 {strides = array<i32>} : memref<4096x64xf32, #tpu.memory_space<vmem>>, vector<4096x64xf32>,
    } else {
    }
    %get3A = arith.constant 0 : index
    %get3A_2 = arith.constant 0 : index
    %get3A_3 = vector.load %arg1[%get3A, %get3A_2] : memref<512x4xf32, #tpu.memory_space<vmem>>, vector<512x4xf32>
    %get3A_4 = arith.constant 0 : index
    %get3A_5 = arith.constant 0 : index
    %get3A_6 = vector.load %arg3[%get3A_4, %get3A_5] : memref<512x1xf32, #tpu.memory_space<vmem>>, vector<512x1xf32>
    %get3A_7 = arith.constant 0 : index
    %get3A_8 = arith.constant 0 : index
    %get3A_9 = vector.load %arg5[%get3A_7, %get3A_8] : memref<512x1xf32, #tpu.memory_space<vmem>>, vector<512x1xf32>
    %reduce_min3A = vector.shape_cast %get3A_6 : vector<512x1xf32> to vector<1x512x1xf32>
    %reduce_min3A_10 = arith.constant dense<0x7F800000> : vector<1xf32>
    %reduce_min3A_11 = vector.multi_reduction <minimumf>, %reduce_min3A, %reduce_min3A_10 [1, 2] : vector<1x512x1xf32> to vector<1xf32>
    %reduce_min3A_12 = vector.shape_cast %reduce_min3A_11 : vector<1xf32> to vector<1x1x1xf32>
    %reduce_min3A_13 = vector.extract %reduce_min3A_12[0, 0, 0] : f32 from vector<1x1x1xf32>
    %sub3A = arith.constant 1.500000e-01 : f32
    %sub3A_14 = arith.subf %reduce_min3A_13, %sub3A : f32
    %mul3A = arith.constant 6.400000e+01 : f32
    %mul3A_15 = arith.mulf %sub3A_14, %mul3A : f32
    %floor3A = math.floor %mul3A_15 : f32
    %reduce_max3A = vector.shape_cast %get3A_6 : vector<512x1xf32> to vector<1x512x1xf32>
    %reduce_max3A_16 = arith.constant dense<0xFF800000> : vector<1xf32>
    %reduce_max3A_17 = vector.multi_reduction <maximumf>, %reduce_max3A, %reduce_max3A_16 [1, 2] : vector<1x512x1xf32> to vector<1xf32>
    %reduce_max3A_18 = vector.shape_cast %reduce_max3A_17 : vector<1xf32> to vector<1x1x1xf32>
    %reduce_max3A_19 = vector.extract %reduce_max3A_18[0, 0, 0] : f32 from vector<1x1x1xf32>
    %add3A = arith.constant 1.500000e-01 : f32
    %add3A_20 = arith.addf %reduce_max3A_19, %add3A : f32
    %mul3A_21 = arith.constant 6.400000e+01 : f32
    %mul3A_22 = arith.mulf %add3A_20, %mul3A_21 : f32
    %floor3A_23 = math.floor %mul3A_22 : f32
    %get3A_24 = arith.constant 0 : index
    %get3A_25 = arith.constant 0 : index
    %get3A_26 = vector.load %arg4[%get3A_24, %get3A_25] : memref<1x4096xf32, #tpu.memory_space<vmem>>, vector<1x4096xf32>
    %mul3A_27 = arith.constant 6.400000e+01 : f32
    %mul3A_28 = vector.broadcast %mul3A_27 : f32 to vector<1x4096xf32>
    %mul3A_29 = arith.mulf %get3A_26, %mul3A_28 : vector<1x4096xf32>
    %floor3A_30 = math.floor %mul3A_29 : vector<1x4096xf32>
    %lt3A = vector.broadcast %floor3A : f32 to vector<1x4096xf32>
    %lt3A_31 = arith.cmpf olt, %floor3A_30, %lt3A : vector<1x4096xf32>
    %convert_element_type3A_32 = arith.extui %lt3A_31 : vector<1x4096xi1> to vector<1x4096xi32>
    %reduce_sum3A = vector.shape_cast %convert_element_type3A_32 : vector<1x4096xi32> to vector<1x1x4096xi32>
    %reduce_sum3A_33 = arith.constant dense<0> : vector<1xi32>
    %reduce_sum3A_34 = vector.multi_reduction <add>, %reduce_sum3A, %reduce_sum3A_33 [1, 2] : vector<1x1x4096xi32> to vector<1xi32>
    %reduce_sum3A_35 = vector.shape_cast %reduce_sum3A_34 : vector<1xi32> to vector<1x1x1xi32>
    %reduce_sum3A_36 = vector.extract %reduce_sum3A_35[0, 0, 0] : i32 from vector<1x1x1xi32>
    %le3A = vector.broadcast %floor3A_23 : f32 to vector<1x4096xf32>
    %le3A_37 = arith.cmpf ole, %floor3A_30, %le3A : vector<1x4096xf32>
    %convert_element_type3A_38 = arith.extui %le3A_37 : vector<1x4096xi1> to vector<1x4096xi32>
    %reduce_sum3A_39 = vector.shape_cast %convert_element_type3A_38 : vector<1x4096xi32> to vector<1x1x4096xi32>
    %reduce_sum3A_40 = arith.constant dense<0> : vector<1xi32>
    %reduce_sum3A_41 = vector.multi_reduction <add>, %reduce_sum3A_39, %reduce_sum3A_40 [1, 2] : vector<1x1x4096xi32> to vector<1xi32>
    %reduce_sum3A_42 = vector.shape_cast %reduce_sum3A_41 : vector<1xi32> to vector<1x1x1xi32>
    %reduce_sum3A_43 = vector.extract %reduce_sum3A_42[0, 0, 0] : i32 from vector<1x1x1xi32>
    %broadcast_in_dim3A = arith.constant 0.000000e+00 : f32
    %broadcast_in_dim3A_44 = vector.broadcast %broadcast_in_dim3A : f32 to vector<512x64xf32>
    %get3A_45 = arith.constant 0 : index
    %get3A_46 = arith.constant 0 : index
    %get3A_47 = vector.load %arg9[%get3A_45, %get3A_46] : memref<1x64xf32, #tpu.memory_space<vmem>>, vector<1x64xf32>
    %add3A_48 = vector.broadcast %get3A_47 : vector<1x64xf32> to vector<512x64xf32>
    %add3A_49 = arith.addf %broadcast_in_dim3A_44, %add3A_48 : vector<512x64xf32>
    %swap3A = arith.constant 0 : index
    %swap3A_50 = arith.constant 0 : index
    %swap3A_51 = vector.load %arg10[%swap3A, %swap3A_50] : memref<512x64xf32, #tpu.memory_space<vmem>>, vector<512x64xf32>
    tpu.vector_store %arg10[%swap3A, %swap3A_50], %add3A_49 {strides = array<i32>} : memref<512x64xf32, #tpu.memory_space<vmem>>, vector<512x64xf32>,
    %lt3A_52 = arith.constant 512 : i32
    %lt3A_53 = arith.cmpi slt, %reduce_sum3A_36, %lt3A_52 : i32
    %gt3A = arith.constant 0 : i32
    %gt3A_54 = arith.cmpi sgt, %reduce_sum3A_43, %gt3A : i32
    %and3A = arith.andi %lt3A_53, %gt3A_54 : i1
    %convert_element_type3A_55 = arith.extui %and3A : i1 to i32
    %cond3A_56 = arith.constant 0 : i32
    %cond3A_57 = arith.cmpi ne, %convert_element_type3A_55, %cond3A_56 : i32
    scf.if %cond3A_57 {
      %get3A_114 = arith.constant 0 : index
      %get3A_115 = arith.constant 0 : index
      %get3A_116 = vector.load %arg2[%get3A_114, %get3A_115] : memref<4x4096xf32, #tpu.memory_space<vmem>>, vector<4x512xf32>
      %dot_general3A = arith.constant dense<0.000000e+00> : vector<512x512xf32>
      %dot_general3A_117 = tpu.matmul %get3A_3, %get3A_116, %dot_general3A {dimension_numbers = #tpu.dot_dimension_numbers<[1], [0], [0], [1], [0, 0, 1, 1], [], []>, transpose_lhs_hint = false} : vector<512x4xf32>, vector<4x512xf32>, vector<512x512xf32> -> vector<512x512xf32>
      %get3A_118 = arith.constant 0 : index
      %get3A_119 = arith.constant 0 : index
      %get3A_120 = vector.load %arg6[%get3A_118, %get3A_119] : memref<1x4096xf32, #tpu.memory_space<vmem>>, vector<1x512xf32>
      %add3A_121 = vector.broadcast %get3A_9 : vector<512x1xf32> to vector<512x512xf32>
      %add3A_122 = vector.broadcast %get3A_120 : vector<1x512xf32> to vector<512x512xf32>
      %add3A_123 = arith.addf %add3A_121, %add3A_122 : vector<512x512xf32>
      %mul3A_124 = arith.constant 2.000000e+00 : f32
      %mul3A_125 = vector.broadcast %mul3A_124 : f32 to vector<512x512xf32>
      %mul3A_126 = arith.mulf %mul3A_125, %dot_general3A_117 : vector<512x512xf32>
      %sub3A_127 = arith.subf %add3A_123, %mul3A_126 : vector<512x512xf32>
      %max3A = arith.constant 0.000000e+00 : f32
      %max3A_128 = vector.broadcast %max3A : f32 to vector<512x512xf32>
      %max3A_129 = arith.maximumf %sub3A_127, %max3A_128 : vector<512x512xf32>
      %sqrt3A = math.sqrt %max3A_129 : vector<512x512xf32>
      %mul3A_130 = arith.constant 1.000000e+01 : f32
      %mul3A_131 = vector.broadcast %mul3A_130 : f32 to vector<512x512xf32>
      %mul3A_132 = arith.mulf %sqrt3A, %mul3A_131 : vector<512x512xf32>
      %sub3A_133 = arith.constant 1.000000e+00 : f32
      %sub3A_134 = vector.broadcast %sub3A_133 : f32 to vector<512x512xf32>
      %sub3A_135 = arith.subf %sub3A_134, %mul3A_132 : vector<512x512xf32>
      %max3A_136 = arith.constant 0.000000e+00 : f32
      %max3A_137 = vector.broadcast %max3A_136 : f32 to vector<512x512xf32>
      %max3A_138 = arith.maximumf %sub3A_135, %max3A_137 : vector<512x512xf32>
      %mul3A_139 = arith.mulf %max3A_138, %max3A_138 : vector<512x512xf32>
      %mul3A_140 = arith.mulf %mul3A_139, %max3A_138 : vector<512x512xf32>
      %get3A_141 = arith.constant 0 : index
      %get3A_142 = arith.constant 0 : index
      %get3A_143 = vector.load %arg10[%get3A_141, %get3A_142] : memref<512x64xf32, #tpu.memory_space<vmem>>, vector<512x64xf32>
      %get3A_144 = arith.constant 0 : index
      %get3A_145 = arith.constant 0 : index
      %get3A_146 = vector.load %arg11[%get3A_144, %get3A_145] : memref<4096x64xf32, #tpu.memory_space<vmem>>, vector<512x64xf32>
      %dot_general3A_147 = arith.constant dense<0.000000e+00> : vector<512x64xf32>
      %dot_general3A_148 = tpu.matmul %mul3A_140, %get3A_146, %dot_general3A_147 {dimension_numbers = #tpu.dot_dimension_numbers<[1], [0], [0], [1], [0, 0, 1, 1], [], []>, transpose_lhs_hint = false} : vector<512x512xf32>, vector<512x64xf32>, vector<512x64xf32> -> vector<512x64xf32>
      %add3A_149 = arith.addf %get3A_143, %dot_general3A_148 : vector<512x64xf32>
      %swap3A_150 = arith.constant 0 : index
      %swap3A_151 = arith.constant 0 : index
      %swap3A_152 = vector.load %arg10[%swap3A_150, %swap3A_151] : memref<512x64xf32, #tpu.memory_space<vmem>>, vector<512x64xf32>
      tpu.vector_store %arg10[%swap3A_150, %swap3A_151], %add3A_149 {strides = array<i32>} : memref<512x64xf32, #tpu.memory_space<vmem>>, vector<512x64xf32>,
    } else {
    }
    %lt3A_58 = arith.constant 1024 : i32
    %lt3A_59 = arith.cmpi slt, %reduce_sum3A_36, %lt3A_58 : i32
    %gt3A_60 = arith.constant 512 : i32
    %gt3A_61 = arith.cmpi sgt, %reduce_sum3A_43, %gt3A_60 : i32
    %and3A_62 = arith.andi %lt3A_59, %gt3A_61 : i1
    %convert_element_type3A_63 = arith.extui %and3A_62 : i1 to i32
    %cond3A_64 = arith.constant 0 : i32
    %cond3A_65 = arith.cmpi ne, %convert_element_type3A_63, %cond3A_64 : i32
    scf.if %cond3A_65 {
      %get3A_114 = arith.constant 0 : index
      %get3A_115 = arith.constant 512 : index
      %get3A_116 = vector.load %arg2[%get3A_114, %get3A_115] : memref<4x4096xf32, #tpu.memory_space<vmem>>, vector<4x512xf32>
      %dot_general3A = arith.constant dense<0.000000e+00> : vector<512x512xf32>
      %dot_general3A_117 = tpu.matmul %get3A_3, %get3A_116, %dot_general3A {dimension_numbers = #tpu.dot_dimension_numbers<[1], [0], [0], [1], [0, 0, 1, 1], [], []>, transpose_lhs_hint = false} : vector<512x4xf32>, vector<4x512xf32>, vector<512x512xf32> -> vector<512x512xf32>
      %get3A_118 = arith.constant 0 : index
      %get3A_119 = arith.constant 512 : index
      %get3A_120 = vector.load %arg6[%get3A_118, %get3A_119] : memref<1x4096xf32, #tpu.memory_space<vmem>>, vector<1x512xf32>
      %add3A_121 = vector.broadcast %get3A_9 : vector<512x1xf32> to vector<512x512xf32>
      %add3A_122 = vector.broadcast %get3A_120 : vector<1x512xf32> to vector<512x512xf32>
      %add3A_123 = arith.addf %add3A_121, %add3A_122 : vector<512x512xf32>
      %mul3A_124 = arith.constant 2.000000e+00 : f32
      %mul3A_125 = vector.broadcast %mul3A_124 : f32 to vector<512x512xf32>
      %mul3A_126 = arith.mulf %mul3A_125, %dot_general3A_117 : vector<512x512xf32>
      %sub3A_127 = arith.subf %add3A_123, %mul3A_126 : vector<512x512xf32>
      %max3A = arith.constant 0.000000e+00 : f32
      %max3A_128 = vector.broadcast %max3A : f32 to vector<512x512xf32>
      %max3A_129 = arith.maximumf %sub3A_127, %max3A_128 : vector<512x512xf32>
      %sqrt3A = math.sqrt %max3A_129 : vector<512x512xf32>
      %mul3A_130 = arith.constant 1.000000e+01 : f32
      %mul3A_131 = vector.broadcast %mul3A_130 : f32 to vector<512x512xf32>
      %mul3A_132 = arith.mulf %sqrt3A, %mul3A_131 : vector<512x512xf32>
      %sub3A_133 = arith.constant 1.000000e+00 : f32
      %sub3A_134 = vector.broadcast %sub3A_133 : f32 to vector<512x512xf32>
      %sub3A_135 = arith.subf %sub3A_134, %mul3A_132 : vector<512x512xf32>
      %max3A_136 = arith.constant 0.000000e+00 : f32
      %max3A_137 = vector.broadcast %max3A_136 : f32 to vector<512x512xf32>
      %max3A_138 = arith.maximumf %sub3A_135, %max3A_137 : vector<512x512xf32>
      %mul3A_139 = arith.mulf %max3A_138, %max3A_138 : vector<512x512xf32>
      %mul3A_140 = arith.mulf %mul3A_139, %max3A_138 : vector<512x512xf32>
      %get3A_141 = arith.constant 0 : index
      %get3A_142 = arith.constant 0 : index
      %get3A_143 = vector.load %arg10[%get3A_141, %get3A_142] : memref<512x64xf32, #tpu.memory_space<vmem>>, vector<512x64xf32>
      %get3A_144 = arith.constant 512 : index
      %get3A_145 = arith.constant 0 : index
      %get3A_146 = vector.load %arg11[%get3A_144, %get3A_145] : memref<4096x64xf32, #tpu.memory_space<vmem>>, vector<512x64xf32>
      %dot_general3A_147 = arith.constant dense<0.000000e+00> : vector<512x64xf32>
      %dot_general3A_148 = tpu.matmul %mul3A_140, %get3A_146, %dot_general3A_147 {dimension_numbers = #tpu.dot_dimension_numbers<[1], [0], [0], [1], [0, 0, 1, 1], [], []>, transpose_lhs_hint = false} : vector<512x512xf32>, vector<512x64xf32>, vector<512x64xf32> -> vector<512x64xf32>
      %add3A_149 = arith.addf %get3A_143, %dot_general3A_148 : vector<512x64xf32>
      %swap3A_150 = arith.constant 0 : index
      %swap3A_151 = arith.constant 0 : index
      %swap3A_152 = vector.load %arg10[%swap3A_150, %swap3A_151] : memref<512x64xf32, #tpu.memory_space<vmem>>, vector<512x64xf32>
      tpu.vector_store %arg10[%swap3A_150, %swap3A_151], %add3A_149 {strides = array<i32>} : memref<512x64xf32, #tpu.memory_space<vmem>>, vector<512x64xf32>,
    } else {
    }
    %lt3A_66 = arith.constant 1536 : i32
    %lt3A_67 = arith.cmpi slt, %reduce_sum3A_36, %lt3A_66 : i32
    %gt3A_68 = arith.constant 1024 : i32
    %gt3A_69 = arith.cmpi sgt, %reduce_sum3A_43, %gt3A_68 : i32
    %and3A_70 = arith.andi %lt3A_67, %gt3A_69 : i1
    %convert_element_type3A_71 = arith.extui %and3A_70 : i1 to i32
    %cond3A_72 = arith.constant 0 : i32
    %cond3A_73 = arith.cmpi ne, %convert_element_type3A_71, %cond3A_72 : i32
    scf.if %cond3A_73 {
      %get3A_114 = arith.constant 0 : index
      %get3A_115 = arith.constant 1024 : index
      %get3A_116 = vector.load %arg2[%get3A_114, %get3A_115] : memref<4x4096xf32, #tpu.memory_space<vmem>>, vector<4x512xf32>
      %dot_general3A = arith.constant dense<0.000000e+00> : vector<512x512xf32>
      %dot_general3A_117 = tpu.matmul %get3A_3, %get3A_116, %dot_general3A {dimension_numbers = #tpu.dot_dimension_numbers<[1], [0], [0], [1], [0, 0, 1, 1], [], []>, transpose_lhs_hint = false} : vector<512x4xf32>, vector<4x512xf32>, vector<512x512xf32> -> vector<512x512xf32>
      %get3A_118 = arith.constant 0 : index
      %get3A_119 = arith.constant 1024 : index
      %get3A_120 = vector.load %arg6[%get3A_118, %get3A_119] : memref<1x4096xf32, #tpu.memory_space<vmem>>, vector<1x512xf32>
      %add3A_121 = vector.broadcast %get3A_9 : vector<512x1xf32> to vector<512x512xf32>
      %add3A_122 = vector.broadcast %get3A_120 : vector<1x512xf32> to vector<512x512xf32>
      %add3A_123 = arith.addf %add3A_121, %add3A_122 : vector<512x512xf32>
      %mul3A_124 = arith.constant 2.000000e+00 : f32
      %mul3A_125 = vector.broadcast %mul3A_124 : f32 to vector<512x512xf32>
      %mul3A_126 = arith.mulf %mul3A_125, %dot_general3A_117 : vector<512x512xf32>
      %sub3A_127 = arith.subf %add3A_123, %mul3A_126 : vector<512x512xf32>
      %max3A = arith.constant 0.000000e+00 : f32
      %max3A_128 = vector.broadcast %max3A : f32 to vector<512x512xf32>
      %max3A_129 = arith.maximumf %sub3A_127, %max3A_128 : vector<512x512xf32>
      %sqrt3A = math.sqrt %max3A_129 : vector<512x512xf32>
      %mul3A_130 = arith.constant 1.000000e+01 : f32
      %mul3A_131 = vector.broadcast %mul3A_130 : f32 to vector<512x512xf32>
      %mul3A_132 = arith.mulf %sqrt3A, %mul3A_131 : vector<512x512xf32>
      %sub3A_133 = arith.constant 1.000000e+00 : f32
      %sub3A_134 = vector.broadcast %sub3A_133 : f32 to vector<512x512xf32>
      %sub3A_135 = arith.subf %sub3A_134, %mul3A_132 : vector<512x512xf32>
      %max3A_136 = arith.constant 0.000000e+00 : f32
      %max3A_137 = vector.broadcast %max3A_136 : f32 to vector<512x512xf32>
      %max3A_138 = arith.maximumf %sub3A_135, %max3A_137 : vector<512x512xf32>
      %mul3A_139 = arith.mulf %max3A_138, %max3A_138 : vector<512x512xf32>
      %mul3A_140 = arith.mulf %mul3A_139, %max3A_138 : vector<512x512xf32>
      %get3A_141 = arith.constant 0 : index
      %get3A_142 = arith.constant 0 : index
      %get3A_143 = vector.load %arg10[%get3A_141, %get3A_142] : memref<512x64xf32, #tpu.memory_space<vmem>>, vector<512x64xf32>
      %get3A_144 = arith.constant 1024 : index
      %get3A_145 = arith.constant 0 : index
      %get3A_146 = vector.load %arg11[%get3A_144, %get3A_145] : memref<4096x64xf32, #tpu.memory_space<vmem>>, vector<512x64xf32>
      %dot_general3A_147 = arith.constant dense<0.000000e+00> : vector<512x64xf32>
      %dot_general3A_148 = tpu.matmul %mul3A_140, %get3A_146, %dot_general3A_147 {dimension_numbers = #tpu.dot_dimension_numbers<[1], [0], [0], [1], [0, 0, 1, 1], [], []>, transpose_lhs_hint = false} : vector<512x512xf32>, vector<512x64xf32>, vector<512x64xf32> -> vector<512x64xf32>
      %add3A_149 = arith.addf %get3A_143, %dot_general3A_148 : vector<512x64xf32>
      %swap3A_150 = arith.constant 0 : index
      %swap3A_151 = arith.constant 0 : index
      %swap3A_152 = vector.load %arg10[%swap3A_150, %swap3A_151] : memref<512x64xf32, #tpu.memory_space<vmem>>, vector<512x64xf32>
      tpu.vector_store %arg10[%swap3A_150, %swap3A_151], %add3A_149 {strides = array<i32>} : memref<512x64xf32, #tpu.memory_space<vmem>>, vector<512x64xf32>,
    } else {
    }
    %lt3A_74 = arith.constant 2048 : i32
    %lt3A_75 = arith.cmpi slt, %reduce_sum3A_36, %lt3A_74 : i32
    %gt3A_76 = arith.constant 1536 : i32
    %gt3A_77 = arith.cmpi sgt, %reduce_sum3A_43, %gt3A_76 : i32
    %and3A_78 = arith.andi %lt3A_75, %gt3A_77 : i1
    %convert_element_type3A_79 = arith.extui %and3A_78 : i1 to i32
    %cond3A_80 = arith.constant 0 : i32
    %cond3A_81 = arith.cmpi ne, %convert_element_type3A_79, %cond3A_80 : i32
    scf.if %cond3A_81 {
      %get3A_114 = arith.constant 0 : index
      %get3A_115 = arith.constant 1536 : index
      %get3A_116 = vector.load %arg2[%get3A_114, %get3A_115] : memref<4x4096xf32, #tpu.memory_space<vmem>>, vector<4x512xf32>
      %dot_general3A = arith.constant dense<0.000000e+00> : vector<512x512xf32>
      %dot_general3A_117 = tpu.matmul %get3A_3, %get3A_116, %dot_general3A {dimension_numbers = #tpu.dot_dimension_numbers<[1], [0], [0], [1], [0, 0, 1, 1], [], []>, transpose_lhs_hint = false} : vector<512x4xf32>, vector<4x512xf32>, vector<512x512xf32> -> vector<512x512xf32>
      %get3A_118 = arith.constant 0 : index
      %get3A_119 = arith.constant 1536 : index
      %get3A_120 = vector.load %arg6[%get3A_118, %get3A_119] : memref<1x4096xf32, #tpu.memory_space<vmem>>, vector<1x512xf32>
      %add3A_121 = vector.broadcast %get3A_9 : vector<512x1xf32> to vector<512x512xf32>
      %add3A_122 = vector.broadcast %get3A_120 : vector<1x512xf32> to vector<512x512xf32>
      %add3A_123 = arith.addf %add3A_121, %add3A_122 : vector<512x512xf32>
      %mul3A_124 = arith.constant 2.000000e+00 : f32
      %mul3A_125 = vector.broadcast %mul3A_124 : f32 to vector<512x512xf32>
      %mul3A_126 = arith.mulf %mul3A_125, %dot_general3A_117 : vector<512x512xf32>
      %sub3A_127 = arith.subf %add3A_123, %mul3A_126 : vector<512x512xf32>
      %max3A = arith.constant 0.000000e+00 : f32
      %max3A_128 = vector.broadcast %max3A : f32 to vector<512x512xf32>
      %max3A_129 = arith.maximumf %sub3A_127, %max3A_128 : vector<512x512xf32>
      %sqrt3A = math.sqrt %max3A_129 : vector<512x512xf32>
      %mul3A_130 = arith.constant 1.000000e+01 : f32
      %mul3A_131 = vector.broadcast %mul3A_130 : f32 to vector<512x512xf32>
      %mul3A_132 = arith.mulf %sqrt3A, %mul3A_131 : vector<512x512xf32>
      %sub3A_133 = arith.constant 1.000000e+00 : f32
      %sub3A_134 = vector.broadcast %sub3A_133 : f32 to vector<512x512xf32>
      %sub3A_135 = arith.subf %sub3A_134, %mul3A_132 : vector<512x512xf32>
      %max3A_136 = arith.constant 0.000000e+00 : f32
      %max3A_137 = vector.broadcast %max3A_136 : f32 to vector<512x512xf32>
      %max3A_138 = arith.maximumf %sub3A_135, %max3A_137 : vector<512x512xf32>
      %mul3A_139 = arith.mulf %max3A_138, %max3A_138 : vector<512x512xf32>
      %mul3A_140 = arith.mulf %mul3A_139, %max3A_138 : vector<512x512xf32>
      %get3A_141 = arith.constant 0 : index
      %get3A_142 = arith.constant 0 : index
      %get3A_143 = vector.load %arg10[%get3A_141, %get3A_142] : memref<512x64xf32, #tpu.memory_space<vmem>>, vector<512x64xf32>
      %get3A_144 = arith.constant 1536 : index
      %get3A_145 = arith.constant 0 : index
      %get3A_146 = vector.load %arg11[%get3A_144, %get3A_145] : memref<4096x64xf32, #tpu.memory_space<vmem>>, vector<512x64xf32>
      %dot_general3A_147 = arith.constant dense<0.000000e+00> : vector<512x64xf32>
      %dot_general3A_148 = tpu.matmul %mul3A_140, %get3A_146, %dot_general3A_147 {dimension_numbers = #tpu.dot_dimension_numbers<[1], [0], [0], [1], [0, 0, 1, 1], [], []>, transpose_lhs_hint = false} : vector<512x512xf32>, vector<512x64xf32>, vector<512x64xf32> -> vector<512x64xf32>
      %add3A_149 = arith.addf %get3A_143, %dot_general3A_148 : vector<512x64xf32>
      %swap3A_150 = arith.constant 0 : index
      %swap3A_151 = arith.constant 0 : index
      %swap3A_152 = vector.load %arg10[%swap3A_150, %swap3A_151] : memref<512x64xf32, #tpu.memory_space<vmem>>, vector<512x64xf32>
      tpu.vector_store %arg10[%swap3A_150, %swap3A_151], %add3A_149 {strides = array<i32>} : memref<512x64xf32, #tpu.memory_space<vmem>>, vector<512x64xf32>,
    } else {
    }
    %lt3A_82 = arith.constant 2560 : i32
    %lt3A_83 = arith.cmpi slt, %reduce_sum3A_36, %lt3A_82 : i32
    %gt3A_84 = arith.constant 2048 : i32
    %gt3A_85 = arith.cmpi sgt, %reduce_sum3A_43, %gt3A_84 : i32
    %and3A_86 = arith.andi %lt3A_83, %gt3A_85 : i1
    %convert_element_type3A_87 = arith.extui %and3A_86 : i1 to i32
    %cond3A_88 = arith.constant 0 : i32
    %cond3A_89 = arith.cmpi ne, %convert_element_type3A_87, %cond3A_88 : i32
    scf.if %cond3A_89 {
      %get3A_114 = arith.constant 0 : index
      %get3A_115 = arith.constant 2048 : index
      %get3A_116 = vector.load %arg2[%get3A_114, %get3A_115] : memref<4x4096xf32, #tpu.memory_space<vmem>>, vector<4x512xf32>
      %dot_general3A = arith.constant dense<0.000000e+00> : vector<512x512xf32>
      %dot_general3A_117 = tpu.matmul %get3A_3, %get3A_116, %dot_general3A {dimension_numbers = #tpu.dot_dimension_numbers<[1], [0], [0], [1], [0, 0, 1, 1], [], []>, transpose_lhs_hint = false} : vector<512x4xf32>, vector<4x512xf32>, vector<512x512xf32> -> vector<512x512xf32>
      %get3A_118 = arith.constant 0 : index
      %get3A_119 = arith.constant 2048 : index
      %get3A_120 = vector.load %arg6[%get3A_118, %get3A_119] : memref<1x4096xf32, #tpu.memory_space<vmem>>, vector<1x512xf32>
      %add3A_121 = vector.broadcast %get3A_9 : vector<512x1xf32> to vector<512x512xf32>
      %add3A_122 = vector.broadcast %get3A_120 : vector<1x512xf32> to vector<512x512xf32>
      %add3A_123 = arith.addf %add3A_121, %add3A_122 : vector<512x512xf32>
      %mul3A_124 = arith.constant 2.000000e+00 : f32
      %mul3A_125 = vector.broadcast %mul3A_124 : f32 to vector<512x512xf32>
      %mul3A_126 = arith.mulf %mul3A_125, %dot_general3A_117 : vector<512x512xf32>
      %sub3A_127 = arith.subf %add3A_123, %mul3A_126 : vector<512x512xf32>
      %max3A = arith.constant 0.000000e+00 : f32
      %max3A_128 = vector.broadcast %max3A : f32 to vector<512x512xf32>
      %max3A_129 = arith.maximumf %sub3A_127, %max3A_128 : vector<512x512xf32>
      %sqrt3A = math.sqrt %max3A_129 : vector<512x512xf32>
      %mul3A_130 = arith.constant 1.000000e+01 : f32
      %mul3A_131 = vector.broadcast %mul3A_130 : f32 to vector<512x512xf32>
      %mul3A_132 = arith.mulf %sqrt3A, %mul3A_131 : vector<512x512xf32>
      %sub3A_133 = arith.constant 1.000000e+00 : f32
      %sub3A_134 = vector.broadcast %sub3A_133 : f32 to vector<512x512xf32>
      %sub3A_135 = arith.subf %sub3A_134, %mul3A_132 : vector<512x512xf32>
      %max3A_136 = arith.constant 0.000000e+00 : f32
      %max3A_137 = vector.broadcast %max3A_136 : f32 to vector<512x512xf32>
      %max3A_138 = arith.maximumf %sub3A_135, %max3A_137 : vector<512x512xf32>
      %mul3A_139 = arith.mulf %max3A_138, %max3A_138 : vector<512x512xf32>
      %mul3A_140 = arith.mulf %mul3A_139, %max3A_138 : vector<512x512xf32>
      %get3A_141 = arith.constant 0 : index
      %get3A_142 = arith.constant 0 : index
      %get3A_143 = vector.load %arg10[%get3A_141, %get3A_142] : memref<512x64xf32, #tpu.memory_space<vmem>>, vector<512x64xf32>
      %get3A_144 = arith.constant 2048 : index
      %get3A_145 = arith.constant 0 : index
      %get3A_146 = vector.load %arg11[%get3A_144, %get3A_145] : memref<4096x64xf32, #tpu.memory_space<vmem>>, vector<512x64xf32>
      %dot_general3A_147 = arith.constant dense<0.000000e+00> : vector<512x64xf32>
      %dot_general3A_148 = tpu.matmul %mul3A_140, %get3A_146, %dot_general3A_147 {dimension_numbers = #tpu.dot_dimension_numbers<[1], [0], [0], [1], [0, 0, 1, 1], [], []>, transpose_lhs_hint = false} : vector<512x512xf32>, vector<512x64xf32>, vector<512x64xf32> -> vector<512x64xf32>
      %add3A_149 = arith.addf %get3A_143, %dot_general3A_148 : vector<512x64xf32>
      %swap3A_150 = arith.constant 0 : index
      %swap3A_151 = arith.constant 0 : index
      %swap3A_152 = vector.load %arg10[%swap3A_150, %swap3A_151] : memref<512x64xf32, #tpu.memory_space<vmem>>, vector<512x64xf32>
      tpu.vector_store %arg10[%swap3A_150, %swap3A_151], %add3A_149 {strides = array<i32>} : memref<512x64xf32, #tpu.memory_space<vmem>>, vector<512x64xf32>,
    } else {
    }
    %lt3A_90 = arith.constant 3072 : i32
    %lt3A_91 = arith.cmpi slt, %reduce_sum3A_36, %lt3A_90 : i32
    %gt3A_92 = arith.constant 2560 : i32
    %gt3A_93 = arith.cmpi sgt, %reduce_sum3A_43, %gt3A_92 : i32
    %and3A_94 = arith.andi %lt3A_91, %gt3A_93 : i1
    %convert_element_type3A_95 = arith.extui %and3A_94 : i1 to i32
    %cond3A_96 = arith.constant 0 : i32
    %cond3A_97 = arith.cmpi ne, %convert_element_type3A_95, %cond3A_96 : i32
    scf.if %cond3A_97 {
      %get3A_114 = arith.constant 0 : index
      %get3A_115 = arith.constant 2560 : index
      %get3A_116 = vector.load %arg2[%get3A_114, %get3A_115] : memref<4x4096xf32, #tpu.memory_space<vmem>>, vector<4x512xf32>
      %dot_general3A = arith.constant dense<0.000000e+00> : vector<512x512xf32>
      %dot_general3A_117 = tpu.matmul %get3A_3, %get3A_116, %dot_general3A {dimension_numbers = #tpu.dot_dimension_numbers<[1], [0], [0], [1], [0, 0, 1, 1], [], []>, transpose_lhs_hint = false} : vector<512x4xf32>, vector<4x512xf32>, vector<512x512xf32> -> vector<512x512xf32>
      %get3A_118 = arith.constant 0 : index
      %get3A_119 = arith.constant 2560 : index
      %get3A_120 = vector.load %arg6[%get3A_118, %get3A_119] : memref<1x4096xf32, #tpu.memory_space<vmem>>, vector<1x512xf32>
      %add3A_121 = vector.broadcast %get3A_9 : vector<512x1xf32> to vector<512x512xf32>
      %add3A_122 = vector.broadcast %get3A_120 : vector<1x512xf32> to vector<512x512xf32>
      %add3A_123 = arith.addf %add3A_121, %add3A_122 : vector<512x512xf32>
      %mul3A_124 = arith.constant 2.000000e+00 : f32
      %mul3A_125 = vector.broadcast %mul3A_124 : f32 to vector<512x512xf32>
      %mul3A_126 = arith.mulf %mul3A_125, %dot_general3A_117 : vector<512x512xf32>
      %sub3A_127 = arith.subf %add3A_123, %mul3A_126 : vector<512x512xf32>
      %max3A = arith.constant 0.000000e+00 : f32
      %max3A_128 = vector.broadcast %max3A : f32 to vector<512x512xf32>
      %max3A_129 = arith.maximumf %sub3A_127, %max3A_128 : vector<512x512xf32>
      %sqrt3A = math.sqrt %max3A_129 : vector<512x512xf32>
      %mul3A_130 = arith.constant 1.000000e+01 : f32
      %mul3A_131 = vector.broadcast %mul3A_130 : f32 to vector<512x512xf32>
      %mul3A_132 = arith.mulf %sqrt3A, %mul3A_131 : vector<512x512xf32>
      %sub3A_133 = arith.constant 1.000000e+00 : f32
      %sub3A_134 = vector.broadcast %sub3A_133 : f32 to vector<512x512xf32>
      %sub3A_135 = arith.subf %sub3A_134, %mul3A_132 : vector<512x512xf32>
      %max3A_136 = arith.constant 0.000000e+00 : f32
      %max3A_137 = vector.broadcast %max3A_136 : f32 to vector<512x512xf32>
      %max3A_138 = arith.maximumf %sub3A_135, %max3A_137 : vector<512x512xf32>
      %mul3A_139 = arith.mulf %max3A_138, %max3A_138 : vector<512x512xf32>
      %mul3A_140 = arith.mulf %mul3A_139, %max3A_138 : vector<512x512xf32>
      %get3A_141 = arith.constant 0 : index
      %get3A_142 = arith.constant 0 : index
      %get3A_143 = vector.load %arg10[%get3A_141, %get3A_142] : memref<512x64xf32, #tpu.memory_space<vmem>>, vector<512x64xf32>
      %get3A_144 = arith.constant 2560 : index
      %get3A_145 = arith.constant 0 : index
      %get3A_146 = vector.load %arg11[%get3A_144, %get3A_145] : memref<4096x64xf32, #tpu.memory_space<vmem>>, vector<512x64xf32>
      %dot_general3A_147 = arith.constant dense<0.000000e+00> : vector<512x64xf32>
      %dot_general3A_148 = tpu.matmul %mul3A_140, %get3A_146, %dot_general3A_147 {dimension_numbers = #tpu.dot_dimension_numbers<[1], [0], [0], [1], [0, 0, 1, 1], [], []>, transpose_lhs_hint = false} : vector<512x512xf32>, vector<512x64xf32>, vector<512x64xf32> -> vector<512x64xf32>
      %add3A_149 = arith.addf %get3A_143, %dot_general3A_148 : vector<512x64xf32>
      %swap3A_150 = arith.constant 0 : index
      %swap3A_151 = arith.constant 0 : index
      %swap3A_152 = vector.load %arg10[%swap3A_150, %swap3A_151] : memref<512x64xf32, #tpu.memory_space<vmem>>, vector<512x64xf32>
      tpu.vector_store %arg10[%swap3A_150, %swap3A_151], %add3A_149 {strides = array<i32>} : memref<512x64xf32, #tpu.memory_space<vmem>>, vector<512x64xf32>,
    } else {
    }
    %lt3A_98 = arith.constant 3584 : i32
    %lt3A_99 = arith.cmpi slt, %reduce_sum3A_36, %lt3A_98 : i32
    %gt3A_100 = arith.constant 3072 : i32
    %gt3A_101 = arith.cmpi sgt, %reduce_sum3A_43, %gt3A_100 : i32
    %and3A_102 = arith.andi %lt3A_99, %gt3A_101 : i1
    %convert_element_type3A_103 = arith.extui %and3A_102 : i1 to i32
    %cond3A_104 = arith.constant 0 : i32
    %cond3A_105 = arith.cmpi ne, %convert_element_type3A_103, %cond3A_104 : i32
    scf.if %cond3A_105 {
      %get3A_114 = arith.constant 0 : index
      %get3A_115 = arith.constant 3072 : index
      %get3A_116 = vector.load %arg2[%get3A_114, %get3A_115] : memref<4x4096xf32, #tpu.memory_space<vmem>>, vector<4x512xf32>
      %dot_general3A = arith.constant dense<0.000000e+00> : vector<512x512xf32>
      %dot_general3A_117 = tpu.matmul %get3A_3, %get3A_116, %dot_general3A {dimension_numbers = #tpu.dot_dimension_numbers<[1], [0], [0], [1], [0, 0, 1, 1], [], []>, transpose_lhs_hint = false} : vector<512x4xf32>, vector<4x512xf32>, vector<512x512xf32> -> vector<512x512xf32>
      %get3A_118 = arith.constant 0 : index
      %get3A_119 = arith.constant 3072 : index
      %get3A_120 = vector.load %arg6[%get3A_118, %get3A_119] : memref<1x4096xf32, #tpu.memory_space<vmem>>, vector<1x512xf32>
      %add3A_121 = vector.broadcast %get3A_9 : vector<512x1xf32> to vector<512x512xf32>
      %add3A_122 = vector.broadcast %get3A_120 : vector<1x512xf32> to vector<512x512xf32>
      %add3A_123 = arith.addf %add3A_121, %add3A_122 : vector<512x512xf32>
      %mul3A_124 = arith.constant 2.000000e+00 : f32
      %mul3A_125 = vector.broadcast %mul3A_124 : f32 to vector<512x512xf32>
      %mul3A_126 = arith.mulf %mul3A_125, %dot_general3A_117 : vector<512x512xf32>
      %sub3A_127 = arith.subf %add3A_123, %mul3A_126 : vector<512x512xf32>
      %max3A = arith.constant 0.000000e+00 : f32
      %max3A_128 = vector.broadcast %max3A : f32 to vector<512x512xf32>
      %max3A_129 = arith.maximumf %sub3A_127, %max3A_128 : vector<512x512xf32>
      %sqrt3A = math.sqrt %max3A_129 : vector<512x512xf32>
      %mul3A_130 = arith.constant 1.000000e+01 : f32
      %mul3A_131 = vector.broadcast %mul3A_130 : f32 to vector<512x512xf32>
      %mul3A_132 = arith.mulf %sqrt3A, %mul3A_131 : vector<512x512xf32>
      %sub3A_133 = arith.constant 1.000000e+00 : f32
      %sub3A_134 = vector.broadcast %sub3A_133 : f32 to vector<512x512xf32>
      %sub3A_135 = arith.subf %sub3A_134, %mul3A_132 : vector<512x512xf32>
      %max3A_136 = arith.constant 0.000000e+00 : f32
      %max3A_137 = vector.broadcast %max3A_136 : f32 to vector<512x512xf32>
      %max3A_138 = arith.maximumf %sub3A_135, %max3A_137 : vector<512x512xf32>
      %mul3A_139 = arith.mulf %max3A_138, %max3A_138 : vector<512x512xf32>
      %mul3A_140 = arith.mulf %mul3A_139, %max3A_138 : vector<512x512xf32>
      %get3A_141 = arith.constant 0 : index
      %get3A_142 = arith.constant 0 : index
      %get3A_143 = vector.load %arg10[%get3A_141, %get3A_142] : memref<512x64xf32, #tpu.memory_space<vmem>>, vector<512x64xf32>
      %get3A_144 = arith.constant 3072 : index
      %get3A_145 = arith.constant 0 : index
      %get3A_146 = vector.load %arg11[%get3A_144, %get3A_145] : memref<4096x64xf32, #tpu.memory_space<vmem>>, vector<512x64xf32>
      %dot_general3A_147 = arith.constant dense<0.000000e+00> : vector<512x64xf32>
      %dot_general3A_148 = tpu.matmul %mul3A_140, %get3A_146, %dot_general3A_147 {dimension_numbers = #tpu.dot_dimension_numbers<[1], [0], [0], [1], [0, 0, 1, 1], [], []>, transpose_lhs_hint = false} : vector<512x512xf32>, vector<512x64xf32>, vector<512x64xf32> -> vector<512x64xf32>
      %add3A_149 = arith.addf %get3A_143, %dot_general3A_148 : vector<512x64xf32>
      %swap3A_150 = arith.constant 0 : index
      %swap3A_151 = arith.constant 0 : index
      %swap3A_152 = vector.load %arg10[%swap3A_150, %swap3A_151] : memref<512x64xf32, #tpu.memory_space<vmem>>, vector<512x64xf32>
      tpu.vector_store %arg10[%swap3A_150, %swap3A_151], %add3A_149 {strides = array<i32>} : memref<512x64xf32, #tpu.memory_space<vmem>>, vector<512x64xf32>,
    } else {
    }
    %lt3A_106 = arith.constant 4096 : i32
    %lt3A_107 = arith.cmpi slt, %reduce_sum3A_36, %lt3A_106 : i32
    %gt3A_108 = arith.constant 3584 : i32
    %gt3A_109 = arith.cmpi sgt, %reduce_sum3A_43, %gt3A_108 : i32
    %and3A_110 = arith.andi %lt3A_107, %gt3A_109 : i1
    %convert_element_type3A_111 = arith.extui %and3A_110 : i1 to i32
    %cond3A_112 = arith.constant 0 : i32
    %cond3A_113 = arith.cmpi ne, %convert_element_type3A_111, %cond3A_112 : i32
    scf.if %cond3A_113 {
      %get3A_114 = arith.constant 0 : index
      %get3A_115 = arith.constant 3584 : index
      %get3A_116 = vector.load %arg2[%get3A_114, %get3A_115] : memref<4x4096xf32, #tpu.memory_space<vmem>>, vector<4x512xf32>
      %dot_general3A = arith.constant dense<0.000000e+00> : vector<512x512xf32>
      %dot_general3A_117 = tpu.matmul %get3A_3, %get3A_116, %dot_general3A {dimension_numbers = #tpu.dot_dimension_numbers<[1], [0], [0], [1], [0, 0, 1, 1], [], []>, transpose_lhs_hint = false} : vector<512x4xf32>, vector<4x512xf32>, vector<512x512xf32> -> vector<512x512xf32>
      %get3A_118 = arith.constant 0 : index
      %get3A_119 = arith.constant 3584 : index
      %get3A_120 = vector.load %arg6[%get3A_118, %get3A_119] : memref<1x4096xf32, #tpu.memory_space<vmem>>, vector<1x512xf32>
      %add3A_121 = vector.broadcast %get3A_9 : vector<512x1xf32> to vector<512x512xf32>
      %add3A_122 = vector.broadcast %get3A_120 : vector<1x512xf32> to vector<512x512xf32>
      %add3A_123 = arith.addf %add3A_121, %add3A_122 : vector<512x512xf32>
      %mul3A_124 = arith.constant 2.000000e+00 : f32
      %mul3A_125 = vector.broadcast %mul3A_124 : f32 to vector<512x512xf32>
      %mul3A_126 = arith.mulf %mul3A_125, %dot_general3A_117 : vector<512x512xf32>
      %sub3A_127 = arith.subf %add3A_123, %mul3A_126 : vector<512x512xf32>
      %max3A = arith.constant 0.000000e+00 : f32
      %max3A_128 = vector.broadcast %max3A : f32 to vector<512x512xf32>
      %max3A_129 = arith.maximumf %sub3A_127, %max3A_128 : vector<512x512xf32>
      %sqrt3A = math.sqrt %max3A_129 : vector<512x512xf32>
      %mul3A_130 = arith.constant 1.000000e+01 : f32
      %mul3A_131 = vector.broadcast %mul3A_130 : f32 to vector<512x512xf32>
      %mul3A_132 = arith.mulf %sqrt3A, %mul3A_131 : vector<512x512xf32>
      %sub3A_133 = arith.constant 1.000000e+00 : f32
      %sub3A_134 = vector.broadcast %sub3A_133 : f32 to vector<512x512xf32>
      %sub3A_135 = arith.subf %sub3A_134, %mul3A_132 : vector<512x512xf32>
      %max3A_136 = arith.constant 0.000000e+00 : f32
      %max3A_137 = vector.broadcast %max3A_136 : f32 to vector<512x512xf32>
      %max3A_138 = arith.maximumf %sub3A_135, %max3A_137 : vector<512x512xf32>
      %mul3A_139 = arith.mulf %max3A_138, %max3A_138 : vector<512x512xf32>
      %mul3A_140 = arith.mulf %mul3A_139, %max3A_138 : vector<512x512xf32>
      %get3A_141 = arith.constant 0 : index
      %get3A_142 = arith.constant 0 : index
      %get3A_143 = vector.load %arg10[%get3A_141, %get3A_142] : memref<512x64xf32, #tpu.memory_space<vmem>>, vector<512x64xf32>
      %get3A_144 = arith.constant 3584 : index
      %get3A_145 = arith.constant 0 : index
      %get3A_146 = vector.load %arg11[%get3A_144, %get3A_145] : memref<4096x64xf32, #tpu.memory_space<vmem>>, vector<512x64xf32>
      %dot_general3A_147 = arith.constant dense<0.000000e+00> : vector<512x64xf32>
      %dot_general3A_148 = tpu.matmul %mul3A_140, %get3A_146, %dot_general3A_147 {dimension_numbers = #tpu.dot_dimension_numbers<[1], [0], [0], [1], [0, 0, 1, 1], [], []>, transpose_lhs_hint = false} : vector<512x512xf32>, vector<512x64xf32>, vector<512x64xf32> -> vector<512x64xf32>
      %add3A_149 = arith.addf %get3A_143, %dot_general3A_148 : vector<512x64xf32>
      %swap3A_150 = arith.constant 0 : index
      %swap3A_151 = arith.constant 0 : index
      %swap3A_152 = vector.load %arg10[%swap3A_150, %swap3A_151] : memref<512x64xf32, #tpu.memory_space<vmem>>, vector<512x64xf32>
      tpu.vector_store %arg10[%swap3A_150, %swap3A_151], %add3A_149 {strides = array<i32>} : memref<512x64xf32, #tpu.memory_space<vmem>>, vector<512x64xf32>,
    } else {
    }
    return
  }
  func.func @transform_0(%arg0: i32) -> (i32, i32) {
    %c0_i32 = arith.constant 0 : i32
    %c0_i32_0 = arith.constant 0 : i32
    return %arg0, %c0_i32 : i32, i32
  }
  func.func @transform_1(%arg0: i32) -> (i32, i32) {
    %c0_i32 = arith.constant 0 : i32
    %c0_i32_0 = arith.constant 0 : i32
    %c0_i32_1 = arith.constant 0 : i32
    return %c0_i32, %c0_i32_0 : i32, i32
  }
  func.func @transform_2(%arg0: i32) -> (i32, i32) {
    %c0_i32 = arith.constant 0 : i32
    %c0_i32_0 = arith.constant 0 : i32
    return %arg0, %c0_i32 : i32, i32
  }
  func.func @transform_3(%arg0: i32) -> (i32, i32) {
    %c0_i32 = arith.constant 0 : i32
    %c0_i32_0 = arith.constant 0 : i32
    %c0_i32_1 = arith.constant 0 : i32
    return %c0_i32, %c0_i32_0 : i32, i32
  }
  func.func @transform_4(%arg0: i32) -> (i32, i32) {
    %c0_i32 = arith.constant 0 : i32
    %c0_i32_0 = arith.constant 0 : i32
    return %arg0, %c0_i32 : i32, i32
  }
  func.func @transform_5(%arg0: i32) -> (i32, i32) {
    %c0_i32 = arith.constant 0 : i32
    %c0_i32_0 = arith.constant 0 : i32
    %c0_i32_1 = arith.constant 0 : i32
    return %c0_i32, %c0_i32_0 : i32, i32
  }
  func.func @transform_6(%arg0: i32) -> (i32, i32) {
    %c0_i32 = arith.constant 0 : i32
    %c0_i32_0 = arith.constant 0 : i32
    %c0_i32_1 = arith.constant 0 : i32
    return %c0_i32, %c0_i32_0 : i32, i32
  }
  func.func @transform_7(%arg0: i32) -> (i32, i32) {
    %c0_i32 = arith.constant 0 : i32
    %c0_i32_0 = arith.constant 0 : i32
    %c0_i32_1 = arith.constant 0 : i32
    return %c0_i32, %c0_i32_0 : i32, i32
  }
  func.func @transform_8(%arg0: i32) -> (i32, i32) {
    %c0_i32 = arith.constant 0 : i32
    %c0_i32_0 = arith.constant 0 : i32
    %c0_i32_1 = arith.constant 0 : i32
    return %c0_i32, %c0_i32_0 : i32, i32
  }
  func.func @transform_9(%arg0: i32) -> (i32, i32) {
    %c0_i32 = arith.constant 0 : i32
    %c0_i32_0 = arith.constant 0 : i32
    return %arg0, %c0_i32 : i32, i32
  }
}

</mosaic_0001>

<sc_bundles>
// kernel: kernel.6.cloned.1.call-start
scs
__scs_entry_jumppad:
0x0: {  	(pc) =	sbr.rel $0x88, $3  }
0x1: {  	(tag) =	ssettag $0x0;
	lr =	simm.s32 $0x1  }
0x2: {  	[smem:$0x3F9C] =	sst lr;
	_ =	strace $0xD0000000  }
0x3: {  	_ = 	snop  }
0x4: {  	_ = 	snop  }
0x5: {  	_ = 	snop  }
0x6: {  	_ = 	snop  }
0x7: {  	_ = 	snop  }
__scs_overlays_trampoline_lowered:
0x8: {  	[smem:$0x3FAB] =	sst s0  }
0x9: {  	[smem:$0x3FAC] =	sst s1  }
0xa: {  	[smem:$0x3FAD] =	sst s2  }
0xb: {  	[smem:$0x3FAE] =	sst s3  }
0xc: {  	[smem:$0x3FAF] =	sst s4  }
0xd: {  	[smem:$0x3FB0] =	sst s5  }
0xe: {  	[smem:$0x3FB1] =	sst s6  }
0xf: {  	[smem:$0x3FB2] =	sst s7  }
0x10: {  	[smem:$0x3FB3] =	sst s8  }
0x11: {  	[smem:$0x3FB4] =	sst s9;
	s0 =	simm.s32 @!p0 $0x0  }
0x12: {  	s1 =	sld [smem:$0x3F9A];
	s0 =	simm.s32 @p0 $0x1  }
0x13: {  	[smem:$0x3FB5] =	sst s0;
	s0 =	simm.s32 @!p1 $0x0  }
0x14: {  	s2 =	sld [smem:$0x3F99];
	s0 =	simm.s32 @p1 $0x1  }
0x15: {  	[smem:$0x3FB6] =	sst s0;
	s0 =	simm.s32 @!p2 $0x0  }
0x16: {  	s3 =	sld [smem:$0x3FDB];
	s0 =	simm.s32 @p2 $0x1  }
0x17: {  	s4 =	simm.s32 $0x1BF5;
	[smem:$0x3FB8] =	sst s0  }
0x18: {  	s0 =	sld [smem:$0x3F9B];
	_ =	swait.ge [sflag:s4], $0x0  }
0x19: {  	s7 =	sld [smem:$0x3F9C]  }
0x1a: {  	s8 =	sadd.s32 $0xFFFFE003, lr  }
0x1b: {  	s9 =	sadd.s32 $0xFFFFFEF7, lr;
	s5 =	simm.s32 $0xFFFFFFFF;
	p2 =	slt.u32 s8, $0xFFFFF086  }
0x1c: {  	p1 =	slt.u32 s9, $0xF7A;
	s5 =	simm.s32 @!p2 $0x0  }
0x1d: {  	s5 =	simm.s32 @p1 $0x1;
	p0 =	seq.s32 s7, s2  }
0x1e: {  	s7 =	smul.u32 @!p0 $0xF7A, s2;
	p2 =	seq.s32 @!p0 s5, $0x0  }
0x1f: {  	s9 =	smul.u32 $0xF7A, s1;
	s8 =	simm.s32 @!p0 $0x1BF5;
	p2 =	por !p2, p0  }
0x20: {  	[sflag:s8] =	ssyncset.s32 @!p0 $0xFFFFF086;
	s6 =	sadd.s32 @!p0 s3, s7;
	s7 =	simm.s32 @!p0 $0x108  }
0x21: {  	s3 =	sadd.s32 s3, s9;
	s6 =	sadd.s32 @!p0 $0x88, s6;
	s7 =	simm.s32 @p2 $0x1082  }
0x22: {  	[simem:s7], [sflag:s8] =	dma.local @!p0 [hbm:s6], $0xF7A  }
0x23: {  	s9 =	sor.u32 $0xD0000000, s2;
	s6 =	simm.s32 $0x108;
	_ =	swait.ge @!p0 [sflag:s8], $0x0  }
0x24: {  	s3 =	sadd.s32 $0x88, s3;
	s6 =	simm.s32 @!p1 $0x1082;
	[sflag:s4] =	ssyncset.s32 $0xFFFFF086  }
0x25: {  	[simem:s6], [sflag:s4] =	dma.local [hbm:s3], $0xF7A  }
0x26: {  	[smem:$0x3F9C] =	sst s1;
	(tag) =	ssettag s2;
	_ =	strace s9  }
0x27: {  	s1 =	sld [smem:$0x3FAC]  }
0x28: {  	s2 =	sld [smem:$0x3FAD]  }
0x29: {  	s4 =	sld [smem:$0x3FAF]  }
0x2a: {  	p0 =	seq.s32 s5, $0x0;
	s5 =	sld [smem:$0x3FB0]  }
0x2b: {  	s6 =	sld [smem:$0x3FB1]  }
0x2c: {  	s7 =	sld [smem:$0x3FB2]  }
0x2d: {  	s3 =	simm.s32 $0x108;
	s8 =	sld [smem:$0x3FB3]  }
0x2e: {  	s3 =	simm.s32 @!p0 $0x1082;
	s9 =	sld [smem:$0x3FB4]  }
0x2f: {  	lr =	sadd.s32 s0, s3;
	s0 =	sld [smem:$0x3FAB]  }
0x30: {  	s3 =	sld [smem:$0x3FAE]  }
0x31: {  	[smem:$0x3FB7] =	sst s10  }
0x32: {  	s10 =	sld [smem:$0x3FB5];
	_ =	sdelay $0x3  }
0x33: {  	p0 =	seq.s32 s10, $0x1;
	s10 =	sld [smem:$0x3FB7];
	_ =	sdelay $0x3  }
0x34: {  	[smem:$0x3FB7] =	sst s10  }
0x35: {  	s10 =	sld [smem:$0x3FB6];
	_ =	sdelay $0x3  }
0x36: {  	p1 =	seq.s32 s10, $0x1;
	s10 =	sld [smem:$0x3FB7];
	_ =	sdelay $0x3  }
0x37: {  	[smem:$0x3FB7] =	sst s10  }
0x38: {  	s10 =	sld [smem:$0x3FB8]  }
0x39: {  	_ = 	snop;
	(pc) =	sbr.ind lr, $3  }
0x3a: {  	_ = 	snop  }
0x3b: {  	_ = 	snop  }
0x3c: {  	p2 =	seq.s32 s10, $0x1;
	s10 =	sld [smem:$0x3FB7]  }
0x3d: {  	_ =	shalt  }
0x3e: {  	_ =	shalt  }
0x3f: {  	_ =	shalt  }
0x40: {  	_ =	shalt  }
0x41: {  	_ =	shalt  }
0x42: {  	_ =	shalt  }
0x43: {  	_ =	shalt  }
0x44: {  	_ =	shalt  }
0x45: {  	_ =	shalt  }
0x46: {  	_ =	shalt  }
0x47: {  	_ =	shalt  }
0x48: {  	_ =	shalt  }
0x49: {  	_ =	shalt  }
0x4a: {  	_ =	shalt  }
0x4b: {  	_ =	shalt  }
0x4c: {  	_ =	shalt  }
0x4d: {  	_ =	shalt  }
0x4e: {  	_ =	shalt  }
0x4f: {  	_ =	shalt  }
0x50: {  	_ =	shalt  }
0x51: {  	_ =	shalt  }
0x52: {  	_ =	shalt  }
0x53: {  	_ =	shalt  }
0x54: {  	_ =	shalt  }
0x55: {  	_ =	shalt  }
0x56: {  	_ =	shalt  }
0x57: {  	_ =	shalt  }
0x58: {  	_ =	shalt  }
0x59: {  	_ =	shalt  }
0x5a: {  	_ =	shalt  }
0x5b: {  	_ =	shalt  }
0x5c: {  	_ =	shalt  }
0x5d: {  	_ =	shalt  }
0x5e: {  	_ =	shalt  }
0x5f: {  	_ =	shalt  }
0x60: {  	_ =	shalt  }
0x61: {  	_ =	shalt  }
0x62: {  	_ =	shalt  }
0x63: {  	_ =	shalt  }
0x64: {  	_ =	shalt  }
0x65: {  	_ =	shalt  }
0x66: {  	_ =	shalt  }
0x67: {  	_ =	shalt  }
0x68: {  	_ =	shalt  }
0x69: {  	_ =	shalt  }
0x6a: {  	_ =	shalt  }
0x6b: {  	_ =	shalt  }
0x6c: {  	_ =	shalt  }
0x6d: {  	_ =	shalt  }
0x6e: {  	_ =	shalt  }
0x6f: {  	_ =	shalt  }
0x70: {  	_ =	shalt  }
0x71: {  	_ =	shalt  }
0x72: {  	_ =	shalt  }
0x73: {  	_ =	shalt  }
0x74: {  	_ =	shalt  }
0x75: {  	_ =	shalt  }
0x76: {  	_ =	shalt  }
0x77: {  	_ =	shalt  }
0x78: {  	_ =	shalt  }
0x79: {  	_ =	shalt  }
0x7a: {  	_ =	shalt  }
0x7b: {  	_ =	shalt  }
0x7c: {  	_ =	shalt  }
0x7d: {  	_ =	shalt  }
0x7e: {  	_ =	shalt  }
0x7f: {  	_ =	shalt  }
0x80: {  	_ =	shalt  }
0x81: {  	_ =	shalt  }
0x82: {  	_ =	shalt  }
0x83: {  	_ =	shalt  }
0x84: {  	_ =	shalt  }
0x85: {  	_ =	shalt  }
0x86: {  	_ =	shalt  }
0x87: {  	_ =	shalt  }
.Lfunc_end0:
.L_simem_size_0:
called_computation_lowered:
.L_overlay_start_0:
0x88: {  	s0 =	sld [smem:$0x3FD9]  }
0x89: {  	s1 =	sld [smem:$0x3FFE];
	_ =	sdelay $0x3  }
0x8a: {  	s0 =	sadd.s32 s1, s0  }
0x8b: {  	[smem:$0x3FC3] =	sst s0  }
0x8c: {  	_ = 	snop  }
0x8d: {  	s0 =	sld [smem:$0x3FD0];
	(tm) =	ssettm $0x1  }
0x8e: {  	s16 =	sld [smem:$0x3FFB];
	_ =	sdelay $0x3  }
0x8f: {  	_ =	strace s16  }
0x90: {  	s1 =	sld [smem:$0x3FFC];
	_ =	sdelay $0x3  }
0x91: {  	_ =	strace s1  }
0x92: {  	s1 =	sld [smem:$0x3FFD];
	_ =	sdelay $0x3  }
0x93: {  	_ =	strace s1  }
0x94: {  	_ =	strace $0x8FFFFFFF  }
0x95: {  	s17 =	sld [smem:$0x3FDB];
	_ =	sdelay $0x1  }
0x96: {  	s2 =	simm.s32 $_scs_section_size  }
0x97: {  	s3 =	simm.s32 $_size__tile_overlayer_lowered;
	s4 =	simm.s32 $_tile_overlayer_lowered  }
0x98: {  	s20 =	simm.s32 $0x1BFF;
	s19 =	sshll.u32 s4, $0x1;
	s1 =	sadd.s32 s2, s17  }
0x99: {  	s5 =	simm.s32 $0x0;
	s18 =	sshll.u32 s3, $0x1;
	s3 =	sadd.s32 s19, s1  }
0x9a: {  	[timem:s5], [sflag:s20] =	dma.local [hbm:s3], s18  }
0x9b: {  	_ =	swait.ge [sflag:s20], s18  }
0x9c: {  	s2 =	ssub.s32 $0x0, s18;
	[sflag:s20] =	ssyncset.done $0x0  }
0x9d: {  	[sflag:s20] =	ssyncadd.s32 s2;
	_ =	sdelay $0x1  }
0x9e: {  	s21 =	simm.s32 $0x1B8B  }
0x9f: {  	_ =	swait.ge [sflag:s21], $0x1  }
0xa0: {  	[sflag:s21] =	ssyncset.done $0x0  }
0xa1: {  	s23 =	simm.s32 $0x1B8E;
	s22 =	sld [smem:$0x3FFE];
	[sflag:s21] =	ssyncadd.s32 $0xFFFFFFFF  }
0xa2: {  	s24 =	simm.s32 $execute0_lowered;
	[smem:$0x3FD2] =	sst s23  }
0xa3: {  	s3 =	sshll.u32 s24, $0x1;
	_ =	strace $0x80000046;
	[dreg:$0x1] =	wrdreg $0xFFFFFFFF  }
0xa4: {  	s25 =	simm.s32 $_size_execute0_lowered;
	s1 =	sadd.s32 s1, s3;
	[dreg:$0x0] =	wrdreg $0x0  }
0xa5: {  	s3 =	sshll.u32 s25, $0x1;
	[dreg:$0x2] =	wrdreg s1  }
0xa6: {  	[dreg:$0x3] =	wrdreg s3  }
0xa7: {  	[dreg:$0x4] =	wrdreg $0xC0  }
0xa8: {  	_ =	task [dreg:s5], $0x5FFFF  }
0xa9: {  	[dreg:$0x1] =	wrdreg $0xFFFFFFFF  }
0xaa: {  	[dreg:$0x0] =	wrdreg $0x60  }
0xab: {  	[dreg:$0x2] =	wrdreg s22  }
0xac: {  	[dreg:$0x3] =	wrdreg s0  }
0xad: {  	[dreg:$0x4] =	wrdreg $0x5B800  }
0xae: {  	[dreg:$0x5] =	wrdreg $0x9  }
0xaf: {  	_ =	task.clear_ibuf [dreg:s5], $0x6FFFF;
	_ =	strace $0x90000046  }
0xb0: {  	s26 =	simm.s32 $0x9;
	_ =	strace $0x80000048  }
0xb1: {  	_ =	swait.ge [sflag:s26], $0x1  }
0xb2: {  	[sflag:s26] =	ssyncadd.s32 $0xFFFFFFFF  }
0xb3: {  	_ =	strace $0x90000048  }
0xb4: {  	_ =	sfence  }
0xb5: {  	s28 =	sld [smem:$0x0];
	_ =	sdelay $0x1  }
0xb6: {  	s29 =	srdreg.scid  }
0xb7: {  	s30 =	sshll.u32 s29, $0xD;
	s31 =	sshrl.u32 s29, $0x2  }
0xb8: {  	s2 =	sand.u32 $0x4000, s30;
	s1 =	sand.u32 $0x1, s29;
	s0 =	sadd.s32 s31, s28  }
0xb9: {  	s1 =	sor.u32 s2, s1;
	s0 =	sshll.u32 s0, $0x11  }
0xba: {  	s0 =	sor.u32 s0, s1  }
0xbb: {  	s0 =	sadd.s32 $0x8F2B, s0  }
0xbc: {  	[sflag:s0] =	ssyncadd.remote.s32 $0x1  }
0xbd: {  	_ =	sfence.sel $0xFFFF  }
0xbe: {  	[dreg:$0x0] =	wrdreg $0xFFFFFFFF;
	(pc) =	sbr.abs _section_cstart, $3  }
0xbf: {  	[dreg:$0x1] =	wrdreg $0xFFFFFFFF  }
0xc0: {  	_ =	task.clear_ibuf [dreg:s5], $0x2FFFF;
	_ =	strace $0x9FFFFFFF  }
0xc1: {  	(tm) =	ssettm $0x7FFFFFFF  }
tec
execute0_lowered:
.L_overlay_start_1:
0x0: {  	(tag) =	ssettag $0x1  }
0x1: {  	s4 =	rddreg [dreg:$0x0]  }
0x2: {  	s2 =	rddreg [dreg:$0x1]  }
0x3: {  	s6 =	rddreg [dreg:$0x2];
	s3 =	stileid.u32  }
0x4: {  	s0 =	rddreg [dreg:$0x3];
	s5 =	simm.s32 $0x0;
	s1 =	sshll.u32 s3, $0x5  }
0x5: {  	[smem:$0x7FF] =	sst s5;
	s7 =	sadd.s32 s1, s4  }
0x6: {  	s24 =	simm.s32 $0x2;
	_ =	strace $0x80000047;
	s7 =	sadd.s32 $0x800, s7  }
0x7: {  	[tilespmem:s5], [sflag:$0x2] =	stream.linear.gather [hbm4b:s7+s5], $0x100, $0x38;
	[tilespmem:$0x5BC0] =	vst v63  }
0x8: {  	_ =	swait.ge [sflag:s24], $0x100  }
0x9: {  	[sflag:s24] =	ssyncset.done $0x0  }
0xa: {  	v1 =	vimm.s32 $0x0;
	[sflag:s24] =	ssyncadd.s32 $0xFFFFFF00  }
0xb: {  	[tilespmem:$0x200] =	vst v1  }
0xc: {  	[tilespmem:$0x210] =	vst v1  }
0xd: {  	[tilespmem:$0x220] =	vst v1  }
0xe: {  	[tilespmem:$0x230] =	vst v1  }
0xf: {  	[tilespmem:$0x240] =	vst v1  }
0x10: {  	[tilespmem:$0x250] =	vst v1  }
0x11: {  	[tilespmem:$0x260] =	vst v1  }
0x12: {  	[tilespmem:$0x270] =	vst v1  }
0x13: {  	[tilespmem:$0x280] =	vst v1  }
0x14: {  	[tilespmem:$0x290] =	vst v1  }
0x15: {  	[tilespmem:$0x2A0] =	vst v1  }
0x16: {  	[tilespmem:$0x2B0] =	vst v1  }
0x17: {  	[tilespmem:$0x2C0] =	vst v1  }
0x18: {  	[tilespmem:$0x2D0] =	vst v1  }
0x19: {  	[tilespmem:$0x2E0] =	vst v1  }
0x1a: {  	[tilespmem:$0x2F0] =	vst v1  }
0x1b: {  	[tilespmem:$0x300] =	vst v1  }
0x1c: {  	[tilespmem:$0x310] =	vst v1  }
0x1d: {  	[tilespmem:$0x320] =	vst v1  }
0x1e: {  	[tilespmem:$0x330] =	vst v1  }
0x1f: {  	[tilespmem:$0x340] =	vst v1  }
0x20: {  	[tilespmem:$0x350] =	vst v1  }
0x21: {  	[tilespmem:$0x360] =	vst v1  }
0x22: {  	[tilespmem:$0x370] =	vst v1  }
0x23: {  	[tilespmem:$0x380] =	vst v1  }
0x24: {  	[tilespmem:$0x390] =	vst v1  }
0x25: {  	[tilespmem:$0x3A0] =	vst v1  }
0x26: {  	[tilespmem:$0x3B0] =	vst v1  }
0x27: {  	[tilespmem:$0x3C0] =	vst v1  }
0x28: {  	[tilespmem:$0x3D0] =	vst v1  }
0x29: {  	[tilespmem:$0x3E0] =	vst v1  }
0x2a: {  	[tilespmem:$0x3F0] =	vst v1  }
0x2b: {  	[tilespmem:$0x400] =	vst v1  }
0x2c: {  	[tilespmem:$0x410] =	vst v1  }
0x2d: {  	[tilespmem:$0x420] =	vst v1  }
0x2e: {  	[tilespmem:$0x430] =	vst v1  }
0x2f: {  	[tilespmem:$0x440] =	vst v1  }
0x30: {  	[tilespmem:$0x450] =	vst v1  }
0x31: {  	[tilespmem:$0x460] =	vst v1  }
0x32: {  	[tilespmem:$0x470] =	vst v1  }
0x33: {  	[tilespmem:$0x480] =	vst v1  }
0x34: {  	[tilespmem:$0x490] =	vst v1  }
0x35: {  	[tilespmem:$0x4A0] =	vst v1  }
0x36: {  	[tilespmem:$0x4B0] =	vst v1  }
0x37: {  	[tilespmem:$0x4C0] =	vst v1  }
0x38: {  	[tilespmem:$0x4D0] =	vst v1  }
0x39: {  	[tilespmem:$0x4E0] =	vst v1  }
0x3a: {  	[tilespmem:$0x4F0] =	vst v1;
	v0 =	vld [tilespmem:$0x0]  }
0x3b: {  	[tilespmem:$0x500] =	vst v1  }
0x3c: {  	[tilespmem:$0x510] =	vst v1  }
0x3d: {  	[tilespmem:$0x520] =	vst v1  }
0x3e: {  	[tilespmem:$0x530] =	vst v1  }
0x3f: {  	[tilespmem:$0x540] =	vst v1;
	v0 =	vmul.f32 $6.400000000e+01, v0  }
0x40: {  	[tilespmem:$0x550] =	vst v1  }
0x41: {  	[tilespmem:$0x560] =	vst v1;
	v0 =	vtrunc.f32 v0  }
0x42: {  	[tilespmem:$0x570] =	vst v1;
	v0 =	vcvt.f32.s32 v0  }
0x43: {  	[tilespmem:$0x580] =	vst v1  }
0x44: {  	v2 =	vlaneseq.u32;
	[tilespmem:$0x590] =	vst v1;
	vm0 =	vgt.s32 v0, $0x0  }
0x45: {  	[tilespmem:$0x5A0] =	vst v1;
	v3 =	vnsel vm0, $0x0, v0;
	v0 =	vmul.u32 $0x40, v2  }
0x46: {  	[tilespmem:$0x5B0] =	vst v1;
	v2 =	vmin.u32 v3, $0x3F  }
0x47: {  	[tilespmem:$0x5C0] =	vst v1;
	v3 =	vor.u32 v0, v2  }
0x48: {  	[tilespmem:$0x5D0] =	vst v1  }
0x49: {  	[tilespmem:$0x5E0] =	vst v1  }
0x4a: {  	[tilespmem:$0x5F0] =	vst v1  }
0x4b: {  	s8 =	simm.s32 $0x200;
	v1 =	vimm.s32 $0x1;
	[tilespmem:$0x100] =	vst v2  }
0x4c: {  	[tilespmem:v3+s8+$0x0] =	vst.idx.add.s32.msk $0xffff, v1  }
0x4d: {  	v2 =	vld [tilespmem:$0x10];
	_ =	sdelay $0x4  }
0x4e: {  	v2 =	vmul.f32 $6.400000000e+01, v2;
	_ =	sdelay $0x1  }
0x4f: {  	v2 =	vtrunc.f32 v2  }
0x50: {  	v2 =	vcvt.f32.s32 v2;
	_ =	sdelay $0x1  }
0x51: {  	vm13 =	vgt.s32 v2, $0x0  }
0x52: {  	v2 =	vnsel vm13, $0x0, v2  }
0x53: {  	v2 =	vmin.u32 v2, $0x3F  }
0x54: {  	v3 =	vor.u32 v0, v2;
	_ =	sdelay $0x3  }
0x55: {  	[tilespmem:$0x110] =	vst v2  }
0x56: {  	[tilespmem:v3+s8+$0x0] =	vst.idx.add.s32.msk $0xffff, v1  }
0x57: {  	v2 =	vld [tilespmem:$0x20];
	_ =	sdelay $0x4  }
0x58: {  	v2 =	vmul.f32 $6.400000000e+01, v2;
	_ =	sdelay $0x1  }
0x59: {  	v2 =	vtrunc.f32 v2  }
0x5a: {  	v2 =	vcvt.f32.s32 v2;
	_ =	sdelay $0x1  }
0x5b: {  	vm14 =	vgt.s32 v2, $0x0  }
0x5c: {  	v2 =	vnsel vm14, $0x0, v2  }
0x5d: {  	v2 =	vmin.u32 v2, $0x3F  }
0x5e: {  	v3 =	vor.u32 v0, v2;
	_ =	sdelay $0x3  }
0x5f: {  	[tilespmem:$0x120] =	vst v2  }
0x60: {  	[tilespmem:v3+s8+$0x0] =	vst.idx.add.s32.msk $0xffff, v1  }
0x61: {  	v2 =	vld [tilespmem:$0x30];
	_ =	sdelay $0x4  }
0x62: {  	v2 =	vmul.f32 $6.400000000e+01, v2;
	_ =	sdelay $0x1  }
0x63: {  	v2 =	vtrunc.f32 v2  }
0x64: {  	v2 =	vcvt.f32.s32 v2;
	_ =	sdelay $0x1  }
0x65: {  	vm15 =	vgt.s32 v2, $0x0  }
0x66: {  	v2 =	vnsel vm15, $0x0, v2  }
0x67: {  	v2 =	vmin.u32 v2, $0x3F  }
0x68: {  	v3 =	vor.u32 v0, v2;
	_ =	sdelay $0x3  }
0x69: {  	[tilespmem:$0x130] =	vst v2  }
0x6a: {  	[tilespmem:v3+s8+$0x0] =	vst.idx.add.s32.msk $0xffff, v1  }
0x6b: {  	v2 =	vld [tilespmem:$0x40];
	_ =	sdelay $0x4  }
0x6c: {  	v2 =	vmul.f32 $6.400000000e+01, v2;
	_ =	sdelay $0x1  }
0x6d: {  	v2 =	vtrunc.f32 v2  }
0x6e: {  	v2 =	vcvt.f32.s32 v2;
	_ =	sdelay $0x1  }
0x6f: {  	vm4 =	vgt.s32 v2, $0x0  }
0x70: {  	v2 =	vnsel vm4, $0x0, v2  }
0x71: {  	v2 =	vmin.u32 v2, $0x3F  }
0x72: {  	v3 =	vor.u32 v0, v2;
	_ =	sdelay $0x3  }
0x73: {  	[tilespmem:$0x140] =	vst v2  }
0x74: {  	[tilespmem:v3+s8+$0x0] =	vst.idx.add.s32.msk $0xffff, v1  }
0x75: {  	v2 =	vld [tilespmem:$0x50];
	_ =	sdelay $0x4  }
0x76: {  	v2 =	vmul.f32 $6.400000000e+01, v2;
	_ =	sdelay $0x1  }
0x77: {  	v2 =	vtrunc.f32 v2  }
0x78: {  	v2 =	vcvt.f32.s32 v2;
	_ =	sdelay $0x1  }
0x79: {  	vm5 =	vgt.s32 v2, $0x0  }
0x7a: {  	v2 =	vnsel vm5, $0x0, v2  }
0x7b: {  	v2 =	vmin.u32 v2, $0x3F  }
0x7c: {  	v3 =	vor.u32 v0, v2;
	_ =	sdelay $0x3  }
0x7d: {  	[tilespmem:$0x150] =	vst v2  }
0x7e: {  	[tilespmem:v3+s8+$0x0] =	vst.idx.add.s32.msk $0xffff, v1  }
0x7f: {  	v2 =	vld [tilespmem:$0x60];
	_ =	sdelay $0x4  }
0x80: {  	v2 =	vmul.f32 $6.400000000e+01, v2;
	_ =	sdelay $0x1  }
0x81: {  	v2 =	vtrunc.f32 v2  }
0x82: {  	v2 =	vcvt.f32.s32 v2;
	_ =	sdelay $0x1  }
0x83: {  	vm6 =	vgt.s32 v2, $0x0  }
0x84: {  	v2 =	vnsel vm6, $0x0, v2  }
0x85: {  	v2 =	vmin.u32 v2, $0x3F  }
0x86: {  	v3 =	vor.u32 v0, v2;
	_ =	sdelay $0x3  }
0x87: {  	[tilespmem:$0x160] =	vst v2  }
0x88: {  	[tilespmem:v3+s8+$0x0] =	vst.idx.add.s32.msk $0xffff, v1  }
0x89: {  	v2 =	vld [tilespmem:$0x70];
	_ =	sdelay $0x4  }
0x8a: {  	v2 =	vmul.f32 $6.400000000e+01, v2;
	_ =	sdelay $0x1  }
0x8b: {  	v2 =	vtrunc.f32 v2  }
0x8c: {  	v2 =	vcvt.f32.s32 v2;
	_ =	sdelay $0x1  }
0x8d: {  	vm7 =	vgt.s32 v2, $0x0  }
0x8e: {  	v2 =	vnsel vm7, $0x0, v2  }
0x8f: {  	v2 =	vmin.u32 v2, $0x3F  }
0x90: {  	v3 =	vor.u32 v0, v2;
	_ =	sdelay $0x3  }
0x91: {  	[tilespmem:$0x170] =	vst v2  }
0x92: {  	[tilespmem:v3+s8+$0x0] =	vst.idx.add.s32.msk $0xffff, v1  }
0x93: {  	v2 =	vld [tilespmem:$0x80];
	_ =	sdelay $0x4  }
0x94: {  	v2 =	vmul.f32 $6.400000000e+01, v2;
	_ =	sdelay $0x1  }
0x95: {  	v2 =	vtrunc.f32 v2  }
0x96: {  	v2 =	vcvt.f32.s32 v2;
	_ =	sdelay $0x1  }
0x97: {  	vm8 =	vgt.s32 v2, $0x0  }
0x98: {  	v2 =	vnsel vm8, $0x0, v2  }
0x99: {  	v2 =	vmin.u32 v2, $0x3F  }
0x9a: {  	v3 =	vor.u32 v0, v2;
	_ =	sdelay $0x3  }
0x9b: {  	[tilespmem:$0x180] =	vst v2  }
0x9c: {  	[tilespmem:v3+s8+$0x0] =	vst.idx.add.s32.msk $0xffff, v1  }
0x9d: {  	v2 =	vld [tilespmem:$0x90];
	_ =	sdelay $0x4  }
0x9e: {  	v2 =	vmul.f32 $6.400000000e+01, v2;
	_ =	sdelay $0x1  }
0x9f: {  	v2 =	vtrunc.f32 v2  }
0xa0: {  	v2 =	vcvt.f32.s32 v2;
	_ =	sdelay $0x1  }
0xa1: {  	vm9 =	vgt.s32 v2, $0x0  }
0xa2: {  	v2 =	vnsel vm9, $0x0, v2  }
0xa3: {  	v2 =	vmin.u32 v2, $0x3F  }
0xa4: {  	v3 =	vor.u32 v0, v2;
	_ =	sdelay $0x3  }
0xa5: {  	[tilespmem:$0x190] =	vst v2  }
0xa6: {  	[tilespmem:v3+s8+$0x0] =	vst.idx.add.s32.msk $0xffff, v1  }
0xa7: {  	v2 =	vld [tilespmem:$0xA0];
	_ =	sdelay $0x4  }
0xa8: {  	v2 =	vmul.f32 $6.400000000e+01, v2;
	_ =	sdelay $0x1  }
0xa9: {  	v2 =	vtrunc.f32 v2  }
0xaa: {  	v2 =	vcvt.f32.s32 v2;
	_ =	sdelay $0x1  }
0xab: {  	vm10 =	vgt.s32 v2, $0x0  }
0xac: {  	v2 =	vnsel vm10, $0x0, v2  }
0xad: {  	v2 =	vmin.u32 v2, $0x3F  }
0xae: {  	v3 =	vor.u32 v0, v2;
	_ =	sdelay $0x3  }
0xaf: {  	[tilespmem:$0x1A0] =	vst v2  }
0xb0: {  	[tilespmem:v3+s8+$0x0] =	vst.idx.add.s32.msk $0xffff, v1  }
0xb1: {  	v2 =	vld [tilespmem:$0xB0];
	_ =	sdelay $0x4  }
0xb2: {  	v2 =	vmul.f32 $6.400000000e+01, v2;
	_ =	sdelay $0x1  }
0xb3: {  	v2 =	vtrunc.f32 v2  }
0xb4: {  	v2 =	vcvt.f32.s32 v2;
	_ =	sdelay $0x1  }
0xb5: {  	vm11 =	vgt.s32 v2, $0x0  }
0xb6: {  	v2 =	vnsel vm11, $0x0, v2  }
0xb7: {  	v2 =	vmin.u32 v2, $0x3F  }
0xb8: {  	v3 =	vor.u32 v0, v2;
	_ =	sdelay $0x3  }
0xb9: {  	[tilespmem:$0x1B0] =	vst v2  }
0xba: {  	[tilespmem:v3+s8+$0x0] =	vst.idx.add.s32.msk $0xffff, v1  }
0xbb: {  	v2 =	vld [tilespmem:$0xC0];
	_ =	sdelay $0x4  }
0xbc: {  	v2 =	vmul.f32 $6.400000000e+01, v2;
	_ =	sdelay $0x1  }
0xbd: {  	v2 =	vtrunc.f32 v2  }
0xbe: {  	v2 =	vcvt.f32.s32 v2;
	_ =	sdelay $0x1  }
0xbf: {  	vm12 =	vgt.s32 v2, $0x0  }
0xc0: {  	v2 =	vnsel vm12, $0x0, v2  }
0xc1: {  	v2 =	vmin.u32 v2, $0x3F  }
0xc2: {  	v3 =	vor.u32 v0, v2;
	_ =	sdelay $0x3  }
0xc3: {  	[tilespmem:$0x1C0] =	vst v2  }
0xc4: {  	[tilespmem:v3+s8+$0x0] =	vst.idx.add.s32.msk $0xffff, v1  }
0xc5: {  	v2 =	vld [tilespmem:$0xD0];
	_ =	sdelay $0x4  }
0xc6: {  	v2 =	vmul.f32 $6.400000000e+01, v2;
	_ =	sdelay $0x1  }
0xc7: {  	v2 =	vtrunc.f32 v2  }
0xc8: {  	v2 =	vcvt.f32.s32 v2;
	_ =	sdelay $0x1  }
0xc9: {  	vm13 =	vgt.s32 v2, $0x0  }
0xca: {  	v2 =	vnsel vm13, $0x0, v2  }
0xcb: {  	v2 =	vmin.u32 v2, $0x3F  }
0xcc: {  	v3 =	vor.u32 v0, v2;
	_ =	sdelay $0x3  }
0xcd: {  	[tilespmem:$0x1D0] =	vst v2  }
0xce: {  	[tilespmem:v3+s8+$0x0] =	vst.idx.add.s32.msk $0xffff, v1  }
0xcf: {  	v2 =	vld [tilespmem:$0xE0];
	_ =	sdelay $0x4  }
0xd0: {  	v2 =	vmul.f32 $6.400000000e+01, v2;
	_ =	sdelay $0x1  }
0xd1: {  	v2 =	vtrunc.f32 v2  }
0xd2: {  	v2 =	vcvt.f32.s32 v2;
	_ =	sdelay $0x1  }
0xd3: {  	vm14 =	vgt.s32 v2, $0x0  }
0xd4: {  	v2 =	vnsel vm14, $0x0, v2  }
0xd5: {  	v2 =	vmin.u32 v2, $0x3F  }
0xd6: {  	v3 =	vor.u32 v0, v2;
	_ =	sdelay $0x3  }
0xd7: {  	[tilespmem:$0x1E0] =	vst v2  }
0xd8: {  	[tilespmem:v3+s8+$0x0] =	vst.idx.add.s32.msk $0xffff, v1  }
0xd9: {  	v2 =	vld [tilespmem:$0xF0];
	_ =	sdelay $0x4  }
0xda: {  	v2 =	vmul.f32 $6.400000000e+01, v2;
	_ =	sdelay $0x1  }
0xdb: {  	v2 =	vtrunc.f32 v2  }
0xdc: {  	v2 =	vcvt.f32.s32 v2;
	_ =	sdelay $0x1  }
0xdd: {  	vm15 =	vgt.s32 v2, $0x0  }
0xde: {  	v2 =	vnsel vm15, $0x0, v2  }
0xdf: {  	v2 =	vmin.u32 v2, $0x3F  }
0xe0: {  	v0 =	vor.u32 v0, v2;
	_ =	sdelay $0x3  }
0xe1: {  	[tilespmem:$0x1F0] =	vst v2  }
0xe2: {  	[tilespmem:v0+s8+$0x0] =	vst.idx.add.s32.msk $0xffff, v1  }
0xe3: {  	v0 =	vld [tilespmem:$0x200]  }
0xe4: {  	v1 =	vld [tilespmem:$0x240]  }
0xe5: {  	v2 =	vld [tilespmem:$0x280]  }
0xe6: {  	v3 =	vld [tilespmem:$0x2C0]  }
0xe7: {  	v4 =	vld [tilespmem:$0x300]  }
0xe8: {  	v5 =	vld [tilespmem:$0x340]  }
0xe9: {  	v6 =	vld [tilespmem:$0x380]  }
0xea: {  	v7 =	vld [tilespmem:$0x3C0]  }
0xeb: {  	v8 =	vld [tilespmem:$0x400]  }
0xec: {  	v9 =	vld [tilespmem:$0x440]  }
0xed: {  	v10 =	vld [tilespmem:$0x480]  }
0xee: {  	v11 =	vld [tilespmem:$0x4C0]  }
0xef: {  	v12 =	vld [tilespmem:$0x500]  }
0xf0: {  	v13 =	vld [tilespmem:$0x540]  }
0xf1: {  	v14 =	vld [tilespmem:$0x580]  }
0xf2: {  	v15 =	vld [tilespmem:$0x5C0]  }
0xf3: {  	v16 =	vld [tilespmem:$0x210]  }
0xf4: {  	v17 =	vld [tilespmem:$0x250]  }
0xf5: {  	v18 =	vld [tilespmem:$0x290]  }
0xf6: {  	v19 =	vld [tilespmem:$0x2D0]  }
0xf7: {  	v20 =	vld [tilespmem:$0x310]  }
0xf8: {  	v21 =	vld [tilespmem:$0x350]  }
0xf9: {  	v22 =	vld [tilespmem:$0x390]  }
0xfa: {  	v23 =	vld [tilespmem:$0x3D0]  }
0xfb: {  	v24 =	vld [tilespmem:$0x410]  }
0xfc: {  	v25 =	vld [tilespmem:$0x450]  }
0xfd: {  	v26 =	vld [tilespmem:$0x490]  }
0xfe: {  	v27 =	vld [tilespmem:$0x4D0]  }
0xff: {  	v28 =	vld [tilespmem:$0x510]  }
0x100: {  	v29 =	vld [tilespmem:$0x550]  }
0x101: {  	v30 =	vld [tilespmem:$0x590]  }
0x102: {  	v31 =	vld [tilespmem:$0x5D0]  }
0x103: {  	v32 =	vld [tilespmem:$0x220]  }
0x104: {  	v33 =	vld [tilespmem:$0x260]  }
0x105: {  	v34 =	vld [tilespmem:$0x2A0]  }
0x106: {  	v35 =	vld [tilespmem:$0x2E0]  }
0x107: {  	v36 =	vld [tilespmem:$0x320]  }
0x108: {  	v37 =	vld [tilespmem:$0x360]  }
0x109: {  	v38 =	vld [tilespmem:$0x3A0]  }
0x10a: {  	v59 =	vld [tilespmem:$0x520]  }
0x10b: {  	v60 =	vld [tilespmem:$0x560];
	v0 =	vadd.s32 v0, v1  }
0x10c: {  	v61 =	vld [tilespmem:$0x5A0];
	v0 =	vadd.s32 v2, v0  }
0x10d: {  	v62 =	vld [tilespmem:$0x5E0];
	v0 =	vadd.s32 v3, v0  }
0x10e: {  	v63 =	vld [tilespmem:$0x230];
	v0 =	vadd.s32 v4, v0  }
0x10f: {  	v39 =	vld [tilespmem:$0x270];
	v0 =	vadd.s32 v5, v0  }
0x110: {  	v40 =	vld [tilespmem:$0x2B0];
	v0 =	vadd.s32 v6, v0  }
0x111: {  	v41 =	vld [tilespmem:$0x2F0];
	v0 =	vadd.s32 v7, v0  }
0x112: {  	v43 =	vld [tilespmem:$0x330];
	v0 =	vadd.s32 v8, v0  }
0x113: {  	v45 =	vld [tilespmem:$0x370];
	v0 =	vadd.s32 v9, v0  }
0x114: {  	v46 =	vld [tilespmem:$0x3B0];
	v0 =	vadd.s32 v10, v0  }
0x115: {  	v47 =	vld [tilespmem:$0x3F0];
	v0 =	vadd.s32 v11, v0  }
0x116: {  	v48 =	vld [tilespmem:$0x430];
	v0 =	vadd.s32 v12, v0  }
0x117: {  	v49 =	vld [tilespmem:$0x470];
	v42 =	vadd.s32 v16, v17;
	v44 =	vadd.s32 v32, v33;
	v0 =	vadd.s32 v13, v0  }
0x118: {  	v50 =	vld [tilespmem:$0x4B0];
	v10 =	vadd.s32 v63, v39;
	v0 =	vadd.s32 v14, v0;
	v14 =	vadd.s32 v18, v42  }
0x119: {  	v1 =	vld [tilespmem:$0x3E0];
	v0 =	vadd.s32 v15, v0;
	v14 =	vadd.s32 v19, v14;
	v15 =	vadd.s32 v34, v44  }
0x11a: {  	v2 =	vld [tilespmem:$0x420];
	v10 =	vadd.s32 v40, v10;
	v14 =	vadd.s32 v20, v14;
	v15 =	vadd.s32 v35, v15  }
0x11b: {  	v3 =	vld [tilespmem:$0x460];
	v10 =	vadd.s32 v41, v10;
	v14 =	vadd.s32 v21, v14;
	v15 =	vadd.s32 v36, v15  }
0x11c: {  	v4 =	vld [tilespmem:$0x4A0];
	v10 =	vadd.s32 v43, v10;
	v14 =	vadd.s32 v22, v14;
	v15 =	vadd.s32 v37, v15  }
0x11d: {  	v5 =	vld [tilespmem:$0x4E0];
	v10 =	vadd.s32 v45, v10;
	v14 =	vadd.s32 v23, v14;
	v15 =	vadd.s32 v38, v15  }
0x11e: {  	v51 =	vld [tilespmem:$0x4F0];
	v10 =	vadd.s32 v46, v10;
	v14 =	vadd.s32 v24, v14;
	v1 =	vadd.s32 v1, v15  }
0x11f: {  	v52 =	vld [tilespmem:$0x530];
	v14 =	vadd.s32 v25, v14;
	v1 =	vadd.s32 v2, v1;
	v2 =	vadd.s32 v47, v10  }
0x120: {  	v53 =	vadd.s32 v26, v14;
	v1 =	vadd.s32 v3, v1;
	v2 =	vadd.s32 v48, v2;
	v3 =	vld [tilespmem:$0x570]  }
0x121: {  	v12 =	vadd.s32 v27, v53;
	v1 =	vadd.s32 v4, v1;
	v2 =	vadd.s32 v49, v2;
	v4 =	vld [tilespmem:$0x5B0]  }
0x122: {  	v12 =	vadd.s32 v28, v12;
	v1 =	vadd.s32 v5, v1;
	v2 =	vadd.s32 v50, v2;
	v5 =	vld [tilespmem:$0x5F0]  }
0x123: {  	v12 =	vadd.s32 v29, v12;
	v1 =	vadd.s32 v59, v1;
	v2 =	vadd.s32 v51, v2  }
0x124: {  	v54 =	vadd.s32 v30, v12;
	v1 =	vadd.s32 v60, v1;
	v2 =	vadd.s32 v52, v2  }
0x125: {  	[tilespmem:$0x600] =	vst v0;
	v0 =	vadd.s32 v31, v54;
	v1 =	vadd.s32 v61, v1;
	v2 =	vadd.s32 v3, v2  }
0x126: {  	[tilespmem:$0x610] =	vst v0;
	v0 =	vadd.s32 v62, v1;
	v1 =	vadd.s32 v4, v2  }
0x127: {  	s25 =	sshll.u32 s3, $0x6;
	[tilespmem:$0x620] =	vst v0;
	v0 =	vadd.s32 v5, v1  }
0x128: {  	s9 =	simm.s32 $0x600;
	s8 =	sadd.s32 s25, s6;
	[tilespmem:$0x630] =	vst v0  }
0x129: {  	[spmem:s8] =	stream.linear.scatter [tilespmem:s9], [sflag:$0x2], $0x40, $0x38;
	[tilespmem:$0x5BC0] =	vst v63  }
0x12a: {  	_ =	swait.ge [sflag:s24], $0x40  }
0x12b: {  	[sflag:s24] =	ssyncset.done $0x0  }
0x12c: {  	[sflag:s24] =	ssyncadd.s32 $0xFFFFFFC0  }
0x12d: {  	s26 =	simm.s32 $0x640;
	[bflag:$0x0] =	sbarrier.arrive $0xFFFF  }
0x12e: {  	[tilespmem:s26], [sflag:$0x2] =	stream.linear.gather [spmem:s6], $0x400, $0x38;
	[tilespmem:$0x5BC0] =	vst v63  }
0x12f: {  	_ =	swait.ge [sflag:s24], $0x400  }
0x130: {  	[sflag:s24] =	ssyncset.done $0x0  }
0x131: {  	[sflag:s24] =	ssyncadd.s32 $0xFFFFFC00  }
0x132: {  	v55 =	vld [tilespmem:$0x640]  }
0x133: {  	v41 =	vld [tilespmem:$0x680]  }
0x134: {  	v42 =	vld [tilespmem:$0x6C0]  }
0x135: {  	v43 =	vld [tilespmem:$0x700]  }
0x136: {  	v44 =	vld [tilespmem:$0x740]  }
0x137: {  	v45 =	vld [tilespmem:$0x780]  }
0x138: {  	v56 =	vld [tilespmem:$0x7C0]  }
0x139: {  	v57 =	vld [tilespmem:$0x800]  }
0x13a: {  	v39 =	vld [tilespmem:$0x840]  }
0x13b: {  	v58 =	vld [tilespmem:$0x880]  }
0x13c: {  	v32 =	vld [tilespmem:$0x8C0]  }
0x13d: {  	v27 =	vld [tilespmem:$0x900]  }
0x13e: {  	v23 =	vld [tilespmem:$0x940]  }
0x13f: {  	v13 =	vld [tilespmem:$0x980]  }
0x140: {  	v12 =	vld [tilespmem:$0x9C0]  }
0x141: {  	v59 =	vld [tilespmem:$0xA00]  }
0x142: {  	v60 =	vld [tilespmem:$0x650]  }
0x143: {  	v61 =	vld [tilespmem:$0x690]  }
0x144: {  	v62 =	vld [tilespmem:$0x6D0]  }
0x145: {  	v25 =	vld [tilespmem:$0x710]  }
0x146: {  	v21 =	vld [tilespmem:$0x750]  }
0x147: {  	s16 =	simm.s32 $0x1;
	s15 =	simm.s32 $0x1;
	v18 =	vld [tilespmem:$0x790]  }
0x148: {  	s10 =	simm.s32 $0x1;
	p1 =	sgt.u32 s3, $0x1;
	s9 =	simm.s32 $0x1;
	v17 =	vld [tilespmem:$0x7D0]  }
0x149: {  	s14 =	simm.s32 $0x1;
	s9 =	simm.s32 @!p1 $0x0;
	p1 =	sgt.u32 s3, $0x2;
	v47 =	vld [tilespmem:$0x660]  }
0x14a: {  	s12 =	simm.s32 $0x1;
	s16 =	simm.s32 @!p1 $0x0;
	p1 =	sgt.u32 s3, $0x3;
	v40 =	vld [tilespmem:$0x6A0]  }
0x14b: {  	s13 =	simm.s32 $0x1;
	s15 =	simm.s32 @!p1 $0x0;
	p1 =	sgt.u32 s3, $0x4;
	v16 =	vld [tilespmem:$0x810]  }
0x14c: {  	p0 =	sne.s32 s3, $0x0;
	s10 =	simm.s32 @!p1 $0x0;
	p1 =	sgt.u32 s3, $0x5;
	v14 =	vld [tilespmem:$0x850]  }
0x14d: {  	s8 =	simm.s32 $0x1;
	s14 =	simm.s32 @!p1 $0x0;
	p1 =	sgt.u32 s3, $0x6;
	v63 =	vld [tilespmem:$0x6E0]  }
0x14e: {  	s8 =	simm.s32 @!p0 $0x0;
	s12 =	simm.s32 @!p1 $0x0;
	p1 =	sgt.u32 s3, $0x7;
	v7 =	vld [tilespmem:$0x890];
	v4 =	vadd.s32 v55, v41  }
0x14f: {  	s13 =	simm.s32 @!p1 $0x0;
	v35 =	vld [tilespmem:$0x720];
	v24 =	vadd.s32 v60, v61;
	v34 =	vadd.s32 v47, v40;
	v54 =	vmul.u32 s8, v55  }
0x150: {  	v5 =	vld [tilespmem:$0x8D0];
	v41 =	vmul.u32 s9, v41;
	v38 =	vmul.u32 s13, v57;
	v37 =	vmul.u32 s8, v60  }
0x151: {  	v31 =	vld [tilespmem:$0x760];
	v33 =	vmul.u32 s9, v61;
	v60 =	vmul.u32 s9, v40;
	v29 =	vmul.u32 s16, v62  }
0x152: {  	v3 =	vld [tilespmem:$0x910];
	v36 =	vmul.u32 s16, v63;
	v4 =	vadd.s32 v42, v4;
	v6 =	vadd.s32 v62, v24  }
0x153: {  	v2 =	vld [tilespmem:$0x950];
	v8 =	vadd.s32 v63, v34;
	v42 =	vmul.u32 s16, v42;
	v4 =	vadd.s32 v43, v4  }
0x154: {  	v30 =	vld [tilespmem:$0x7A0];
	v6 =	vadd.s32 v25, v6;
	v8 =	vadd.s32 v35, v8;
	v43 =	vmul.u32 s15, v43  }
0x155: {  	v1 =	vld [tilespmem:$0x990];
	v41 =	vadd.s32 v54, v41;
	v25 =	vmul.u32 s15, v25;
	v35 =	vmul.u32 s15, v35  }
0x156: {  	v28 =	vld [tilespmem:$0x7E0];
	v4 =	vadd.s32 v44, v4;
	v6 =	vadd.s32 v21, v6;
	v48 =	vadd.s32 v31, v8  }
0x157: {  	v0 =	vld [tilespmem:$0x9D0];
	v44 =	vmul.u32 s10, v44;
	v41 =	vadd.s32 v42, v41;
	v21 =	vmul.u32 s10, v21  }
0x158: {  	v46 =	vld [tilespmem:$0xA10];
	v31 =	vmul.u32 s10, v31;
	v4 =	vadd.s32 v45, v4;
	v6 =	vadd.s32 v18, v6  }
0x159: {  	v24 =	vld [tilespmem:$0x820];
	v49 =	vadd.s32 v30, v48;
	v45 =	vmul.u32 s14, v45;
	v41 =	vadd.s32 v43, v41  }
0x15a: {  	v22 =	vld [tilespmem:$0x860];
	v18 =	vmul.u32 s14, v18;
	v4 =	vadd.s32 v56, v4;
	v6 =	vadd.s32 v17, v6  }
0x15b: {  	v9 =	vld [tilespmem:$0x8E0];
	v10 =	vadd.s32 v28, v49;
	v56 =	vmul.u32 s12, v56;
	v4 =	vadd.s32 v57, v4  }
0x15c: {  	v8 =	vld [tilespmem:$0x8A0];
	v41 =	vadd.s32 v44, v41;
	v17 =	vmul.u32 s12, v17;
	v4 =	vadd.s32 v39, v4  }
0x15d: {  	v42 =	vld [tilespmem:$0x670];
	v28 =	vmul.u32 s12, v28;
	v6 =	vadd.s32 v16, v6;
	v4 =	vadd.s32 v58, v4  }
0x15e: {  	v10 =	vadd.s32 v24, v10;
	v6 =	vadd.s32 v14, v6;
	v50 =	vadd.s32 v32, v4;
	v4 =	vld [tilespmem:$0x920]  }
0x15f: {  	s11 =	simm.s32 $0x1;
	p1 =	sgt.u32 s3, $0x8;
	v41 =	vadd.s32 v45, v41;
	v51 =	vadd.s32 v7, v6;
	v6 =	vld [tilespmem:$0x960];
	v11 =	vadd.s32 v27, v50  }
0x160: {  	s6 =	simm.s32 $0x1;
	s11 =	simm.s32 @!p1 $0x0;
	p1 =	sgt.u32 s3, $0x9;
	v48 =	vadd.s32 v22, v10;
	v10 =	vld [tilespmem:$0x9A0];
	v34 =	vadd.s32 v5, v51;
	v11 =	vadd.s32 v23, v11  }
0x161: {  	s6 =	simm.s32 @!p1 $0x0;
	v48 =	vadd.s32 v8, v48;
	v34 =	vadd.s32 v3, v34;
	v49 =	vadd.s32 v13, v11;
	v11 =	vld [tilespmem:$0x9E0]  }
0x162: {  	v57 =	vmul.u32 s6, v58;
	v48 =	vadd.s32 v9, v48;
	v51 =	vld [tilespmem:$0xA20];
	v50 =	vadd.s32 v2, v34  }
0x163: {  	v52 =	vadd.s32 v1, v50;
	v49 =	vadd.s32 v12, v49;
	v48 =	vadd.s32 v4, v48  }
0x164: {  	v19 =	vadd.s32 v0, v52;
	v34 =	vadd.s32 v59, v49;
	v48 =	vadd.s32 v6, v48  }
0x165: {  	v39 =	vmul.u32 s11, v39;
	v19 =	vadd.s32 v46, v19;
	(xrf0) =	vadd.scan.msk.s32 $0xffff, v34;
	v53 =	vadd.s32 v10, v48  }
0x166: {  	s7 =	simm.s32 $0x1;
	p1 =	sgt.u32 s3, $0xA;
	v44 =	vld [tilespmem:$0x6B0];
	v41 =	vadd.s32 v56, v41;
	v58 =	vmul.u32 s8, v47;
	(xrf0) =	vadd.scan.msk.s32 $0xffff, v19;
	v55 =	vadd.s32 v11, v53  }
0x167: {  	s7 =	simm.s32 @!p1 $0x0;
	p1 =	sgt.u32 s3, $0xB;
	v40 =	vld [tilespmem:$0x730];
	v38 =	vadd.s32 v38, v41;
	v59 =	vmul.u32 s8, v42;
	s8 =	simm.s32 $0x1;
	v15 =	vadd.s32 v51, v55  }
0x168: {  	v16 =	vmul.u32 s13, v16;
	v32 =	vmul.u32 s7, v32;
	v38 =	vadd.s32 v39, v38;
	s8 =	simm.s32 @!p1 $0x0;
	(xrf0) =	vadd.scan.msk.s32 $0xffff, v15  }
0x169: {  	v24 =	vmul.u32 s13, v24;
	v38 =	vadd.s32 v57, v38;
	v48 =	vld [tilespmem:$0x6F0];
	v27 =	vmul.u32 s8, v27  }
0x16a: {  	v14 =	vmul.u32 s11, v14;
	v22 =	vmul.u32 s11, v22;
	v32 =	vadd.s32 v32, v38  }
0x16b: {  	v7 =	vmul.u32 s6, v7;
	v61 =	vmul.u32 s9, v44;
	s9 =	simm.s32 $0x1;
	p1 =	sgt.u32 s3, $0xC;
	v27 =	vadd.s32 v27, v32;
	v32 =	vld [tilespmem:$0x770];
	v46, _, _ =	vpop (xrf0)  }
0x16c: {  	v54 =	vadd.s32 v58, v60;
	v52 =	vmul.u32 s15, v40;
	s9 =	simm.s32 @!p1 $0x0;
	v55 =	vld [tilespmem:$0x7F0];
	(v2sf) =	vpush v46, $0xF;
	v20, _, _ =	vpop (xrf0)  }
0x16d: {  	v59 =	vadd.s32 v59, v61;
	v23 =	vmul.u32 s9, v23;
	(v2sf) =	vpush v20, $0xF  }
0x16e: {  	v53 =	vadd.s32 v37, v33;
	v33 =	vadd.s32 v36, v54;
	v62 =	vmul.u32 s16, v48;
	v26, _, _ =	vpop (xrf0)  }
0x16f: {  	v56 =	vadd.s32 v35, v33;
	v63 =	vbroadcast v46, $0xF;
	(v2sf) =	vpush v26, $0xF  }
0x170: {  	p1 =	sgt.u32 s3, $0xD;
	v23 =	vadd.s32 v23, v27;
	v57 =	vmul.u32 s10, v32;
	s10 =	simm.s32 $0x1;
	v38 =	vadd.s32 v62, v59  }
0x171: {  	v60 =	vmul.u32 s12, v55;
	s12 =	simm.s32 $0x1;
	v27 =	vadd.s32 v63, v53;
	s10 =	simm.s32 @!p1 $0x0;
	p1 =	seq.s32 s3, $0xF;
	v38 =	vadd.s32 v52, v38  }
0x172: {  	v27 =	vadd.s32 v29, v27;
	v29 =	vmul.u32 s14, v30;
	s12 =	simm.s32 @!p1 $0x0;
	v13 =	vmul.u32 s10, v13  }
0x173: {  	v30 =	vadd.s32 v31, v56;
	v12 =	vmul.u32 s12, v12;
	v63 =	vadd.s32 v25, v27  }
0x174: {  	v49 =	vld [tilespmem:$0x7B0];
	v31 =	vadd.s32 v57, v38;
	v13 =	vadd.s32 v13, v23;
	v38 =	vadd.s32 v21, v63  }
0x175: {  	v5 =	vmul.u32 s7, v5;
	v36 =	vld [tilespmem:$0x830];
	v12 =	vadd.s32 v12, v13;
	v13 =	vadd.s32 v18, v38  }
0x176: {  	v9 =	vmul.u32 s7, v9;
	v45 =	vadd.s32 v42, v44;
	v13 =	vadd.s32 v17, v13  }
0x177: {  	v3 =	vmul.u32 s8, v3;
	v2 =	vmul.u32 s9, v2;
	v13 =	vadd.s32 v16, v13  }
0x178: {  	v58 =	vld [tilespmem:$0x870];
	v6 =	vmul.u32 s9, v6;
	v47 =	vadd.s32 v48, v45;
	v13 =	vadd.s32 v14, v13  }
0x179: {  	v33 =	vmul.u32 s14, v49;
	v48 =	vadd.s32 v40, v47;
	v7 =	vadd.s32 v7, v13  }
0x17a: {  	v51 =	vld [tilespmem:$0x8B0];
	v61 =	vmul.u32 s13, v36;
	v50 =	vadd.s32 v32, v48;
	v5 =	vadd.s32 v5, v7  }
0x17b: {  	v52 =	vadd.s32 v49, v50;
	v53 =	vld [tilespmem:$0x8F0];
	v1 =	vmul.u32 s10, v1;
	v3 =	vadd.s32 v3, v5;
	s28 =	spop (v2sf)  }
0x17c: {  	v54 =	vadd.s32 v55, v52;
	v55 =	vld [tilespmem:$0x930];
	v0 =	vmul.u32 s12, v0;
	v2 =	vadd.s32 v2, v3;
	s29 =	spop (v2sf)  }
0x17d: {  	v62 =	vmul.u32 s11, v58;
	v56 =	vld [tilespmem:$0x970];
	v5 =	vadd.s32 v36, v54;
	v1 =	vadd.s32 v1, v2;
	s13 =	sadd.s32 s28, s29  }
0x17e: {  	v3 =	vadd.s32 v58, v5;
	v5 =	vld [tilespmem:$0x9B0];
	v0 =	vadd.s32 v0, v1;
	v30 =	vadd.s32 s13, v30;
	s30 =	spop (v2sf)  }
0x17f: {  	v57 =	vld [tilespmem:$0x9F0];
	v3 =	vadd.s32 v51, v3;
	v58 =	vsub.s32 v0, v19;
	v2 =	vadd.s32 v29, v30;
	s11 =	sadd.s32 s13, s30  }
0x180: {  	v1 =	vadd.s32 v28, v2;
	v2 =	vadd.s32 v53, v3;
	v3 =	vld [tilespmem:$0xA30];
	v25 =	vadd.s32 s11, v31  }
0x181: {  	v0 =	vadd.s32 v24, v1;
	v1 =	vadd.s32 v55, v2;
	v2 =	vmul.u32 s6, v8  }
0x182: {  	v0 =	vadd.s32 v22, v0;
	v1 =	vadd.s32 v56, v1;
	v59 =	vadd.s32 v33, v25  }
0x183: {  	v1 =	vadd.s32 v5, v1;
	v0 =	vadd.s32 v2, v0;
	v2 =	vadd.s32 v60, v59  }
0x184: {  	v12 =	vsub.s32 v12, v34;
	v1 =	vadd.s32 v57, v1;
	v2 =	vadd.s32 v61, v2  }
0x185: {  	v1 =	vadd.s32 v3, v1;
	v3 =	vmul.u32 s8, v4;
	v4 =	vmul.u32 s6, v51  }
0x186: {  	v63 =	vmul.u32 s8, v55;
	v61 =	vmul.u32 s7, v53;
	v2 =	vadd.s32 v62, v2  }
0x187: {  	v60 =	vmul.u32 s10, v10;
	v0 =	vadd.s32 v9, v0;
	v2 =	vadd.s32 v4, v2  }
0x188: {  	(xrf0) =	vadd.scan.msk.s32 $0xffff, v1;
	v0 =	vadd.s32 v3, v0;
	v3 =	vmul.u32 s9, v56;
	v2 =	vadd.s32 v61, v2  }
0x189: {  	v62 =	vmul.u32 s12, v11;
	v4 =	vmul.u32 s10, v5;
	v2 =	vadd.s32 v63, v2  }
0x18a: {  	v5 =	vmul.u32 s12, v57;
	v0 =	vadd.s32 v6, v0;
	v2 =	vadd.s32 v3, v2  }
0x18b: {  	v0 =	vadd.s32 v60, v0;
	v2 =	vadd.s32 v4, v2;
	v4 =	vadd.s32 v20, v58  }
0x18c: {  	v12 =	vadd.s32 v46, v12;
	v3 =	vadd.s32 v62, v0;
	v0 =	vmov s5  }
0x18d: {  	[tilespmem:$0xA40] =	vst v12;
	v3 =	vsub.s32 v3, v15;
	v2 =	vadd.s32 v5, v2  }
0x18e: {  	[tilespmem:$0xA50] =	vst v4;
	v3 =	vadd.s32 v26, v3;
	v1 =	vsub.s32 v2, v1;
	v4, _, _ =	vpop (xrf0)  }
0x18f: {  	[tilespmem:$0xA60] =	vst v3;
	v1 =	vadd.s32 v4, v1  }
0x190: {  	s8 =	simm.s32 $0x100;
	[tilespmem:$0xA70] =	vst v1  }
0x191: {  	v1 =	vld.idx.msk [tilespmem:v0+s8+$0x0], $0xffff;
	_ =	sdelay $0x6  }
0x192: {  	s9 =	simm.s32 $0xA40  }
0x193: {  	v3 =	vld.idx.msk [tilespmem:v1+s9+$0x0], $0xffff;
	_ =	sdelay $0x1  }
0x194: {  	s31 =	simm.s32 $0x1  }
0x195: {  	s11 =	simm.s32 $0x2;
	s7 =	sadd.s32 $0xA00, s4;
	s6 =	sadd.s32 $0xAA00, s4  }
0x196: {  	s10 =	simm.s32 $0xA80;
	s5 =	sadd.s32 $0x2A00, s4;
	s4 =	sadd.s32 $0xCA00, s4;
	v2 =	vmov s31  }
.LBB2_1:
0x197: {  	p1 =	sne.s32 s11, $0xFF;
	v4 =	vadd.s32 $0x1, v3  }
0x198: {  	[tilespmem:v1+s9+$0x0] =	vst.idx.msk $0x1, v4  }
0x199: {  	[tilespmem:v0+s10+$0x0] =	vst.idx.msk $0x1, v3;
	v0 =	vmov v2  }
0x19a: {  	v1 =	vld.idx.msk [tilespmem:v2+s8+$0x0], $0xffff;
	_ =	sdelay $0x7  }
0x19b: {  	v3 =	vld.idx.msk [tilespmem:v1+s9+$0x0], $0xffff  }
.Ltmp0:
0x19c: {  	(pc) =	sbr.rel @p1 .LBB2_1-.Ltmp0, $3  }
0x19d: {  	_ =	sdelay $0x1  }
0x19e: {  	v2 =	vmov s11  }
0x19f: {  	s11 =	sadd.s32 $0x1, s11  }
0x1a0: {  	_ =	sdelay $0x2  }
0x1a1: {  	v4 =	vadd.s32 $0x1, v3  }
0x1a2: {  	[tilespmem:v1+s9+$0x0] =	vst.idx.msk $0x1, v4  }
0x1a3: {  	[tilespmem:v0+s10+$0x0] =	vst.idx.msk $0x1, v3  }
0x1a4: {  	v0 =	vld.idx.msk [tilespmem:v2+s8+$0x0], $0xffff;
	_ =	sdelay $0x7  }
0x1a5: {  	v1 =	vld.idx.msk [tilespmem:v0+s9+$0x0], $0xffff;
	_ =	sdelay $0x4  }
0x1a6: {  	v63 =	vadd.s32 $0x1, v1  }
0x1a7: {  	s22 =	sshll.u32 s3, $0x9;
	s23 =	simm.s32 $0x0;
	[tilespmem:v0+s9+$0x0] =	vst.idx.msk $0x1, v63  }
0x1a8: {  	s24 =	simm.s32 $0xB80;
	s25 =	simm.s32 $0x2;
	s7 =	sadd.s32 s7, s22;
	[tilespmem:v2+s10+$0x0] =	vst.idx.msk $0x1, v1  }
0x1a9: {  	[tilespmem:s24], [sflag:$0x2] =	stream.linear.gather [hbm4b:s7+s23], $0x1000, $0x38;
	[tilespmem:$0x5BC0] =	vst v63  }
0x1aa: {  	_ =	swait.ge [sflag:s25], $0x1000  }
0x1ab: {  	s26 =	sshll.u32 s3, $0xB;
	[sflag:s25] =	ssyncset.done $0x0  }
0x1ac: {  	s28 =	simm.s32 $0x1B80;
	s2 =	sadd.s32 s2, s26;
	[sflag:s25] =	ssyncadd.s32 $0xFFFFF000  }
0x1ad: {  	[tilespmem:s28], [sflag:$0x2] =	stream.linear.gather [hbm4b:s2+s23], $0x4000, $0x38;
	[tilespmem:$0x5BC0] =	vst v63  }
0x1ae: {  	_ =	swait.ge [sflag:s25], $0x4000  }
0x1af: {  	s29 =	simm.s32 $0x100;
	[sflag:s25] =	ssyncset.done $0x0  }
0x1b0: {  	s30 =	simm.s32 $0xA80;
	s31 =	simm.s32 $0x1;
	[sflag:s25] =	ssyncadd.s32 $0xFFFFC000  }
0x1b1: {  	[hbm4b:s6+s29] =	stream.indirect.scatter [tilespmem:s24], [sflag:$0x1], $0x10, s30, s29, $0xb8;
	[tilespmem:$0x5BC0] =	vst v63  }
0x1b2: {  	_ =	swait.ge [sflag:s31], $0x1000  }
0x1b3: {  	[sflag:s31] =	ssyncset.done $0x0  }
0x1b4: {  	[sflag:s31] =	ssyncadd.s32 $0xFFFFF000  }
0x1b5: {  	[hbm4b:s5+s29] =	stream.indirect.scatter [tilespmem:s28], [sflag:$0x1], $0x40, s30, s29, $0xb8;
	[tilespmem:$0x5BC0] =	vst v63  }
0x1b6: {  	_ =	swait.ge [sflag:s31], $0x4000  }
0x1b7: {  	[sflag:s31] =	ssyncset.done $0x0  }
0x1b8: {  	s1 =	sadd.s32 s4, s1;
	[sflag:s31] =	ssyncadd.s32 $0xFFFFC000  }
0x1b9: {  	[hbm4b:s1+s23] =	stream.linear.scatter [tilespmem:s30], [sflag:$0x2], $0x100, $0x38;
	[tilespmem:$0x5BC0] =	vst v63  }
0x1ba: {  	_ =	swait.ge [sflag:s25], $0x100  }
0x1bb: {  	[sflag:s25] =	ssyncset.done $0x0  }
0x1bc: {  	[sflag:s25] =	ssyncadd.s32 $0xFFFFFF00  }
0x1bd: {  	_ =	sfence.sel $0x180000  }
0x1be: {  	[bflag:$0x0] =	sbarrier.arrive $0xFFFF  }
0x1bf: {  	_ =	strace $0x90000047  }
0x1c0: {  	s0 =	sadd.s32 @!p0 $0x100000, s0;
	[bflag:$0x2] =	sbarrier.arrive $0xFFFF  }
0x1c1: {  	[sflag:s0] =	ssyncadd.tile.s32 @!p0 $0x1;
	_ =	shalt  }
.Lfunc_end2:
_tile_overlayer_lowered:
.L_overlay_start_2:
0x1c2: {  	(tag) =	ssettag $0x2  }
0x1c3: {  	s0 =	rddreg [dreg:$0x0];
	s2 =	stileid.u32  }
0x1c4: {  	s1 =	rddreg [dreg:$0x1];
	p0 =	sne.s32 s2, $0x0  }
0x1c5: {  	s3 =	rddreg [dreg:$0x2];
	[bflag:$0x3] =	sbarrier.arrive $0xFFFF;
	s2 =	simm.s32 @!p0 $0x1C02  }
0x1c6: {  	[timem:s3], [sflag:s2] =	dma.local @!p0 [hbm:s0], s1  }
0x1c7: {  	s0 =	simm.s32 @!p0 $0x2  }
0x1c8: {  	_ =	swait.ge @!p0 [sflag:s0], s1  }
0x1c9: {  	s1 =	ssub.s32 @!p0 $0x0, s1;
	[sflag:s0] =	ssyncset.done @!p0 $0x0  }
0x1ca: {  	[sflag:s0] =	ssyncadd.s32 @!p0 s1  }
0x1cb: {  	[bflag:$0x3] =	sbarrier.arrive $0xFFFF  }
0x1cc: {  	_ =	shalt  }

// kernel: kernel.9.cloned.1.call-start
scs
__scs_entry_jumppad:
0x0: {  	(pc) =	sbr.rel $0x88, $3  }
0x1: {  	(tag) =	ssettag $0x0;
	lr =	simm.s32 $0x1  }
0x2: {  	[smem:$0x3F9C] =	sst lr;
	_ =	strace $0xD0000000  }
0x3: {  	_ = 	snop  }
0x4: {  	_ = 	snop  }
0x5: {  	_ = 	snop  }
0x6: {  	_ = 	snop  }
0x7: {  	_ = 	snop  }
__scs_overlays_trampoline_lowered:
0x8: {  	[smem:$0x3FAB] =	sst s0  }
0x9: {  	[smem:$0x3FAC] =	sst s1  }
0xa: {  	[smem:$0x3FAD] =	sst s2  }
0xb: {  	[smem:$0x3FAE] =	sst s3  }
0xc: {  	[smem:$0x3FAF] =	sst s4  }
0xd: {  	[smem:$0x3FB0] =	sst s5  }
0xe: {  	[smem:$0x3FB1] =	sst s6  }
0xf: {  	[smem:$0x3FB2] =	sst s7  }
0x10: {  	[smem:$0x3FB3] =	sst s8  }
0x11: {  	[smem:$0x3FB4] =	sst s9;
	s0 =	simm.s32 @!p0 $0x0  }
0x12: {  	s1 =	sld [smem:$0x3F9A];
	s0 =	simm.s32 @p0 $0x1  }
0x13: {  	[smem:$0x3FB5] =	sst s0;
	s0 =	simm.s32 @!p1 $0x0  }
0x14: {  	s2 =	sld [smem:$0x3F99];
	s0 =	simm.s32 @p1 $0x1  }
0x15: {  	[smem:$0x3FB6] =	sst s0;
	s0 =	simm.s32 @!p2 $0x0  }
0x16: {  	s3 =	sld [smem:$0x3FDB];
	s0 =	simm.s32 @p2 $0x1  }
0x17: {  	s4 =	simm.s32 $0x1BF5;
	[smem:$0x3FB8] =	sst s0  }
0x18: {  	s0 =	sld [smem:$0x3F9B];
	_ =	swait.ge [sflag:s4], $0x0  }
0x19: {  	s7 =	sld [smem:$0x3F9C]  }
0x1a: {  	s8 =	sadd.s32 $0xFFFFE003, lr  }
0x1b: {  	s9 =	sadd.s32 $0xFFFFFEF7, lr;
	s5 =	simm.s32 $0xFFFFFFFF;
	p2 =	slt.u32 s8, $0xFFFFF086  }
0x1c: {  	p1 =	slt.u32 s9, $0xF7A;
	s5 =	simm.s32 @!p2 $0x0  }
0x1d: {  	s5 =	simm.s32 @p1 $0x1;
	p0 =	seq.s32 s7, s2  }
0x1e: {  	s7 =	smul.u32 @!p0 $0xF7A, s2;
	p2 =	seq.s32 @!p0 s5, $0x0  }
0x1f: {  	s9 =	smul.u32 $0xF7A, s1;
	s8 =	simm.s32 @!p0 $0x1BF5;
	p2 =	por !p2, p0  }
0x20: {  	[sflag:s8] =	ssyncset.s32 @!p0 $0xFFFFF086;
	s6 =	sadd.s32 @!p0 s3, s7;
	s7 =	simm.s32 @!p0 $0x108  }
0x21: {  	s3 =	sadd.s32 s3, s9;
	s6 =	sadd.s32 @!p0 $0x88, s6;
	s7 =	simm.s32 @p2 $0x1082  }
0x22: {  	[simem:s7], [sflag:s8] =	dma.local @!p0 [hbm:s6], $0xF7A  }
0x23: {  	s9 =	sor.u32 $0xD0000000, s2;
	s6 =	simm.s32 $0x108;
	_ =	swait.ge @!p0 [sflag:s8], $0x0  }
0x24: {  	s3 =	sadd.s32 $0x88, s3;
	s6 =	simm.s32 @!p1 $0x1082;
	[sflag:s4] =	ssyncset.s32 $0xFFFFF086  }
0x25: {  	[simem:s6], [sflag:s4] =	dma.local [hbm:s3], $0xF7A  }
0x26: {  	[smem:$0x3F9C] =	sst s1;
	(tag) =	ssettag s2;
	_ =	strace s9  }
0x27: {  	s1 =	sld [smem:$0x3FAC]  }
0x28: {  	s2 =	sld [smem:$0x3FAD]  }
0x29: {  	s4 =	sld [smem:$0x3FAF]  }
0x2a: {  	p0 =	seq.s32 s5, $0x0;
	s5 =	sld [smem:$0x3FB0]  }
0x2b: {  	s6 =	sld [smem:$0x3FB1]  }
0x2c: {  	s7 =	sld [smem:$0x3FB2]  }
0x2d: {  	s3 =	simm.s32 $0x108;
	s8 =	sld [smem:$0x3FB3]  }
0x2e: {  	s3 =	simm.s32 @!p0 $0x1082;
	s9 =	sld [smem:$0x3FB4]  }
0x2f: {  	lr =	sadd.s32 s0, s3;
	s0 =	sld [smem:$0x3FAB]  }
0x30: {  	s3 =	sld [smem:$0x3FAE]  }
0x31: {  	[smem:$0x3FB7] =	sst s10  }
0x32: {  	s10 =	sld [smem:$0x3FB5];
	_ =	sdelay $0x3  }
0x33: {  	p0 =	seq.s32 s10, $0x1;
	s10 =	sld [smem:$0x3FB7];
	_ =	sdelay $0x3  }
0x34: {  	[smem:$0x3FB7] =	sst s10  }
0x35: {  	s10 =	sld [smem:$0x3FB6];
	_ =	sdelay $0x3  }
0x36: {  	p1 =	seq.s32 s10, $0x1;
	s10 =	sld [smem:$0x3FB7];
	_ =	sdelay $0x3  }
0x37: {  	[smem:$0x3FB7] =	sst s10  }
0x38: {  	s10 =	sld [smem:$0x3FB8]  }
0x39: {  	_ = 	snop;
	(pc) =	sbr.ind lr, $3  }
0x3a: {  	_ = 	snop  }
0x3b: {  	_ = 	snop  }
0x3c: {  	p2 =	seq.s32 s10, $0x1;
	s10 =	sld [smem:$0x3FB7]  }
0x3d: {  	_ =	shalt  }
0x3e: {  	_ =	shalt  }
0x3f: {  	_ =	shalt  }
0x40: {  	_ =	shalt  }
0x41: {  	_ =	shalt  }
0x42: {  	_ =	shalt  }
0x43: {  	_ =	shalt  }
0x44: {  	_ =	shalt  }
0x45: {  	_ =	shalt  }
0x46: {  	_ =	shalt  }
0x47: {  	_ =	shalt  }
0x48: {  	_ =	shalt  }
0x49: {  	_ =	shalt  }
0x4a: {  	_ =	shalt  }
0x4b: {  	_ =	shalt  }
0x4c: {  	_ =	shalt  }
0x4d: {  	_ =	shalt  }
0x4e: {  	_ =	shalt  }
0x4f: {  	_ =	shalt  }
0x50: {  	_ =	shalt  }
0x51: {  	_ =	shalt  }
0x52: {  	_ =	shalt  }
0x53: {  	_ =	shalt  }
0x54: {  	_ =	shalt  }
0x55: {  	_ =	shalt  }
0x56: {  	_ =	shalt  }
0x57: {  	_ =	shalt  }
0x58: {  	_ =	shalt  }
0x59: {  	_ =	shalt  }
0x5a: {  	_ =	shalt  }
0x5b: {  	_ =	shalt  }
0x5c: {  	_ =	shalt  }
0x5d: {  	_ =	shalt  }
0x5e: {  	_ =	shalt  }
0x5f: {  	_ =	shalt  }
0x60: {  	_ =	shalt  }
0x61: {  	_ =	shalt  }
0x62: {  	_ =	shalt  }
0x63: {  	_ =	shalt  }
0x64: {  	_ =	shalt  }
0x65: {  	_ =	shalt  }
0x66: {  	_ =	shalt  }
0x67: {  	_ =	shalt  }
0x68: {  	_ =	shalt  }
0x69: {  	_ =	shalt  }
0x6a: {  	_ =	shalt  }
0x6b: {  	_ =	shalt  }
0x6c: {  	_ =	shalt  }
0x6d: {  	_ =	shalt  }
0x6e: {  	_ =	shalt  }
0x6f: {  	_ =	shalt  }
0x70: {  	_ =	shalt  }
0x71: {  	_ =	shalt  }
0x72: {  	_ =	shalt  }
0x73: {  	_ =	shalt  }
0x74: {  	_ =	shalt  }
0x75: {  	_ =	shalt  }
0x76: {  	_ =	shalt  }
0x77: {  	_ =	shalt  }
0x78: {  	_ =	shalt  }
0x79: {  	_ =	shalt  }
0x7a: {  	_ =	shalt  }
0x7b: {  	_ =	shalt  }
0x7c: {  	_ =	shalt  }
0x7d: {  	_ =	shalt  }
0x7e: {  	_ =	shalt  }
0x7f: {  	_ =	shalt  }
0x80: {  	_ =	shalt  }
0x81: {  	_ =	shalt  }
0x82: {  	_ =	shalt  }
0x83: {  	_ =	shalt  }
0x84: {  	_ =	shalt  }
0x85: {  	_ =	shalt  }
0x86: {  	_ =	shalt  }
0x87: {  	_ =	shalt  }
.Lfunc_end0:
.L_simem_size_0:
called_computation.1_lowered:
.L_overlay_start_0:
0x88: {  	s0 =	sld [smem:$0x3FD9]  }
0x89: {  	s1 =	sld [smem:$0x3FFE];
	_ =	sdelay $0x3  }
0x8a: {  	s0 =	sadd.s32 s1, s0  }
0x8b: {  	[smem:$0x3FC3] =	sst s0  }
0x8c: {  	_ = 	snop  }
0x8d: {  	s0 =	sld [smem:$0x3FD0];
	(tm) =	ssettm $0x1  }
0x8e: {  	s16 =	sld [smem:$0x3FFB];
	_ =	sdelay $0x3  }
0x8f: {  	_ =	strace s16  }
0x90: {  	s1 =	sld [smem:$0x3FFC];
	_ =	sdelay $0x3  }
0x91: {  	_ =	strace s1  }
0x92: {  	s1 =	sld [smem:$0x3FFD];
	_ =	sdelay $0x3  }
0x93: {  	_ =	strace s1  }
0x94: {  	_ =	strace $0x8FFFFFFF  }
0x95: {  	s17 =	sld [smem:$0x3FDB];
	_ =	sdelay $0x1  }
0x96: {  	s2 =	simm.s32 $_scs_section_size  }
0x97: {  	s3 =	simm.s32 $_size__tile_overlayer_lowered;
	s4 =	simm.s32 $_tile_overlayer_lowered  }
0x98: {  	s20 =	simm.s32 $0x1BFF;
	s19 =	sshll.u32 s4, $0x1;
	s1 =	sadd.s32 s2, s17  }
0x99: {  	s5 =	simm.s32 $0x0;
	s18 =	sshll.u32 s3, $0x1;
	s3 =	sadd.s32 s19, s1  }
0x9a: {  	[timem:s5], [sflag:s20] =	dma.local [hbm:s3], s18  }
0x9b: {  	_ =	swait.ge [sflag:s20], s18  }
0x9c: {  	s2 =	ssub.s32 $0x0, s18;
	[sflag:s20] =	ssyncset.done $0x0  }
0x9d: {  	[sflag:s20] =	ssyncadd.s32 s2;
	_ =	sdelay $0x1  }
0x9e: {  	s21 =	simm.s32 $0x1B8B  }
0x9f: {  	_ =	swait.ge [sflag:s21], $0x1  }
0xa0: {  	[sflag:s21] =	ssyncset.done $0x0  }
0xa1: {  	s23 =	simm.s32 $0x1B8E;
	s22 =	sld [smem:$0x3FFE];
	[sflag:s21] =	ssyncadd.s32 $0xFFFFFFFF  }
0xa2: {  	s24 =	simm.s32 $execute0_lowered;
	[smem:$0x3FD2] =	sst s23  }
0xa3: {  	s3 =	sshll.u32 s24, $0x1;
	_ =	strace $0x80000049;
	[dreg:$0x1] =	wrdreg $0xFFFFFFFF  }
0xa4: {  	s25 =	simm.s32 $_size_execute0_lowered;
	s1 =	sadd.s32 s1, s3;
	[dreg:$0x0] =	wrdreg $0x0  }
0xa5: {  	s3 =	sshll.u32 s25, $0x1;
	[dreg:$0x2] =	wrdreg s1  }
0xa6: {  	[dreg:$0x3] =	wrdreg s3  }
0xa7: {  	[dreg:$0x4] =	wrdreg $0xC0  }
0xa8: {  	_ =	task [dreg:s5], $0x5FFFF  }
0xa9: {  	[dreg:$0x1] =	wrdreg $0xFFFFFFFF  }
0xaa: {  	[dreg:$0x0] =	wrdreg $0x60  }
0xab: {  	[dreg:$0x2] =	wrdreg s0  }
0xac: {  	[dreg:$0x3] =	wrdreg s22  }
0xad: {  	[dreg:$0x4] =	wrdreg $0x9  }
0xae: {  	_ =	task.clear_ibuf [dreg:s5], $0x5FFFF;
	_ =	strace $0x90000049  }
0xaf: {  	s26 =	simm.s32 $0x9;
	_ =	strace $0x8000004B  }
0xb0: {  	_ =	swait.ge [sflag:s26], $0x1  }
0xb1: {  	[sflag:s26] =	ssyncadd.s32 $0xFFFFFFFF  }
0xb2: {  	_ =	strace $0x9000004B  }
0xb3: {  	_ =	sfence  }
0xb4: {  	s28 =	sld [smem:$0x0];
	_ =	sdelay $0x1  }
0xb5: {  	s29 =	srdreg.scid  }
0xb6: {  	s30 =	sshll.u32 s29, $0xD;
	s31 =	sshrl.u32 s29, $0x2  }
0xb7: {  	s2 =	sand.u32 $0x4000, s30;
	s1 =	sand.u32 $0x1, s29;
	s0 =	sadd.s32 s31, s28  }
0xb8: {  	s1 =	sor.u32 s2, s1;
	s0 =	sshll.u32 s0, $0x11  }
0xb9: {  	s0 =	sor.u32 s0, s1  }
0xba: {  	s0 =	sadd.s32 $0x8F2B, s0  }
0xbb: {  	[sflag:s0] =	ssyncadd.remote.s32 $0x1  }
0xbc: {  	_ =	sfence.sel $0xFFFF  }
0xbd: {  	[dreg:$0x0] =	wrdreg $0xFFFFFFFF;
	(pc) =	sbr.abs _section_cstart, $3  }
0xbe: {  	[dreg:$0x1] =	wrdreg $0xFFFFFFFF  }
0xbf: {  	_ =	task.clear_ibuf [dreg:s5], $0x2FFFF;
	_ =	strace $0x9FFFFFFF  }
0xc0: {  	(tm) =	ssettm $0x7FFFFFFF  }
0xc1: {  	_ =	shalt  }
tec
execute0_lowered:
.L_overlay_start_1:
0x0: {  	(tag) =	ssettag $0x1  }
0x1: {  	s0 =	rddreg [dreg:$0x0]  }
0x2: {  	s1 =	rddreg [dreg:$0x1];
	s2 =	stileid.u32  }
0x3: {  	s3 =	rddreg [dreg:$0x2];
	s4 =	simm.s32 $0x0;
	s5 =	sshll.u32 s2, $0x5  }
0x4: {  	[smem:$0x7FF] =	sst s4;
	s5 =	sadd.s32 s5, s1  }
0x5: {  	s30 =	simm.s32 $0x2;
	_ =	strace $0x8000004A;
	s5 =	sadd.s32 $0xCA00, s5  }
0x6: {  	[tilespmem:s4], [sflag:$0x2] =	stream.linear.gather [hbm4b:s5+s4], $0x100, $0x38;
	[tilespmem:$0x4100] =	vst v63  }
0x7: {  	_ =	swait.ge [sflag:s30], $0x100  }
0x8: {  	[sflag:s30] =	ssyncset.done $0x0  }
0x9: {  	s6 =	simm.s32 $0x100;
	s31 =	simm.s32 $0x1;
	[sflag:s30] =	ssyncadd.s32 $0xFFFFFF00  }
0xa: {  	[tilespmem:s6], [sflag:$0x1] =	stream.indirect.gather [hbm4b:s0+s6], $0x40, s4, s6, $0xb8;
	[tilespmem:$0x4100] =	vst v63  }
0xb: {  	s7 =	sshll.u32 s2, $0xB;
	_ =	swait.ge [sflag:s31], $0x4000  }
0xc: {  	s1 =	sadd.s32 s7, s1;
	[sflag:s31] =	ssyncset.done $0x0  }
0xd: {  	s1 =	sadd.s32 $0x800, s1;
	[sflag:s31] =	ssyncadd.s32 $0xFFFFC000  }
0xe: {  	[hbm4b:s1+s4] =	stream.linear.scatter [tilespmem:s6], [sflag:$0x2], $0x4000, $0x38;
	[tilespmem:$0x4100] =	vst v63  }
0xf: {  	_ =	swait.ge [sflag:s30], $0x4000  }
0x10: {  	[sflag:s30] =	ssyncset.done $0x0  }
0x11: {  	[sflag:s30] =	ssyncadd.s32 $0xFFFFC000  }
0x12: {  	_ =	sfence.sel $0x180000  }
0x13: {  	[bflag:$0x0] =	sbarrier.arrive $0xFFFF  }
0x14: {  	p0 =	sne.s32 s2, $0x0;
	_ =	strace $0x9000004A  }
0x15: {  	s0 =	sadd.s32 @!p0 $0x100000, s3;
	[bflag:$0x2] =	sbarrier.arrive $0xFFFF  }
0x16: {  	[sflag:s0] =	ssyncadd.tile.s32 @!p0 $0x1;
	_ =	shalt  }
.Lfunc_end2:
_tile_overlayer_lowered:
.L_overlay_start_2:
0x17: {  	(tag) =	ssettag $0x2  }
0x18: {  	s0 =	rddreg [dreg:$0x0];
	s2 =	stileid.u32  }
0x19: {  	s1 =	rddreg [dreg:$0x1];
	p0 =	sne.s32 s2, $0x0  }
0x1a: {  	s3 =	rddreg [dreg:$0x2];
	[bflag:$0x3] =	sbarrier.arrive $0xFFFF;
	s2 =	simm.s32 @!p0 $0x1C02  }
0x1b: {  	[timem:s3], [sflag:s2] =	dma.local @!p0 [hbm:s0], s1  }
0x1c: {  	s0 =	simm.s32 @!p0 $0x2  }
0x1d: {  	_ =	swait.ge @!p0 [sflag:s0], s1  }
0x1e: {  	s1 =	ssub.s32 @!p0 $0x0, s1;
	[sflag:s0] =	ssyncset.done @!p0 $0x0  }
0x1f: {  	[sflag:s0] =	ssyncadd.s32 @!p0 s1  }
0x20: {  	[bflag:$0x3] =	sbarrier.arrive $0xFFFF  }
0x21: {  	_ =	shalt  }

</sc_bundles>
